<compile_context>
chip_gen: v7x
topology: tpu7x:2x2x1
jax: 0.10.2.dev20260603
libtpu: 0.0.44.dev20260713+nightly
codegen_flags: <defaults>
</compile_context>

<pallas_src>
import functools

import jax
import jax.numpy as jnp
from jax import lax
from jax.experimental import pallas as pl
from jax.experimental.pallas import tpu as pltpu
from jax.experimental.pallas import tpu_sc as plsc

VOCAB = 1000000
EMBED_DIM = 64
RANK = 16


_TCH = 8192
_PC = _TCH // 2
_NSTEP = -(-VOCAB // _TCH)
_NPACK = _NSTEP * _PC


def _fuse_body(t_ref, a_ref, bt_ref, o_ref):
    t = t_ref[...]
    a = a_ref[...]
    bt = bt_ref[...]
    dT = lax.dot_general(bt, a, (((0,), (0,)), ((), ())),
                         preferred_element_type=jnp.float32)
    s = t + dT
    st = jnp.concatenate([s[:, :_PC], s[:, _PC:]], axis=0)
    tiles = [st[:, j * 128:(j + 1) * 128].T for j in range(_PC // 128)]
    o_ref[...] = jnp.concatenate(tiles, axis=0)


def _fuse_table(lora_A, lora_B, table):
    return pl.pallas_call(
        _fuse_body,
        grid=(_NSTEP,),
        in_specs=[
            pl.BlockSpec((EMBED_DIM, _TCH), lambda k: (0, k)),
            pl.BlockSpec((RANK, _TCH), lambda k: (0, k)),
            pl.BlockSpec((RANK, EMBED_DIM), lambda k: (0, 0)),
        ],
        out_specs=pl.BlockSpec((_PC, 128), lambda k: (k, 0)),
        out_shape=jax.ShapeDtypeStruct((_NPACK, 128), jnp.float32),
    )(table.T, lora_A, lora_B.T)



_CHUNK = 128
_K = 5
_NB = 2


def _make_gather(b, s):
    n_tokens = b * s
    info = plsc.get_sparse_core_info()
    nc, ns = info.num_cores, info.num_subcores
    nw = nc * ns
    n_rows = n_tokens // _CHUNK
    rows_per_w = n_rows // nw
    n_batch = rows_per_w // _K
    assert n_tokens % (nw * _CHUNK * _K) == 0
    mesh = plsc.VectorSubcoreMesh(core_axis_name="c", subcore_axis_name="s")

    @functools.partial(
        pl.kernel,
        mesh=mesh,
        compiler_params=pltpu.CompilerParams(use_tc_tiling_on_sc=False),
        out_type=jax.ShapeDtypeStruct((n_rows, _CHUNK, EMBED_DIM),
                                      jnp.float32),
        scratch_types=[
            pltpu.VMEM((_NB, _K, _CHUNK), jnp.int32),
            pltpu.VMEM((_NB, _K, _CHUNK, EMBED_DIM), jnp.float32),
            pltpu.SemaphoreType.DMA((_NB,)),
            pltpu.SemaphoreType.DMA,
            pltpu.SemaphoreType.DMA((_NB,)),
        ],
    )
    def gather(fused_hbm, idx_hbm, out_hbm, idx_v, rows_v, isem, gsem, osem):
        fused2 = fused_hbm
        idx2 = idx_hbm
        out3 = out_hbm
        wid = lax.axis_index("s") * nc + lax.axis_index("c")
        row0 = wid * rows_per_w

        for nb in range(_NB):
            pltpu.async_copy(idx2.at[pl.ds(row0 + nb * _K, _K)],
                             idx_v.at[nb], isem.at[nb])

        def body(g, carry):
            nb = lax.rem(g, _NB)
            r = row0 + g * _K
            pltpu.make_async_copy(idx2.at[pl.ds(r, _K)], idx_v.at[nb],
                                  isem.at[nb]).wait()

            for j in range(_K):
                for i in range(_CHUNK // 16):
                    sl = (nb, j, pl.ds(i * 16, 16))
                    v = idx_v[sl]
                    idx_v[sl] = (((v >> 13) << 13)
                                 + ((v & (_PC - 1)) << 1)
                                 + ((v >> 12) & 1))

            @pl.when(g >= _NB)
            def _():
                pltpu.make_async_copy(rows_v.at[nb],
                                      out3.at[pl.ds(r - _NB * _K, _K)],
                                      osem.at[nb]).wait()

            for j in range(_K):
                pltpu.async_copy(fused2.at[idx_v.at[nb, j]],
                                 rows_v.at[nb, j], gsem)
            for j in range(_K):
                pltpu.make_async_copy(fused2.at[idx_v.at[nb, j]],
                                      rows_v.at[nb, j], gsem).wait()

            @pl.when(g + _NB < n_batch)
            def _():
                pltpu.async_copy(idx2.at[pl.ds(r + _NB * _K, _K)],
                                 idx_v.at[nb], isem.at[nb])

            pltpu.async_copy(rows_v.at[nb], out3.at[pl.ds(r, _K)], osem.at[nb])
            return carry

        lax.fori_loop(0, n_batch, body, 0)

        assert n_batch % _NB == 0
        for nb in range(_NB):
            g = n_batch - _NB + nb
            pltpu.make_async_copy(rows_v.at[nb],
                                  out3.at[pl.ds(row0 + g * _K, _K)],
                                  osem.at[nb]).wait()

    return gather




def _epi_body(i_ref, o_ref):
    v = i_ref[...].reshape(128, 100, 128)
    cols = [v[:, m, :].T for m in range(100)]
    o_ref[...] = jnp.concatenate(cols, axis=0)


def _epilogue(out_lin, b, s):
    n = b * s * EMBED_DIM
    rows = s * EMBED_DIM
    grid = b // 128
    flat = out_lin.reshape(n // 128, 128)
    o = pl.pallas_call(
        _epi_body,
        grid=(grid,),
        in_specs=[pl.BlockSpec((rows, 128), lambda i: (i, 0))],
        out_specs=pl.BlockSpec((rows, 128), lambda i: (0, i)),
        out_shape=jax.ShapeDtypeStruct((rows, b), jnp.float32),
    )(flat)
    return o.reshape(s, EMBED_DIM, b).transpose(2, 0, 1)


def kernel(x, table, lora_A, lora_B):
    fused = _fuse_table(lora_A, lora_B, table)
    fused2 = fused.reshape(2 * _NPACK, EMBED_DIM)
    b, s = x.shape
    x2 = x.astype(jnp.int32).reshape(b * s // _CHUNK, _CHUNK)
    out = _make_gather(b, s)(fused2, x2)
    return _epilogue(out, b, s)

# --- scband reference (transcript-rebuilt; emitter-appended) ---
"""Pipeline reference for scband-vocab-embedding-with-lo-ra-88553635709206 (READ-ONLY COPY).

The authoritative reference and input builder live on the scoring server;
editing this copy changes nothing except your own understanding.
"""

import jax, jax.numpy as jnp
import numpy as np

VOCAB = 1000000
EMBED_DIM = 64
RANK = 16
B, S = 4096, 200

def setup_inputs(seed: int = 0) -> dict:
    key = jax.random.key(seed)
    k1, k2, k3, k4 = jax.random.split(key, 4)
    x = jax.random.randint(k1, (B, S), 0, VOCAB, dtype=jnp.int64 if jax.config.jax_enable_x64 else jnp.int32)
    table = jax.random.normal(k2, (VOCAB, EMBED_DIM), dtype=jnp.float32) * 0.02
    lora_A = jax.random.normal(k3, (RANK, VOCAB), dtype=jnp.float32) * 0.02
    lora_B = jax.random.normal(k4, (EMBED_DIM, RANK), dtype=jnp.float32) * 0.02
    return {"x": x, "table": table, "lora_A": lora_A, "lora_B": lora_B}

def reference(x, table, lora_A, lora_B):
    # Base embedding lookup: gather rows of the main table.
    base_out = jnp.take(table, x, axis=0)  # [B, S, O]
    # LoRA path: F.embedding(x_flat, lora_A.t()) == gather rows of lora_A^T -> [N, r]
    x_flat = x.reshape(-1)
    ar = jnp.take(lora_A.T, x_flat, axis=0)  # [B*S, r]
    lora_out = (ar @ lora_B.T).reshape(x.shape[0], x.shape[1], lora_B.shape[0])  # [B, S, O]
    out = base_out + lora_out
    return out

if __name__ == "__main__":
    import jax
    _d = setup_inputs()
    print(jax.jit(kernel)(*tuple(_d.values())))

</pallas_src>

<mosaic_0001>
#map = affine_map<(d0, d1) -> (0, 0)>
#map1 = affine_map<(d0, d1) -> (0, 0, 0)>
module attributes {stable_mosaic.version = 14 : i64} {
  func.func @gather(%arg0: i32, %arg1: i32, %arg2: memref<1007616x64xf32, #tpu.memory_space<hbm>>, %arg3: memref<6400x128xi32, #tpu.memory_space<hbm>>, %arg4: memref<6400x128x64xf32, #tpu.memory_space<hbm>>, %arg5: memref<2x5x128xi32, #tpu.memory_space<vmem>>, %arg6: memref<2x5x128x64xf32, #tpu.memory_space<vmem>>, %arg7: memref<2x!tpu.dma_semaphore, #tpu.memory_space<semaphore_mem>>, %arg8: memref<!tpu.dma_semaphore, #tpu.memory_space<semaphore_mem>>, %arg9: memref<2x!tpu.dma_semaphore, #tpu.memory_space<semaphore_mem>>) attributes {dimension_semantics = [#tpu.dimension_semantics<core_parallel>, #tpu.dimension_semantics<subcore_parallel>], iteration_bounds = array<i64: 2, 16>, scalar_prefetch = 0 : i64, scratch_operands = 5 : i64, tpu.core_type = #tpu.core_type<sc_vector_subcore>, window_params = [{transform_indices = #map}, {transform_indices = #map}, {transform_indices = #map1}]} {
    %mul3A = arith.constant 2 : i32
    %mul3A_0 = arith.muli %arg1, %mul3A : i32
    %add3A = arith.addi %mul3A_0, %arg0 : i32
    %mul3A_1 = arith.constant 200 : i32
    %mul3A_2 = arith.muli %add3A, %mul3A_1 : i32
    %add3A_3 = arith.constant 0 : i32
    %add3A_4 = arith.addi %mul3A_2, %add3A_3 : i32
    %dma_start3A = arith.constant 0 : i32
    %dma_start3A_5 = arith.constant 0 : i32
    %dma_start3A_6 = arith.constant 0 : i32
    %dma_start3A_7 = arith.constant 0 : i32
    %dma_start3A_8 = tpu.memref_slice %arg5[%dma_start3A, %dma_start3A_6, %dma_start3A_7] : memref<2x5x128xi32, #tpu.memory_space<vmem>> -> memref<1x5x128xi32, #tpu.memory_space<vmem>>
    %dma_start3A_9 = tpu.memref_squeeze %dma_start3A_8 : memref<1x5x128xi32, #tpu.memory_space<vmem>> -> memref<5x128xi32, #tpu.memory_space<vmem>>
    %dma_start3A_10 = arith.constant 0 : i32
    %dma_start3A_11 = tpu.memref_slice %arg3[%add3A_4, %dma_start3A_10] : memref<6400x128xi32, #tpu.memory_space<hbm>> -> memref<5x128xi32, #tpu.memory_space<hbm>>
    %dma_start3A_12 = tpu.memref_slice %arg7[%dma_start3A_5] : memref<2x!tpu.dma_semaphore, #tpu.memory_space<semaphore_mem>> -> memref<1x!tpu.dma_semaphore, #tpu.memory_space<semaphore_mem>>
    %dma_start3A_13 = tpu.memref_squeeze %dma_start3A_12 : memref<1x!tpu.dma_semaphore, #tpu.memory_space<semaphore_mem>> -> memref<!tpu.dma_semaphore, #tpu.memory_space<semaphore_mem>>
    %dma_start3A_14 = arith.constant 0 : i32
    %dma_start3A_15 = arith.constant 0 : i32
    %dma_start3A_16 = tpu.memref_slice %arg5[%dma_start3A, %dma_start3A_14, %dma_start3A_15] : memref<2x5x128xi32, #tpu.memory_space<vmem>> -> memref<1x5x128xi32, #tpu.memory_space<vmem>>
    %dma_start3A_17 = tpu.memref_squeeze %dma_start3A_16 : memref<1x5x128xi32, #tpu.memory_space<vmem>> -> memref<5x128xi32, #tpu.memory_space<vmem>>
    %dma_start3A_18 = arith.constant 0 : i32
    %dma_start3A_19 = tpu.memref_slice %arg3[%add3A_4, %dma_start3A_18] : memref<6400x128xi32, #tpu.memory_space<hbm>> -> memref<5x128xi32, #tpu.memory_space<hbm>>
    tpu.enqueue_dma source(%dma_start3A_19 : memref<5x128xi32, #tpu.memory_space<hbm>>) target(%dma_start3A_17 : memref<5x128xi32, #tpu.memory_space<vmem>>) target_semaphore(%dma_start3A_13 : memref<!tpu.dma_semaphore, #tpu.memory_space<semaphore_mem>>)
    %add3A_20 = arith.constant 5 : i32
    %add3A_21 = arith.addi %mul3A_2, %add3A_20 : i32
    %dma_start3A_22 = arith.constant 1 : i32
    %dma_start3A_23 = arith.constant 1 : i32
    %dma_start3A_24 = arith.constant 0 : i32
    %dma_start3A_25 = arith.constant 0 : i32
    %dma_start3A_26 = tpu.memref_slice %arg5[%dma_start3A_22, %dma_start3A_24, %dma_start3A_25] : memref<2x5x128xi32, #tpu.memory_space<vmem>> -> memref<1x5x128xi32, #tpu.memory_space<vmem>>
    %dma_start3A_27 = tpu.memref_squeeze %dma_start3A_26 : memref<1x5x128xi32, #tpu.memory_space<vmem>> -> memref<5x128xi32, #tpu.memory_space<vmem>>
    %dma_start3A_28 = arith.constant 0 : i32
    %dma_start3A_29 = tpu.memref_slice %arg3[%add3A_21, %dma_start3A_28] : memref<6400x128xi32, #tpu.memory_space<hbm>> -> memref<5x128xi32, #tpu.memory_space<hbm>>
    %dma_start3A_30 = tpu.memref_slice %arg7[%dma_start3A_23] : memref<2x!tpu.dma_semaphore, #tpu.memory_space<semaphore_mem>> -> memref<1x!tpu.dma_semaphore, #tpu.memory_space<semaphore_mem>>
    %dma_start3A_31 = tpu.memref_squeeze %dma_start3A_30 : memref<1x!tpu.dma_semaphore, #tpu.memory_space<semaphore_mem>> -> memref<!tpu.dma_semaphore, #tpu.memory_space<semaphore_mem>>
    %dma_start3A_32 = arith.constant 0 : i32
    %dma_start3A_33 = arith.constant 0 : i32
    %dma_start3A_34 = tpu.memref_slice %arg5[%dma_start3A_22, %dma_start3A_32, %dma_start3A_33] : memref<2x5x128xi32, #tpu.memory_space<vmem>> -> memref<1x5x128xi32, #tpu.memory_space<vmem>>
    %dma_start3A_35 = tpu.memref_squeeze %dma_start3A_34 : memref<1x5x128xi32, #tpu.memory_space<vmem>> -> memref<5x128xi32, #tpu.memory_space<vmem>>
    %dma_start3A_36 = arith.constant 0 : i32
    %dma_start3A_37 = tpu.memref_slice %arg3[%add3A_21, %dma_start3A_36] : memref<6400x128xi32, #tpu.memory_space<hbm>> -> memref<5x128xi32, #tpu.memory_space<hbm>>
    tpu.enqueue_dma source(%dma_start3A_37 : memref<5x128xi32, #tpu.memory_space<hbm>>) target(%dma_start3A_35 : memref<5x128xi32, #tpu.memory_space<vmem>>) target_semaphore(%dma_start3A_31 : memref<!tpu.dma_semaphore, #tpu.memory_space<semaphore_mem>>)
    %scan3A = arith.constant 0 : i32
    %scan3A_38 = arith.constant 0 : i32
    %scan3A_39 = arith.constant 40 : i32
    %scan3A_40 = arith.addi %scan3A_38, %scan3A_39 : i32
    %scan3A_41 = arith.constant 1 : i32
    scf.for %scan3A_86 = %scan3A_38 to %scan3A_40 step %scan3A_41  : i32 {
      %rem3A = arith.constant 2 : i32
      %rem3A_87 = arith.remsi %scan3A_86, %rem3A : i32
      %mul3A_88 = arith.constant 5 : i32
      %mul3A_89 = arith.muli %scan3A_86, %mul3A_88 : i32
      %add3A_90 = arith.addi %mul3A_2, %mul3A_89 : i32
      %dma_wait3A_91 = arith.constant 0 : i32
      %dma_wait3A_92 = arith.constant 0 : i32
      %dma_wait3A_93 = tpu.memref_slice %arg5[%rem3A_87, %dma_wait3A_91, %dma_wait3A_92] : memref<2x5x128xi32, #tpu.memory_space<vmem>> -> memref<1x5x128xi32, #tpu.memory_space<vmem>>
      %dma_wait3A_94 = tpu.memref_squeeze %dma_wait3A_93 : memref<1x5x128xi32, #tpu.memory_space<vmem>> -> memref<5x128xi32, #tpu.memory_space<vmem>>
      %dma_wait3A_95 = arith.constant 0 : i32
      %dma_wait3A_96 = tpu.memref_slice %arg3[%add3A_90, %dma_wait3A_95] : memref<6400x128xi32, #tpu.memory_space<hbm>> -> memref<5x128xi32, #tpu.memory_space<hbm>>
      %dma_wait3A_97 = tpu.memref_slice %arg7[%rem3A_87] : memref<2x!tpu.dma_semaphore, #tpu.memory_space<semaphore_mem>> -> memref<1x!tpu.dma_semaphore, #tpu.memory_space<semaphore_mem>>
      %dma_wait3A_98 = tpu.memref_squeeze %dma_wait3A_97 : memref<1x!tpu.dma_semaphore, #tpu.memory_space<semaphore_mem>> -> memref<!tpu.dma_semaphore, #tpu.memory_space<semaphore_mem>>
      %dma_wait3A_99 = arith.constant 0 : i32
      %dma_wait3A_100 = arith.constant 0 : i32
      %dma_wait3A_101 = tpu.memref_slice %arg5[%rem3A_87, %dma_wait3A_99, %dma_wait3A_100] : memref<2x5x128xi32, #tpu.memory_space<vmem>> -> memref<1x5x128xi32, #tpu.memory_space<vmem>>
      %dma_wait3A_102 = tpu.memref_squeeze %dma_wait3A_101 : memref<1x5x128xi32, #tpu.memory_space<vmem>> -> memref<5x128xi32, #tpu.memory_space<vmem>>
      %dma_wait3A_103 = arith.constant 0 : i32
      %dma_wait3A_104 = tpu.memref_slice %arg3[%add3A_90, %dma_wait3A_103] : memref<6400x128xi32, #tpu.memory_space<hbm>> -> memref<5x128xi32, #tpu.memory_space<hbm>>
      tpu.wait_dma2 semaphore(%dma_wait3A_98 : memref<!tpu.dma_semaphore, #tpu.memory_space<semaphore_mem>>) src(%dma_wait3A_104 : memref<5x128xi32, #tpu.memory_space<hbm>>) dst(%dma_wait3A_102 : memref<5x128xi32, #tpu.memory_space<vmem>>)
      %get3A = arith.constant 0 : i32
      %get3A_105 = arith.index_cast %rem3A_87 : i32 to index
      %get3A_106 = arith.index_cast %get3A : i32 to index
      %get3A_107 = arith.constant 0 : index
      %get3A_108 = tpu.vector_load %arg5[%get3A_105, %get3A_106, %get3A_107] {strides = array<i32>} : memref<2x5x128xi32, #tpu.memory_space<vmem>>, vector<1x1x16xi32>,
      %get3A_109 = vector.shape_cast %get3A_108 : vector<1x1x16xi32> to vector<16xi32>
      %shift_right_arithmetic3A = arith.constant 13 : i32
      %shift_right_arithmetic3A_110 = vector.broadcast %shift_right_arithmetic3A : i32 to vector<16xi32>
      %shift_right_arithmetic3A_111 = arith.shrsi %get3A_109, %shift_right_arithmetic3A_110 : vector<16xi32>
      %shift_left3A = arith.constant 13 : i32
      %shift_left3A_112 = vector.broadcast %shift_left3A : i32 to vector<16xi32>
      %shift_left3A_113 = arith.shli %shift_right_arithmetic3A_111, %shift_left3A_112 : vector<16xi32>
      %and3A = arith.constant 4095 : i32
      %and3A_114 = vector.broadcast %and3A : i32 to vector<16xi32>
      %and3A_115 = arith.andi %get3A_109, %and3A_114 : vector<16xi32>
      %shift_left3A_116 = arith.constant 1 : i32
      %shift_left3A_117 = vector.broadcast %shift_left3A_116 : i32 to vector<16xi32>
      %shift_left3A_118 = arith.shli %and3A_115, %shift_left3A_117 : vector<16xi32>
      %add3A_119 = arith.addi %shift_left3A_113, %shift_left3A_118 : vector<16xi32>
      %shift_right_arithmetic3A_120 = arith.constant 12 : i32
      %shift_right_arithmetic3A_121 = vector.broadcast %shift_right_arithmetic3A_120 : i32 to vector<16xi32>
      %shift_right_arithmetic3A_122 = arith.shrsi %get3A_109, %shift_right_arithmetic3A_121 : vector<16xi32>
      %and3A_123 = arith.constant 1 : i32
      %and3A_124 = vector.broadcast %and3A_123 : i32 to vector<16xi32>
      %and3A_125 = arith.andi %shift_right_arithmetic3A_122, %and3A_124 : vector<16xi32>
      %add3A_126 = arith.addi %add3A_119, %and3A_125 : vector<16xi32>
      %swap3A = arith.constant 0 : i32
      %swap3A_127 = arith.index_cast %rem3A_87 : i32 to index
      %swap3A_128 = arith.index_cast %swap3A : i32 to index
      %swap3A_129 = arith.constant 0 : index
      %swap3A_130 = tpu.vector_load %arg5[%swap3A_127, %swap3A_128, %swap3A_129] {strides = array<i32>} : memref<2x5x128xi32, #tpu.memory_space<vmem>>, vector<1x1x16xi32>,
      %swap3A_131 = vector.shape_cast %swap3A_130 : vector<1x1x16xi32> to vector<16xi32>
      %swap3A_132 = vector.shape_cast %add3A_126 : vector<16xi32> to vector<1x1x16xi32>
      tpu.vector_store %arg5[%swap3A_127, %swap3A_128, %swap3A_129], %swap3A_132 {strides = array<i32>} : memref<2x5x128xi32, #tpu.memory_space<vmem>>, vector<1x1x16xi32>,
      %get3A_133 = arith.constant 0 : i32
      %get3A_134 = arith.index_cast %rem3A_87 : i32 to index
      %get3A_135 = arith.index_cast %get3A_133 : i32 to index
      %get3A_136 = arith.constant 16 : index
      %get3A_137 = tpu.vector_load %arg5[%get3A_134, %get3A_135, %get3A_136] {strides = array<i32>} : memref<2x5x128xi32, #tpu.memory_space<vmem>>, vector<1x1x16xi32>,
      %get3A_138 = vector.shape_cast %get3A_137 : vector<1x1x16xi32> to vector<16xi32>
      %shift_right_arithmetic3A_139 = arith.constant 13 : i32
      %shift_right_arithmetic3A_140 = vector.broadcast %shift_right_arithmetic3A_139 : i32 to vector<16xi32>
      %shift_right_arithmetic3A_141 = arith.shrsi %get3A_138, %shift_right_arithmetic3A_140 : vector<16xi32>
      %shift_left3A_142 = arith.constant 13 : i32
      %shift_left3A_143 = vector.broadcast %shift_left3A_142 : i32 to vector<16xi32>
      %shift_left3A_144 = arith.shli %shift_right_arithmetic3A_141, %shift_left3A_143 : vector<16xi32>
      %and3A_145 = arith.constant 4095 : i32
      %and3A_146 = vector.broadcast %and3A_145 : i32 to vector<16xi32>
      %and3A_147 = arith.andi %get3A_138, %and3A_146 : vector<16xi32>
      %shift_left3A_148 = arith.constant 1 : i32
      %shift_left3A_149 = vector.broadcast %shift_left3A_148 : i32 to vector<16xi32>
      %shift_left3A_150 = arith.shli %and3A_147, %shift_left3A_149 : vector<16xi32>
      %add3A_151 = arith.addi %shift_left3A_144, %shift_left3A_150 : vector<16xi32>
      %shift_right_arithmetic3A_152 = arith.constant 12 : i32
      %shift_right_arithmetic3A_153 = vector.broadcast %shift_right_arithmetic3A_152 : i32 to vector<16xi32>
      %shift_right_arithmetic3A_154 = arith.shrsi %get3A_138, %shift_right_arithmetic3A_153 : vector<16xi32>
      %and3A_155 = arith.constant 1 : i32
      %and3A_156 = vector.broadcast %and3A_155 : i32 to vector<16xi32>
      %and3A_157 = arith.andi %shift_right_arithmetic3A_154, %and3A_156 : vector<16xi32>
      %add3A_158 = arith.addi %add3A_151, %and3A_157 : vector<16xi32>
      %swap3A_159 = arith.constant 0 : i32
      %swap3A_160 = arith.index_cast %rem3A_87 : i32 to index
      %swap3A_161 = arith.index_cast %swap3A_159 : i32 to index
      %swap3A_162 = arith.constant 16 : index
      %swap3A_163 = tpu.vector_load %arg5[%swap3A_160, %swap3A_161, %swap3A_162] {strides = array<i32>} : memref<2x5x128xi32, #tpu.memory_space<vmem>>, vector<1x1x16xi32>,
      %swap3A_164 = vector.shape_cast %swap3A_163 : vector<1x1x16xi32> to vector<16xi32>
      %swap3A_165 = vector.shape_cast %add3A_158 : vector<16xi32> to vector<1x1x16xi32>
      tpu.vector_store %arg5[%swap3A_160, %swap3A_161, %swap3A_162], %swap3A_165 {strides = array<i32>} : memref<2x5x128xi32, #tpu.memory_space<vmem>>, vector<1x1x16xi32>,
      %get3A_166 = arith.constant 0 : i32
      %get3A_167 = arith.index_cast %rem3A_87 : i32 to index
      %get3A_168 = arith.index_cast %get3A_166 : i32 to index
      %get3A_169 = arith.constant 32 : index
      %get3A_170 = tpu.vector_load %arg5[%get3A_167, %get3A_168, %get3A_169] {strides = array<i32>} : memref<2x5x128xi32, #tpu.memory_space<vmem>>, vector<1x1x16xi32>,
      %get3A_171 = vector.shape_cast %get3A_170 : vector<1x1x16xi32> to vector<16xi32>
      %shift_right_arithmetic3A_172 = arith.constant 13 : i32
      %shift_right_arithmetic3A_173 = vector.broadcast %shift_right_arithmetic3A_172 : i32 to vector<16xi32>
      %shift_right_arithmetic3A_174 = arith.shrsi %get3A_171, %shift_right_arithmetic3A_173 : vector<16xi32>
      %shift_left3A_175 = arith.constant 13 : i32
      %shift_left3A_176 = vector.broadcast %shift_left3A_175 : i32 to vector<16xi32>
      %shift_left3A_177 = arith.shli %shift_right_arithmetic3A_174, %shift_left3A_176 : vector<16xi32>
      %and3A_178 = arith.constant 4095 : i32
      %and3A_179 = vector.broadcast %and3A_178 : i32 to vector<16xi32>
      %and3A_180 = arith.andi %get3A_171, %and3A_179 : vector<16xi32>
      %shift_left3A_181 = arith.constant 1 : i32
      %shift_left3A_182 = vector.broadcast %shift_left3A_181 : i32 to vector<16xi32>
      %shift_left3A_183 = arith.shli %and3A_180, %shift_left3A_182 : vector<16xi32>
      %add3A_184 = arith.addi %shift_left3A_177, %shift_left3A_183 : vector<16xi32>
      %shift_right_arithmetic3A_185 = arith.constant 12 : i32
      %shift_right_arithmetic3A_186 = vector.broadcast %shift_right_arithmetic3A_185 : i32 to vector<16xi32>
      %shift_right_arithmetic3A_187 = arith.shrsi %get3A_171, %shift_right_arithmetic3A_186 : vector<16xi32>
      %and3A_188 = arith.constant 1 : i32
      %and3A_189 = vector.broadcast %and3A_188 : i32 to vector<16xi32>
      %and3A_190 = arith.andi %shift_right_arithmetic3A_187, %and3A_189 : vector<16xi32>
      %add3A_191 = arith.addi %add3A_184, %and3A_190 : vector<16xi32>
      %swap3A_192 = arith.constant 0 : i32
      %swap3A_193 = arith.index_cast %rem3A_87 : i32 to index
      %swap3A_194 = arith.index_cast %swap3A_192 : i32 to index
      %swap3A_195 = arith.constant 32 : index
      %swap3A_196 = tpu.vector_load %arg5[%swap3A_193, %swap3A_194, %swap3A_195] {strides = array<i32>} : memref<2x5x128xi32, #tpu.memory_space<vmem>>, vector<1x1x16xi32>,
      %swap3A_197 = vector.shape_cast %swap3A_196 : vector<1x1x16xi32> to vector<16xi32>
      %swap3A_198 = vector.shape_cast %add3A_191 : vector<16xi32> to vector<1x1x16xi32>
      tpu.vector_store %arg5[%swap3A_193, %swap3A_194, %swap3A_195], %swap3A_198 {strides = array<i32>} : memref<2x5x128xi32, #tpu.memory_space<vmem>>, vector<1x1x16xi32>,
      %get3A_199 = arith.constant 0 : i32
      %get3A_200 = arith.index_cast %rem3A_87 : i32 to index
      %get3A_201 = arith.index_cast %get3A_199 : i32 to index
      %get3A_202 = arith.constant 48 : index
      %get3A_203 = tpu.vector_load %arg5[%get3A_200, %get3A_201, %get3A_202] {strides = array<i32>} : memref<2x5x128xi32, #tpu.memory_space<vmem>>, vector<1x1x16xi32>,
      %get3A_204 = vector.shape_cast %get3A_203 : vector<1x1x16xi32> to vector<16xi32>
      %shift_right_arithmetic3A_205 = arith.constant 13 : i32
      %shift_right_arithmetic3A_206 = vector.broadcast %shift_right_arithmetic3A_205 : i32 to vector<16xi32>
      %shift_right_arithmetic3A_207 = arith.shrsi %get3A_204, %shift_right_arithmetic3A_206 : vector<16xi32>
      %shift_left3A_208 = arith.constant 13 : i32
      %shift_left3A_209 = vector.broadcast %shift_left3A_208 : i32 to vector<16xi32>
      %shift_left3A_210 = arith.shli %shift_right_arithmetic3A_207, %shift_left3A_209 : vector<16xi32>
      %and3A_211 = arith.constant 4095 : i32
      %and3A_212 = vector.broadcast %and3A_211 : i32 to vector<16xi32>
      %and3A_213 = arith.andi %get3A_204, %and3A_212 : vector<16xi32>
      %shift_left3A_214 = arith.constant 1 : i32
      %shift_left3A_215 = vector.broadcast %shift_left3A_214 : i32 to vector<16xi32>
      %shift_left3A_216 = arith.shli %and3A_213, %shift_left3A_215 : vector<16xi32>
      %add3A_217 = arith.addi %shift_left3A_210, %shift_left3A_216 : vector<16xi32>
      %shift_right_arithmetic3A_218 = arith.constant 12 : i32
      %shift_right_arithmetic3A_219 = vector.broadcast %shift_right_arithmetic3A_218 : i32 to vector<16xi32>
      %shift_right_arithmetic3A_220 = arith.shrsi %get3A_204, %shift_right_arithmetic3A_219 : vector<16xi32>
      %and3A_221 = arith.constant 1 : i32
      %and3A_222 = vector.broadcast %and3A_221 : i32 to vector<16xi32>
      %and3A_223 = arith.andi %shift_right_arithmetic3A_220, %and3A_222 : vector<16xi32>
      %add3A_224 = arith.addi %add3A_217, %and3A_223 : vector<16xi32>
      %swap3A_225 = arith.constant 0 : i32
      %swap3A_226 = arith.index_cast %rem3A_87 : i32 to index
      %swap3A_227 = arith.index_cast %swap3A_225 : i32 to index
      %swap3A_228 = arith.constant 48 : index
      %swap3A_229 = tpu.vector_load %arg5[%swap3A_226, %swap3A_227, %swap3A_228] {strides = array<i32>} : memref<2x5x128xi32, #tpu.memory_space<vmem>>, vector<1x1x16xi32>,
      %swap3A_230 = vector.shape_cast %swap3A_229 : vector<1x1x16xi32> to vector<16xi32>
      %swap3A_231 = vector.shape_cast %add3A_224 : vector<16xi32> to vector<1x1x16xi32>
      tpu.vector_store %arg5[%swap3A_226, %swap3A_227, %swap3A_228], %swap3A_231 {strides = array<i32>} : memref<2x5x128xi32, #tpu.memory_space<vmem>>, vector<1x1x16xi32>,
      %get3A_232 = arith.constant 0 : i32
      %get3A_233 = arith.index_cast %rem3A_87 : i32 to index
      %get3A_234 = arith.index_cast %get3A_232 : i32 to index
      %get3A_235 = arith.constant 64 : index
      %get3A_236 = tpu.vector_load %arg5[%get3A_233, %get3A_234, %get3A_235] {strides = array<i32>} : memref<2x5x128xi32, #tpu.memory_space<vmem>>, vector<1x1x16xi32>,
      %get3A_237 = vector.shape_cast %get3A_236 : vector<1x1x16xi32> to vector<16xi32>
      %shift_right_arithmetic3A_238 = arith.constant 13 : i32
      %shift_right_arithmetic3A_239 = vector.broadcast %shift_right_arithmetic3A_238 : i32 to vector<16xi32>
      %shift_right_arithmetic3A_240 = arith.shrsi %get3A_237, %shift_right_arithmetic3A_239 : vector<16xi32>
      %shift_left3A_241 = arith.constant 13 : i32
      %shift_left3A_242 = vector.broadcast %shift_left3A_241 : i32 to vector<16xi32>
      %shift_left3A_243 = arith.shli %shift_right_arithmetic3A_240, %shift_left3A_242 : vector<16xi32>
      %and3A_244 = arith.constant 4095 : i32
      %and3A_245 = vector.broadcast %and3A_244 : i32 to vector<16xi32>
      %and3A_246 = arith.andi %get3A_237, %and3A_245 : vector<16xi32>
      %shift_left3A_247 = arith.constant 1 : i32
      %shift_left3A_248 = vector.broadcast %shift_left3A_247 : i32 to vector<16xi32>
      %shift_left3A_249 = arith.shli %and3A_246, %shift_left3A_248 : vector<16xi32>
      %add3A_250 = arith.addi %shift_left3A_243, %shift_left3A_249 : vector<16xi32>
      %shift_right_arithmetic3A_251 = arith.constant 12 : i32
      %shift_right_arithmetic3A_252 = vector.broadcast %shift_right_arithmetic3A_251 : i32 to vector<16xi32>
      %shift_right_arithmetic3A_253 = arith.shrsi %get3A_237, %shift_right_arithmetic3A_252 : vector<16xi32>
      %and3A_254 = arith.constant 1 : i32
      %and3A_255 = vector.broadcast %and3A_254 : i32 to vector<16xi32>
      %and3A_256 = arith.andi %shift_right_arithmetic3A_253, %and3A_255 : vector<16xi32>
      %add3A_257 = arith.addi %add3A_250, %and3A_256 : vector<16xi32>
      %swap3A_258 = arith.constant 0 : i32
      %swap3A_259 = arith.index_cast %rem3A_87 : i32 to index
      %swap3A_260 = arith.index_cast %swap3A_258 : i32 to index
      %swap3A_261 = arith.constant 64 : index
      %swap3A_262 = tpu.vector_load %arg5[%swap3A_259, %swap3A_260, %swap3A_261] {strides = array<i32>} : memref<2x5x128xi32, #tpu.memory_space<vmem>>, vector<1x1x16xi32>,
      %swap3A_263 = vector.shape_cast %swap3A_262 : vector<1x1x16xi32> to vector<16xi32>
      %swap3A_264 = vector.shape_cast %add3A_257 : vector<16xi32> to vector<1x1x16xi32>
      tpu.vector_store %arg5[%swap3A_259, %swap3A_260, %swap3A_261], %swap3A_264 {strides = array<i32>} : memref<2x5x128xi32, #tpu.memory_space<vmem>>, vector<1x1x16xi32>,
      %get3A_265 = arith.constant 0 : i32
      %get3A_266 = arith.index_cast %rem3A_87 : i32 to index
      %get3A_267 = arith.index_cast %get3A_265 : i32 to index
      %get3A_268 = arith.constant 80 : index
      %get3A_269 = tpu.vector_load %arg5[%get3A_266, %get3A_267, %get3A_268] {strides = array<i32>} : memref<2x5x128xi32, #tpu.memory_space<vmem>>, vector<1x1x16xi32>,
      %get3A_270 = vector.shape_cast %get3A_269 : vector<1x1x16xi32> to vector<16xi32>
      %shift_right_arithmetic3A_271 = arith.constant 13 : i32
      %shift_right_arithmetic3A_272 = vector.broadcast %shift_right_arithmetic3A_271 : i32 to vector<16xi32>
      %shift_right_arithmetic3A_273 = arith.shrsi %get3A_270, %shift_right_arithmetic3A_272 : vector<16xi32>
      %shift_left3A_274 = arith.constant 13 : i32
      %shift_left3A_275 = vector.broadcast %shift_left3A_274 : i32 to vector<16xi32>
      %shift_left3A_276 = arith.shli %shift_right_arithmetic3A_273, %shift_left3A_275 : vector<16xi32>
      %and3A_277 = arith.constant 4095 : i32
      %and3A_278 = vector.broadcast %and3A_277 : i32 to vector<16xi32>
      %and3A_279 = arith.andi %get3A_270, %and3A_278 : vector<16xi32>
      %shift_left3A_280 = arith.constant 1 : i32
      %shift_left3A_281 = vector.broadcast %shift_left3A_280 : i32 to vector<16xi32>
      %shift_left3A_282 = arith.shli %and3A_279, %shift_left3A_281 : vector<16xi32>
      %add3A_283 = arith.addi %shift_left3A_276, %shift_left3A_282 : vector<16xi32>
      %shift_right_arithmetic3A_284 = arith.constant 12 : i32
      %shift_right_arithmetic3A_285 = vector.broadcast %shift_right_arithmetic3A_284 : i32 to vector<16xi32>
      %shift_right_arithmetic3A_286 = arith.shrsi %get3A_270, %shift_right_arithmetic3A_285 : vector<16xi32>
      %and3A_287 = arith.constant 1 : i32
      %and3A_288 = vector.broadcast %and3A_287 : i32 to vector<16xi32>
      %and3A_289 = arith.andi %shift_right_arithmetic3A_286, %and3A_288 : vector<16xi32>
      %add3A_290 = arith.addi %add3A_283, %and3A_289 : vector<16xi32>
      %swap3A_291 = arith.constant 0 : i32
      %swap3A_292 = arith.index_cast %rem3A_87 : i32 to index
      %swap3A_293 = arith.index_cast %swap3A_291 : i32 to index
      %swap3A_294 = arith.constant 80 : index
      %swap3A_295 = tpu.vector_load %arg5[%swap3A_292, %swap3A_293, %swap3A_294] {strides = array<i32>} : memref<2x5x128xi32, #tpu.memory_space<vmem>>, vector<1x1x16xi32>,
      %swap3A_296 = vector.shape_cast %swap3A_295 : vector<1x1x16xi32> to vector<16xi32>
      %swap3A_297 = vector.shape_cast %add3A_290 : vector<16xi32> to vector<1x1x16xi32>
      tpu.vector_store %arg5[%swap3A_292, %swap3A_293, %swap3A_294], %swap3A_297 {strides = array<i32>} : memref<2x5x128xi32, #tpu.memory_space<vmem>>, vector<1x1x16xi32>,
      %get3A_298 = arith.constant 0 : i32
      %get3A_299 = arith.index_cast %rem3A_87 : i32 to index
      %get3A_300 = arith.index_cast %get3A_298 : i32 to index
      %get3A_301 = arith.constant 96 : index
      %get3A_302 = tpu.vector_load %arg5[%get3A_299, %get3A_300, %get3A_301] {strides = array<i32>} : memref<2x5x128xi32, #tpu.memory_space<vmem>>, vector<1x1x16xi32>,
      %get3A_303 = vector.shape_cast %get3A_302 : vector<1x1x16xi32> to vector<16xi32>
      %shift_right_arithmetic3A_304 = arith.constant 13 : i32
      %shift_right_arithmetic3A_305 = vector.broadcast %shift_right_arithmetic3A_304 : i32 to vector<16xi32>
      %shift_right_arithmetic3A_306 = arith.shrsi %get3A_303, %shift_right_arithmetic3A_305 : vector<16xi32>
      %shift_left3A_307 = arith.constant 13 : i32
      %shift_left3A_308 = vector.broadcast %shift_left3A_307 : i32 to vector<16xi32>
      %shift_left3A_309 = arith.shli %shift_right_arithmetic3A_306, %shift_left3A_308 : vector<16xi32>
      %and3A_310 = arith.constant 4095 : i32
      %and3A_311 = vector.broadcast %and3A_310 : i32 to vector<16xi32>
      %and3A_312 = arith.andi %get3A_303, %and3A_311 : vector<16xi32>
      %shift_left3A_313 = arith.constant 1 : i32
      %shift_left3A_314 = vector.broadcast %shift_left3A_313 : i32 to vector<16xi32>
      %shift_left3A_315 = arith.shli %and3A_312, %shift_left3A_314 : vector<16xi32>
      %add3A_316 = arith.addi %shift_left3A_309, %shift_left3A_315 : vector<16xi32>
      %shift_right_arithmetic3A_317 = arith.constant 12 : i32
      %shift_right_arithmetic3A_318 = vector.broadcast %shift_right_arithmetic3A_317 : i32 to vector<16xi32>
      %shift_right_arithmetic3A_319 = arith.shrsi %get3A_303, %shift_right_arithmetic3A_318 : vector<16xi32>
      %and3A_320 = arith.constant 1 : i32
      %and3A_321 = vector.broadcast %and3A_320 : i32 to vector<16xi32>
      %and3A_322 = arith.andi %shift_right_arithmetic3A_319, %and3A_321 : vector<16xi32>
      %add3A_323 = arith.addi %add3A_316, %and3A_322 : vector<16xi32>
      %swap3A_324 = arith.constant 0 : i32
      %swap3A_325 = arith.index_cast %rem3A_87 : i32 to index
      %swap3A_326 = arith.index_cast %swap3A_324 : i32 to index
      %swap3A_327 = arith.constant 96 : index
      %swap3A_328 = tpu.vector_load %arg5[%swap3A_325, %swap3A_326, %swap3A_327] {strides = array<i32>} : memref<2x5x128xi32, #tpu.memory_space<vmem>>, vector<1x1x16xi32>,
      %swap3A_329 = vector.shape_cast %swap3A_328 : vector<1x1x16xi32> to vector<16xi32>
      %swap3A_330 = vector.shape_cast %add3A_323 : vector<16xi32> to vector<1x1x16xi32>
      tpu.vector_store %arg5[%swap3A_325, %swap3A_326, %swap3A_327], %swap3A_330 {strides = array<i32>} : memref<2x5x128xi32, #tpu.memory_space<vmem>>, vector<1x1x16xi32>,
      %get3A_331 = arith.constant 0 : i32
      %get3A_332 = arith.index_cast %rem3A_87 : i32 to index
      %get3A_333 = arith.index_cast %get3A_331 : i32 to index
      %get3A_334 = arith.constant 112 : index
      %get3A_335 = tpu.vector_load %arg5[%get3A_332, %get3A_333, %get3A_334] {strides = array<i32>} : memref<2x5x128xi32, #tpu.memory_space<vmem>>, vector<1x1x16xi32>,
      %get3A_336 = vector.shape_cast %get3A_335 : vector<1x1x16xi32> to vector<16xi32>
      %shift_right_arithmetic3A_337 = arith.constant 13 : i32
      %shift_right_arithmetic3A_338 = vector.broadcast %shift_right_arithmetic3A_337 : i32 to vector<16xi32>
      %shift_right_arithmetic3A_339 = arith.shrsi %get3A_336, %shift_right_arithmetic3A_338 : vector<16xi32>
      %shift_left3A_340 = arith.constant 13 : i32
      %shift_left3A_341 = vector.broadcast %shift_left3A_340 : i32 to vector<16xi32>
      %shift_left3A_342 = arith.shli %shift_right_arithmetic3A_339, %shift_left3A_341 : vector<16xi32>
      %and3A_343 = arith.constant 4095 : i32
      %and3A_344 = vector.broadcast %and3A_343 : i32 to vector<16xi32>
      %and3A_345 = arith.andi %get3A_336, %and3A_344 : vector<16xi32>
      %shift_left3A_346 = arith.constant 1 : i32
      %shift_left3A_347 = vector.broadcast %shift_left3A_346 : i32 to vector<16xi32>
      %shift_left3A_348 = arith.shli %and3A_345, %shift_left3A_347 : vector<16xi32>
      %add3A_349 = arith.addi %shift_left3A_342, %shift_left3A_348 : vector<16xi32>
      %shift_right_arithmetic3A_350 = arith.constant 12 : i32
      %shift_right_arithmetic3A_351 = vector.broadcast %shift_right_arithmetic3A_350 : i32 to vector<16xi32>
      %shift_right_arithmetic3A_352 = arith.shrsi %get3A_336, %shift_right_arithmetic3A_351 : vector<16xi32>
      %and3A_353 = arith.constant 1 : i32
      %and3A_354 = vector.broadcast %and3A_353 : i32 to vector<16xi32>
      %and3A_355 = arith.andi %shift_right_arithmetic3A_352, %and3A_354 : vector<16xi32>
      %add3A_356 = arith.addi %add3A_349, %and3A_355 : vector<16xi32>
      %swap3A_357 = arith.constant 0 : i32
      %swap3A_358 = arith.index_cast %rem3A_87 : i32 to index
      %swap3A_359 = arith.index_cast %swap3A_357 : i32 to index
      %swap3A_360 = arith.constant 112 : index
      %swap3A_361 = tpu.vector_load %arg5[%swap3A_358, %swap3A_359, %swap3A_360] {strides = array<i32>} : memref<2x5x128xi32, #tpu.memory_space<vmem>>, vector<1x1x16xi32>,
      %swap3A_362 = vector.shape_cast %swap3A_361 : vector<1x1x16xi32> to vector<16xi32>
      %swap3A_363 = vector.shape_cast %add3A_356 : vector<16xi32> to vector<1x1x16xi32>
      tpu.vector_store %arg5[%swap3A_358, %swap3A_359, %swap3A_360], %swap3A_363 {strides = array<i32>} : memref<2x5x128xi32, #tpu.memory_space<vmem>>, vector<1x1x16xi32>,
      %get3A_364 = arith.constant 1 : i32
      %get3A_365 = arith.index_cast %rem3A_87 : i32 to index
      %get3A_366 = arith.index_cast %get3A_364 : i32 to index
      %get3A_367 = arith.constant 0 : index
      %get3A_368 = tpu.vector_load %arg5[%get3A_365, %get3A_366, %get3A_367] {strides = array<i32>} : memref<2x5x128xi32, #tpu.memory_space<vmem>>, vector<1x1x16xi32>,
      %get3A_369 = vector.shape_cast %get3A_368 : vector<1x1x16xi32> to vector<16xi32>
      %shift_right_arithmetic3A_370 = arith.constant 13 : i32
      %shift_right_arithmetic3A_371 = vector.broadcast %shift_right_arithmetic3A_370 : i32 to vector<16xi32>
      %shift_right_arithmetic3A_372 = arith.shrsi %get3A_369, %shift_right_arithmetic3A_371 : vector<16xi32>
      %shift_left3A_373 = arith.constant 13 : i32
      %shift_left3A_374 = vector.broadcast %shift_left3A_373 : i32 to vector<16xi32>
      %shift_left3A_375 = arith.shli %shift_right_arithmetic3A_372, %shift_left3A_374 : vector<16xi32>
      %and3A_376 = arith.constant 4095 : i32
      %and3A_377 = vector.broadcast %and3A_376 : i32 to vector<16xi32>
      %and3A_378 = arith.andi %get3A_369, %and3A_377 : vector<16xi32>
      %shift_left3A_379 = arith.constant 1 : i32
      %shift_left3A_380 = vector.broadcast %shift_left3A_379 : i32 to vector<16xi32>
      %shift_left3A_381 = arith.shli %and3A_378, %shift_left3A_380 : vector<16xi32>
      %add3A_382 = arith.addi %shift_left3A_375, %shift_left3A_381 : vector<16xi32>
      %shift_right_arithmetic3A_383 = arith.constant 12 : i32
      %shift_right_arithmetic3A_384 = vector.broadcast %shift_right_arithmetic3A_383 : i32 to vector<16xi32>
      %shift_right_arithmetic3A_385 = arith.shrsi %get3A_369, %shift_right_arithmetic3A_384 : vector<16xi32>
      %and3A_386 = arith.constant 1 : i32
      %and3A_387 = vector.broadcast %and3A_386 : i32 to vector<16xi32>
      %and3A_388 = arith.andi %shift_right_arithmetic3A_385, %and3A_387 : vector<16xi32>
      %add3A_389 = arith.addi %add3A_382, %and3A_388 : vector<16xi32>
      %swap3A_390 = arith.constant 1 : i32
      %swap3A_391 = arith.index_cast %rem3A_87 : i32 to index
      %swap3A_392 = arith.index_cast %swap3A_390 : i32 to index
      %swap3A_393 = arith.constant 0 : index
      %swap3A_394 = tpu.vector_load %arg5[%swap3A_391, %swap3A_392, %swap3A_393] {strides = array<i32>} : memref<2x5x128xi32, #tpu.memory_space<vmem>>, vector<1x1x16xi32>,
      %swap3A_395 = vector.shape_cast %swap3A_394 : vector<1x1x16xi32> to vector<16xi32>
      %swap3A_396 = vector.shape_cast %add3A_389 : vector<16xi32> to vector<1x1x16xi32>
      tpu.vector_store %arg5[%swap3A_391, %swap3A_392, %swap3A_393], %swap3A_396 {strides = array<i32>} : memref<2x5x128xi32, #tpu.memory_space<vmem>>, vector<1x1x16xi32>,
      %get3A_397 = arith.constant 1 : i32
      %get3A_398 = arith.index_cast %rem3A_87 : i32 to index
      %get3A_399 = arith.index_cast %get3A_397 : i32 to index
      %get3A_400 = arith.constant 16 : index
      %get3A_401 = tpu.vector_load %arg5[%get3A_398, %get3A_399, %get3A_400] {strides = array<i32>} : memref<2x5x128xi32, #tpu.memory_space<vmem>>, vector<1x1x16xi32>,
      %get3A_402 = vector.shape_cast %get3A_401 : vector<1x1x16xi32> to vector<16xi32>
      %shift_right_arithmetic3A_403 = arith.constant 13 : i32
      %shift_right_arithmetic3A_404 = vector.broadcast %shift_right_arithmetic3A_403 : i32 to vector<16xi32>
      %shift_right_arithmetic3A_405 = arith.shrsi %get3A_402, %shift_right_arithmetic3A_404 : vector<16xi32>
      %shift_left3A_406 = arith.constant 13 : i32
      %shift_left3A_407 = vector.broadcast %shift_left3A_406 : i32 to vector<16xi32>
      %shift_left3A_408 = arith.shli %shift_right_arithmetic3A_405, %shift_left3A_407 : vector<16xi32>
      %and3A_409 = arith.constant 4095 : i32
      %and3A_410 = vector.broadcast %and3A_409 : i32 to vector<16xi32>
      %and3A_411 = arith.andi %get3A_402, %and3A_410 : vector<16xi32>
      %shift_left3A_412 = arith.constant 1 : i32
      %shift_left3A_413 = vector.broadcast %shift_left3A_412 : i32 to vector<16xi32>
      %shift_left3A_414 = arith.shli %and3A_411, %shift_left3A_413 : vector<16xi32>
      %add3A_415 = arith.addi %shift_left3A_408, %shift_left3A_414 : vector<16xi32>
      %shift_right_arithmetic3A_416 = arith.constant 12 : i32
      %shift_right_arithmetic3A_417 = vector.broadcast %shift_right_arithmetic3A_416 : i32 to vector<16xi32>
      %shift_right_arithmetic3A_418 = arith.shrsi %get3A_402, %shift_right_arithmetic3A_417 : vector<16xi32>
      %and3A_419 = arith.constant 1 : i32
      %and3A_420 = vector.broadcast %and3A_419 : i32 to vector<16xi32>
      %and3A_421 = arith.andi %shift_right_arithmetic3A_418, %and3A_420 : vector<16xi32>
      %add3A_422 = arith.addi %add3A_415, %and3A_421 : vector<16xi32>
      %swap3A_423 = arith.constant 1 : i32
      %swap3A_424 = arith.index_cast %rem3A_87 : i32 to index
      %swap3A_425 = arith.index_cast %swap3A_423 : i32 to index
      %swap3A_426 = arith.constant 16 : index
      %swap3A_427 = tpu.vector_load %arg5[%swap3A_424, %swap3A_425, %swap3A_426] {strides = array<i32>} : memref<2x5x128xi32, #tpu.memory_space<vmem>>, vector<1x1x16xi32>,
      %swap3A_428 = vector.shape_cast %swap3A_427 : vector<1x1x16xi32> to vector<16xi32>
      %swap3A_429 = vector.shape_cast %add3A_422 : vector<16xi32> to vector<1x1x16xi32>
      tpu.vector_store %arg5[%swap3A_424, %swap3A_425, %swap3A_426], %swap3A_429 {strides = array<i32>} : memref<2x5x128xi32, #tpu.memory_space<vmem>>, vector<1x1x16xi32>,
      %get3A_430 = arith.constant 1 : i32
      %get3A_431 = arith.index_cast %rem3A_87 : i32 to index
      %get3A_432 = arith.index_cast %get3A_430 : i32 to index
      %get3A_433 = arith.constant 32 : index
      %get3A_434 = tpu.vector_load %arg5[%get3A_431, %get3A_432, %get3A_433] {strides = array<i32>} : memref<2x5x128xi32, #tpu.memory_space<vmem>>, vector<1x1x16xi32>,
      %get3A_435 = vector.shape_cast %get3A_434 : vector<1x1x16xi32> to vector<16xi32>
      %shift_right_arithmetic3A_436 = arith.constant 13 : i32
      %shift_right_arithmetic3A_437 = vector.broadcast %shift_right_arithmetic3A_436 : i32 to vector<16xi32>
      %shift_right_arithmetic3A_438 = arith.shrsi %get3A_435, %shift_right_arithmetic3A_437 : vector<16xi32>
      %shift_left3A_439 = arith.constant 13 : i32
      %shift_left3A_440 = vector.broadcast %shift_left3A_439 : i32 to vector<16xi32>
      %shift_left3A_441 = arith.shli %shift_right_arithmetic3A_438, %shift_left3A_440 : vector<16xi32>
      %and3A_442 = arith.constant 4095 : i32
      %and3A_443 = vector.broadcast %and3A_442 : i32 to vector<16xi32>
      %and3A_444 = arith.andi %get3A_435, %and3A_443 : vector<16xi32>
      %shift_left3A_445 = arith.constant 1 : i32
      %shift_left3A_446 = vector.broadcast %shift_left3A_445 : i32 to vector<16xi32>
      %shift_left3A_447 = arith.shli %and3A_444, %shift_left3A_446 : vector<16xi32>
      %add3A_448 = arith.addi %shift_left3A_441, %shift_left3A_447 : vector<16xi32>
      %shift_right_arithmetic3A_449 = arith.constant 12 : i32
      %shift_right_arithmetic3A_450 = vector.broadcast %shift_right_arithmetic3A_449 : i32 to vector<16xi32>
      %shift_right_arithmetic3A_451 = arith.shrsi %get3A_435, %shift_right_arithmetic3A_450 : vector<16xi32>
      %and3A_452 = arith.constant 1 : i32
      %and3A_453 = vector.broadcast %and3A_452 : i32 to vector<16xi32>
      %and3A_454 = arith.andi %shift_right_arithmetic3A_451, %and3A_453 : vector<16xi32>
      %add3A_455 = arith.addi %add3A_448, %and3A_454 : vector<16xi32>
      %swap3A_456 = arith.constant 1 : i32
      %swap3A_457 = arith.index_cast %rem3A_87 : i32 to index
      %swap3A_458 = arith.index_cast %swap3A_456 : i32 to index
      %swap3A_459 = arith.constant 32 : index
      %swap3A_460 = tpu.vector_load %arg5[%swap3A_457, %swap3A_458, %swap3A_459] {strides = array<i32>} : memref<2x5x128xi32, #tpu.memory_space<vmem>>, vector<1x1x16xi32>,
      %swap3A_461 = vector.shape_cast %swap3A_460 : vector<1x1x16xi32> to vector<16xi32>
      %swap3A_462 = vector.shape_cast %add3A_455 : vector<16xi32> to vector<1x1x16xi32>
      tpu.vector_store %arg5[%swap3A_457, %swap3A_458, %swap3A_459], %swap3A_462 {strides = array<i32>} : memref<2x5x128xi32, #tpu.memory_space<vmem>>, vector<1x1x16xi32>,
      %get3A_463 = arith.constant 1 : i32
      %get3A_464 = arith.index_cast %rem3A_87 : i32 to index
      %get3A_465 = arith.index_cast %get3A_463 : i32 to index
      %get3A_466 = arith.constant 48 : index
      %get3A_467 = tpu.vector_load %arg5[%get3A_464, %get3A_465, %get3A_466] {strides = array<i32>} : memref<2x5x128xi32, #tpu.memory_space<vmem>>, vector<1x1x16xi32>,
      %get3A_468 = vector.shape_cast %get3A_467 : vector<1x1x16xi32> to vector<16xi32>
      %shift_right_arithmetic3A_469 = arith.constant 13 : i32
      %shift_right_arithmetic3A_470 = vector.broadcast %shift_right_arithmetic3A_469 : i32 to vector<16xi32>
      %shift_right_arithmetic3A_471 = arith.shrsi %get3A_468, %shift_right_arithmetic3A_470 : vector<16xi32>
      %shift_left3A_472 = arith.constant 13 : i32
      %shift_left3A_473 = vector.broadcast %shift_left3A_472 : i32 to vector<16xi32>
      %shift_left3A_474 = arith.shli %shift_right_arithmetic3A_471, %shift_left3A_473 : vector<16xi32>
      %and3A_475 = arith.constant 4095 : i32
      %and3A_476 = vector.broadcast %and3A_475 : i32 to vector<16xi32>
      %and3A_477 = arith.andi %get3A_468, %and3A_476 : vector<16xi32>
      %shift_left3A_478 = arith.constant 1 : i32
      %shift_left3A_479 = vector.broadcast %shift_left3A_478 : i32 to vector<16xi32>
      %shift_left3A_480 = arith.shli %and3A_477, %shift_left3A_479 : vector<16xi32>
      %add3A_481 = arith.addi %shift_left3A_474, %shift_left3A_480 : vector<16xi32>
      %shift_right_arithmetic3A_482 = arith.constant 12 : i32
      %shift_right_arithmetic3A_483 = vector.broadcast %shift_right_arithmetic3A_482 : i32 to vector<16xi32>
      %shift_right_arithmetic3A_484 = arith.shrsi %get3A_468, %shift_right_arithmetic3A_483 : vector<16xi32>
      %and3A_485 = arith.constant 1 : i32
      %and3A_486 = vector.broadcast %and3A_485 : i32 to vector<16xi32>
      %and3A_487 = arith.andi %shift_right_arithmetic3A_484, %and3A_486 : vector<16xi32>
      %add3A_488 = arith.addi %add3A_481, %and3A_487 : vector<16xi32>
      %swap3A_489 = arith.constant 1 : i32
      %swap3A_490 = arith.index_cast %rem3A_87 : i32 to index
      %swap3A_491 = arith.index_cast %swap3A_489 : i32 to index
      %swap3A_492 = arith.constant 48 : index
      %swap3A_493 = tpu.vector_load %arg5[%swap3A_490, %swap3A_491, %swap3A_492] {strides = array<i32>} : memref<2x5x128xi32, #tpu.memory_space<vmem>>, vector<1x1x16xi32>,
      %swap3A_494 = vector.shape_cast %swap3A_493 : vector<1x1x16xi32> to vector<16xi32>
      %swap3A_495 = vector.shape_cast %add3A_488 : vector<16xi32> to vector<1x1x16xi32>
      tpu.vector_store %arg5[%swap3A_490, %swap3A_491, %swap3A_492], %swap3A_495 {strides = array<i32>} : memref<2x5x128xi32, #tpu.memory_space<vmem>>, vector<1x1x16xi32>,
      %get3A_496 = arith.constant 1 : i32
      %get3A_497 = arith.index_cast %rem3A_87 : i32 to index
      %get3A_498 = arith.index_cast %get3A_496 : i32 to index
      %get3A_499 = arith.constant 64 : index
      %get3A_500 = tpu.vector_load %arg5[%get3A_497, %get3A_498, %get3A_499] {strides = array<i32>} : memref<2x5x128xi32, #tpu.memory_space<vmem>>, vector<1x1x16xi32>,
      %get3A_501 = vector.shape_cast %get3A_500 : vector<1x1x16xi32> to vector<16xi32>
      %shift_right_arithmetic3A_502 = arith.constant 13 : i32
      %shift_right_arithmetic3A_503 = vector.broadcast %shift_right_arithmetic3A_502 : i32 to vector<16xi32>
      %shift_right_arithmetic3A_504 = arith.shrsi %get3A_501, %shift_right_arithmetic3A_503 : vector<16xi32>
      %shift_left3A_505 = arith.constant 13 : i32
      %shift_left3A_506 = vector.broadcast %shift_left3A_505 : i32 to vector<16xi32>
      %shift_left3A_507 = arith.shli %shift_right_arithmetic3A_504, %shift_left3A_506 : vector<16xi32>
      %and3A_508 = arith.constant 4095 : i32
      %and3A_509 = vector.broadcast %and3A_508 : i32 to vector<16xi32>
      %and3A_510 = arith.andi %get3A_501, %and3A_509 : vector<16xi32>
      %shift_left3A_511 = arith.constant 1 : i32
      %shift_left3A_512 = vector.broadcast %shift_left3A_511 : i32 to vector<16xi32>
      %shift_left3A_513 = arith.shli %and3A_510, %shift_left3A_512 : vector<16xi32>
      %add3A_514 = arith.addi %shift_left3A_507, %shift_left3A_513 : vector<16xi32>
      %shift_right_arithmetic3A_515 = arith.constant 12 : i32
      %shift_right_arithmetic3A_516 = vector.broadcast %shift_right_arithmetic3A_515 : i32 to vector<16xi32>
      %shift_right_arithmetic3A_517 = arith.shrsi %get3A_501, %shift_right_arithmetic3A_516 : vector<16xi32>
      %and3A_518 = arith.constant 1 : i32
      %and3A_519 = vector.broadcast %and3A_518 : i32 to vector<16xi32>
      %and3A_520 = arith.andi %shift_right_arithmetic3A_517, %and3A_519 : vector<16xi32>
      %add3A_521 = arith.addi %add3A_514, %and3A_520 : vector<16xi32>
      %swap3A_522 = arith.constant 1 : i32
      %swap3A_523 = arith.index_cast %rem3A_87 : i32 to index
      %swap3A_524 = arith.index_cast %swap3A_522 : i32 to index
      %swap3A_525 = arith.constant 64 : index
      %swap3A_526 = tpu.vector_load %arg5[%swap3A_523, %swap3A_524, %swap3A_525] {strides = array<i32>} : memref<2x5x128xi32, #tpu.memory_space<vmem>>, vector<1x1x16xi32>,
      %swap3A_527 = vector.shape_cast %swap3A_526 : vector<1x1x16xi32> to vector<16xi32>
      %swap3A_528 = vector.shape_cast %add3A_521 : vector<16xi32> to vector<1x1x16xi32>
      tpu.vector_store %arg5[%swap3A_523, %swap3A_524, %swap3A_525], %swap3A_528 {strides = array<i32>} : memref<2x5x128xi32, #tpu.memory_space<vmem>>, vector<1x1x16xi32>,
      %get3A_529 = arith.constant 1 : i32
      %get3A_530 = arith.index_cast %rem3A_87 : i32 to index
      %get3A_531 = arith.index_cast %get3A_529 : i32 to index
      %get3A_532 = arith.constant 80 : index
      %get3A_533 = tpu.vector_load %arg5[%get3A_530, %get3A_531, %get3A_532] {strides = array<i32>} : memref<2x5x128xi32, #tpu.memory_space<vmem>>, vector<1x1x16xi32>,
      %get3A_534 = vector.shape_cast %get3A_533 : vector<1x1x16xi32> to vector<16xi32>
      %shift_right_arithmetic3A_535 = arith.constant 13 : i32
      %shift_right_arithmetic3A_536 = vector.broadcast %shift_right_arithmetic3A_535 : i32 to vector<16xi32>
      %shift_right_arithmetic3A_537 = arith.shrsi %get3A_534, %shift_right_arithmetic3A_536 : vector<16xi32>
      %shift_left3A_538 = arith.constant 13 : i32
      %shift_left3A_539 = vector.broadcast %shift_left3A_538 : i32 to vector<16xi32>
      %shift_left3A_540 = arith.shli %shift_right_arithmetic3A_537, %shift_left3A_539 : vector<16xi32>
      %and3A_541 = arith.constant 4095 : i32
      %and3A_542 = vector.broadcast %and3A_541 : i32 to vector<16xi32>
      %and3A_543 = arith.andi %get3A_534, %and3A_542 : vector<16xi32>
      %shift_left3A_544 = arith.constant 1 : i32
      %shift_left3A_545 = vector.broadcast %shift_left3A_544 : i32 to vector<16xi32>
      %shift_left3A_546 = arith.shli %and3A_543, %shift_left3A_545 : vector<16xi32>
      %add3A_547 = arith.addi %shift_left3A_540, %shift_left3A_546 : vector<16xi32>
      %shift_right_arithmetic3A_548 = arith.constant 12 : i32
      %shift_right_arithmetic3A_549 = vector.broadcast %shift_right_arithmetic3A_548 : i32 to vector<16xi32>
      %shift_right_arithmetic3A_550 = arith.shrsi %get3A_534, %shift_right_arithmetic3A_549 : vector<16xi32>
      %and3A_551 = arith.constant 1 : i32
      %and3A_552 = vector.broadcast %and3A_551 : i32 to vector<16xi32>
      %and3A_553 = arith.andi %shift_right_arithmetic3A_550, %and3A_552 : vector<16xi32>
      %add3A_554 = arith.addi %add3A_547, %and3A_553 : vector<16xi32>
      %swap3A_555 = arith.constant 1 : i32
      %swap3A_556 = arith.index_cast %rem3A_87 : i32 to index
      %swap3A_557 = arith.index_cast %swap3A_555 : i32 to index
      %swap3A_558 = arith.constant 80 : index
      %swap3A_559 = tpu.vector_load %arg5[%swap3A_556, %swap3A_557, %swap3A_558] {strides = array<i32>} : memref<2x5x128xi32, #tpu.memory_space<vmem>>, vector<1x1x16xi32>,
      %swap3A_560 = vector.shape_cast %swap3A_559 : vector<1x1x16xi32> to vector<16xi32>
      %swap3A_561 = vector.shape_cast %add3A_554 : vector<16xi32> to vector<1x1x16xi32>
      tpu.vector_store %arg5[%swap3A_556, %swap3A_557, %swap3A_558], %swap3A_561 {strides = array<i32>} : memref<2x5x128xi32, #tpu.memory_space<vmem>>, vector<1x1x16xi32>,
      %get3A_562 = arith.constant 1 : i32
      %get3A_563 = arith.index_cast %rem3A_87 : i32 to index
      %get3A_564 = arith.index_cast %get3A_562 : i32 to index
      %get3A_565 = arith.constant 96 : index
      %get3A_566 = tpu.vector_load %arg5[%get3A_563, %get3A_564, %get3A_565] {strides = array<i32>} : memref<2x5x128xi32, #tpu.memory_space<vmem>>, vector<1x1x16xi32>,
      %get3A_567 = vector.shape_cast %get3A_566 : vector<1x1x16xi32> to vector<16xi32>
      %shift_right_arithmetic3A_568 = arith.constant 13 : i32
      %shift_right_arithmetic3A_569 = vector.broadcast %shift_right_arithmetic3A_568 : i32 to vector<16xi32>
      %shift_right_arithmetic3A_570 = arith.shrsi %get3A_567, %shift_right_arithmetic3A_569 : vector<16xi32>
      %shift_left3A_571 = arith.constant 13 : i32
      %shift_left3A_572 = vector.broadcast %shift_left3A_571 : i32 to vector<16xi32>
      %shift_left3A_573 = arith.shli %shift_right_arithmetic3A_570, %shift_left3A_572 : vector<16xi32>
      %and3A_574 = arith.constant 4095 : i32
      %and3A_575 = vector.broadcast %and3A_574 : i32 to vector<16xi32>
      %and3A_576 = arith.andi %get3A_567, %and3A_575 : vector<16xi32>
      %shift_left3A_577 = arith.constant 1 : i32
      %shift_left3A_578 = vector.broadcast %shift_left3A_577 : i32 to vector<16xi32>
      %shift_left3A_579 = arith.shli %and3A_576, %shift_left3A_578 : vector<16xi32>
      %add3A_580 = arith.addi %shift_left3A_573, %shift_left3A_579 : vector<16xi32>
      %shift_right_arithmetic3A_581 = arith.constant 12 : i32
      %shift_right_arithmetic3A_582 = vector.broadcast %shift_right_arithmetic3A_581 : i32 to vector<16xi32>
      %shift_right_arithmetic3A_583 = arith.shrsi %get3A_567, %shift_right_arithmetic3A_582 : vector<16xi32>
      %and3A_584 = arith.constant 1 : i32
      %and3A_585 = vector.broadcast %and3A_584 : i32 to vector<16xi32>
      %and3A_586 = arith.andi %shift_right_arithmetic3A_583, %and3A_585 : vector<16xi32>
      %add3A_587 = arith.addi %add3A_580, %and3A_586 : vector<16xi32>
      %swap3A_588 = arith.constant 1 : i32
      %swap3A_589 = arith.index_cast %rem3A_87 : i32 to index
      %swap3A_590 = arith.index_cast %swap3A_588 : i32 to index
      %swap3A_591 = arith.constant 96 : index
      %swap3A_592 = tpu.vector_load %arg5[%swap3A_589, %swap3A_590, %swap3A_591] {strides = array<i32>} : memref<2x5x128xi32, #tpu.memory_space<vmem>>, vector<1x1x16xi32>,
      %swap3A_593 = vector.shape_cast %swap3A_592 : vector<1x1x16xi32> to vector<16xi32>
      %swap3A_594 = vector.shape_cast %add3A_587 : vector<16xi32> to vector<1x1x16xi32>
      tpu.vector_store %arg5[%swap3A_589, %swap3A_590, %swap3A_591], %swap3A_594 {strides = array<i32>} : memref<2x5x128xi32, #tpu.memory_space<vmem>>, vector<1x1x16xi32>,
      %get3A_595 = arith.constant 1 : i32
      %get3A_596 = arith.index_cast %rem3A_87 : i32 to index
      %get3A_597 = arith.index_cast %get3A_595 : i32 to index
      %get3A_598 = arith.constant 112 : index
      %get3A_599 = tpu.vector_load %arg5[%get3A_596, %get3A_597, %get3A_598] {strides = array<i32>} : memref<2x5x128xi32, #tpu.memory_space<vmem>>, vector<1x1x16xi32>,
      %get3A_600 = vector.shape_cast %get3A_599 : vector<1x1x16xi32> to vector<16xi32>
      %shift_right_arithmetic3A_601 = arith.constant 13 : i32
      %shift_right_arithmetic3A_602 = vector.broadcast %shift_right_arithmetic3A_601 : i32 to vector<16xi32>
      %shift_right_arithmetic3A_603 = arith.shrsi %get3A_600, %shift_right_arithmetic3A_602 : vector<16xi32>
      %shift_left3A_604 = arith.constant 13 : i32
      %shift_left3A_605 = vector.broadcast %shift_left3A_604 : i32 to vector<16xi32>
      %shift_left3A_606 = arith.shli %shift_right_arithmetic3A_603, %shift_left3A_605 : vector<16xi32>
      %and3A_607 = arith.constant 4095 : i32
      %and3A_608 = vector.broadcast %and3A_607 : i32 to vector<16xi32>
      %and3A_609 = arith.andi %get3A_600, %and3A_608 : vector<16xi32>
      %shift_left3A_610 = arith.constant 1 : i32
      %shift_left3A_611 = vector.broadcast %shift_left3A_610 : i32 to vector<16xi32>
      %shift_left3A_612 = arith.shli %and3A_609, %shift_left3A_611 : vector<16xi32>
      %add3A_613 = arith.addi %shift_left3A_606, %shift_left3A_612 : vector<16xi32>
      %shift_right_arithmetic3A_614 = arith.constant 12 : i32
      %shift_right_arithmetic3A_615 = vector.broadcast %shift_right_arithmetic3A_614 : i32 to vector<16xi32>
      %shift_right_arithmetic3A_616 = arith.shrsi %get3A_600, %shift_right_arithmetic3A_615 : vector<16xi32>
      %and3A_617 = arith.constant 1 : i32
      %and3A_618 = vector.broadcast %and3A_617 : i32 to vector<16xi32>
      %and3A_619 = arith.andi %shift_right_arithmetic3A_616, %and3A_618 : vector<16xi32>
      %add3A_620 = arith.addi %add3A_613, %and3A_619 : vector<16xi32>
      %swap3A_621 = arith.constant 1 : i32
      %swap3A_622 = arith.index_cast %rem3A_87 : i32 to index
      %swap3A_623 = arith.index_cast %swap3A_621 : i32 to index
      %swap3A_624 = arith.constant 112 : index
      %swap3A_625 = tpu.vector_load %arg5[%swap3A_622, %swap3A_623, %swap3A_624] {strides = array<i32>} : memref<2x5x128xi32, #tpu.memory_space<vmem>>, vector<1x1x16xi32>,
      %swap3A_626 = vector.shape_cast %swap3A_625 : vector<1x1x16xi32> to vector<16xi32>
      %swap3A_627 = vector.shape_cast %add3A_620 : vector<16xi32> to vector<1x1x16xi32>
      tpu.vector_store %arg5[%swap3A_622, %swap3A_623, %swap3A_624], %swap3A_627 {strides = array<i32>} : memref<2x5x128xi32, #tpu.memory_space<vmem>>, vector<1x1x16xi32>,
      %get3A_628 = arith.constant 2 : i32
      %get3A_629 = arith.index_cast %rem3A_87 : i32 to index
      %get3A_630 = arith.index_cast %get3A_628 : i32 to index
      %get3A_631 = arith.constant 0 : index
      %get3A_632 = tpu.vector_load %arg5[%get3A_629, %get3A_630, %get3A_631] {strides = array<i32>} : memref<2x5x128xi32, #tpu.memory_space<vmem>>, vector<1x1x16xi32>,
      %get3A_633 = vector.shape_cast %get3A_632 : vector<1x1x16xi32> to vector<16xi32>
      %shift_right_arithmetic3A_634 = arith.constant 13 : i32
      %shift_right_arithmetic3A_635 = vector.broadcast %shift_right_arithmetic3A_634 : i32 to vector<16xi32>
      %shift_right_arithmetic3A_636 = arith.shrsi %get3A_633, %shift_right_arithmetic3A_635 : vector<16xi32>
      %shift_left3A_637 = arith.constant 13 : i32
      %shift_left3A_638 = vector.broadcast %shift_left3A_637 : i32 to vector<16xi32>
      %shift_left3A_639 = arith.shli %shift_right_arithmetic3A_636, %shift_left3A_638 : vector<16xi32>
      %and3A_640 = arith.constant 4095 : i32
      %and3A_641 = vector.broadcast %and3A_640 : i32 to vector<16xi32>
      %and3A_642 = arith.andi %get3A_633, %and3A_641 : vector<16xi32>
      %shift_left3A_643 = arith.constant 1 : i32
      %shift_left3A_644 = vector.broadcast %shift_left3A_643 : i32 to vector<16xi32>
      %shift_left3A_645 = arith.shli %and3A_642, %shift_left3A_644 : vector<16xi32>
      %add3A_646 = arith.addi %shift_left3A_639, %shift_left3A_645 : vector<16xi32>
      %shift_right_arithmetic3A_647 = arith.constant 12 : i32
      %shift_right_arithmetic3A_648 = vector.broadcast %shift_right_arithmetic3A_647 : i32 to vector<16xi32>
      %shift_right_arithmetic3A_649 = arith.shrsi %get3A_633, %shift_right_arithmetic3A_648 : vector<16xi32>
      %and3A_650 = arith.constant 1 : i32
      %and3A_651 = vector.broadcast %and3A_650 : i32 to vector<16xi32>
      %and3A_652 = arith.andi %shift_right_arithmetic3A_649, %and3A_651 : vector<16xi32>
      %add3A_653 = arith.addi %add3A_646, %and3A_652 : vector<16xi32>
      %swap3A_654 = arith.constant 2 : i32
      %swap3A_655 = arith.index_cast %rem3A_87 : i32 to index
      %swap3A_656 = arith.index_cast %swap3A_654 : i32 to index
      %swap3A_657 = arith.constant 0 : index
      %swap3A_658 = tpu.vector_load %arg5[%swap3A_655, %swap3A_656, %swap3A_657] {strides = array<i32>} : memref<2x5x128xi32, #tpu.memory_space<vmem>>, vector<1x1x16xi32>,
      %swap3A_659 = vector.shape_cast %swap3A_658 : vector<1x1x16xi32> to vector<16xi32>
      %swap3A_660 = vector.shape_cast %add3A_653 : vector<16xi32> to vector<1x1x16xi32>
      tpu.vector_store %arg5[%swap3A_655, %swap3A_656, %swap3A_657], %swap3A_660 {strides = array<i32>} : memref<2x5x128xi32, #tpu.memory_space<vmem>>, vector<1x1x16xi32>,
      %get3A_661 = arith.constant 2 : i32
      %get3A_662 = arith.index_cast %rem3A_87 : i32 to index
      %get3A_663 = arith.index_cast %get3A_661 : i32 to index
      %get3A_664 = arith.constant 16 : index
      %get3A_665 = tpu.vector_load %arg5[%get3A_662, %get3A_663, %get3A_664] {strides = array<i32>} : memref<2x5x128xi32, #tpu.memory_space<vmem>>, vector<1x1x16xi32>,
      %get3A_666 = vector.shape_cast %get3A_665 : vector<1x1x16xi32> to vector<16xi32>
      %shift_right_arithmetic3A_667 = arith.constant 13 : i32
      %shift_right_arithmetic3A_668 = vector.broadcast %shift_right_arithmetic3A_667 : i32 to vector<16xi32>
      %shift_right_arithmetic3A_669 = arith.shrsi %get3A_666, %shift_right_arithmetic3A_668 : vector<16xi32>
      %shift_left3A_670 = arith.constant 13 : i32
      %shift_left3A_671 = vector.broadcast %shift_left3A_670 : i32 to vector<16xi32>
      %shift_left3A_672 = arith.shli %shift_right_arithmetic3A_669, %shift_left3A_671 : vector<16xi32>
      %and3A_673 = arith.constant 4095 : i32
      %and3A_674 = vector.broadcast %and3A_673 : i32 to vector<16xi32>
      %and3A_675 = arith.andi %get3A_666, %and3A_674 : vector<16xi32>
      %shift_left3A_676 = arith.constant 1 : i32
      %shift_left3A_677 = vector.broadcast %shift_left3A_676 : i32 to vector<16xi32>
      %shift_left3A_678 = arith.shli %and3A_675, %shift_left3A_677 : vector<16xi32>
      %add3A_679 = arith.addi %shift_left3A_672, %shift_left3A_678 : vector<16xi32>
      %shift_right_arithmetic3A_680 = arith.constant 12 : i32
      %shift_right_arithmetic3A_681 = vector.broadcast %shift_right_arithmetic3A_680 : i32 to vector<16xi32>
      %shift_right_arithmetic3A_682 = arith.shrsi %get3A_666, %shift_right_arithmetic3A_681 : vector<16xi32>
      %and3A_683 = arith.constant 1 : i32
      %and3A_684 = vector.broadcast %and3A_683 : i32 to vector<16xi32>
      %and3A_685 = arith.andi %shift_right_arithmetic3A_682, %and3A_684 : vector<16xi32>
      %add3A_686 = arith.addi %add3A_679, %and3A_685 : vector<16xi32>
      %swap3A_687 = arith.constant 2 : i32
      %swap3A_688 = arith.index_cast %rem3A_87 : i32 to index
      %swap3A_689 = arith.index_cast %swap3A_687 : i32 to index
      %swap3A_690 = arith.constant 16 : index
      %swap3A_691 = tpu.vector_load %arg5[%swap3A_688, %swap3A_689, %swap3A_690] {strides = array<i32>} : memref<2x5x128xi32, #tpu.memory_space<vmem>>, vector<1x1x16xi32>,
      %swap3A_692 = vector.shape_cast %swap3A_691 : vector<1x1x16xi32> to vector<16xi32>
      %swap3A_693 = vector.shape_cast %add3A_686 : vector<16xi32> to vector<1x1x16xi32>
      tpu.vector_store %arg5[%swap3A_688, %swap3A_689, %swap3A_690], %swap3A_693 {strides = array<i32>} : memref<2x5x128xi32, #tpu.memory_space<vmem>>, vector<1x1x16xi32>,
      %get3A_694 = arith.constant 2 : i32
      %get3A_695 = arith.index_cast %rem3A_87 : i32 to index
      %get3A_696 = arith.index_cast %get3A_694 : i32 to index
      %get3A_697 = arith.constant 32 : index
      %get3A_698 = tpu.vector_load %arg5[%get3A_695, %get3A_696, %get3A_697] {strides = array<i32>} : memref<2x5x128xi32, #tpu.memory_space<vmem>>, vector<1x1x16xi32>,
      %get3A_699 = vector.shape_cast %get3A_698 : vector<1x1x16xi32> to vector<16xi32>
      %shift_right_arithmetic3A_700 = arith.constant 13 : i32
      %shift_right_arithmetic3A_701 = vector.broadcast %shift_right_arithmetic3A_700 : i32 to vector<16xi32>
      %shift_right_arithmetic3A_702 = arith.shrsi %get3A_699, %shift_right_arithmetic3A_701 : vector<16xi32>
      %shift_left3A_703 = arith.constant 13 : i32
      %shift_left3A_704 = vector.broadcast %shift_left3A_703 : i32 to vector<16xi32>
      %shift_left3A_705 = arith.shli %shift_right_arithmetic3A_702, %shift_left3A_704 : vector<16xi32>
      %and3A_706 = arith.constant 4095 : i32
      %and3A_707 = vector.broadcast %and3A_706 : i32 to vector<16xi32>
      %and3A_708 = arith.andi %get3A_699, %and3A_707 : vector<16xi32>
      %shift_left3A_709 = arith.constant 1 : i32
      %shift_left3A_710 = vector.broadcast %shift_left3A_709 : i32 to vector<16xi32>
      %shift_left3A_711 = arith.shli %and3A_708, %shift_left3A_710 : vector<16xi32>
      %add3A_712 = arith.addi %shift_left3A_705, %shift_left3A_711 : vector<16xi32>
      %shift_right_arithmetic3A_713 = arith.constant 12 : i32
      %shift_right_arithmetic3A_714 = vector.broadcast %shift_right_arithmetic3A_713 : i32 to vector<16xi32>
      %shift_right_arithmetic3A_715 = arith.shrsi %get3A_699, %shift_right_arithmetic3A_714 : vector<16xi32>
      %and3A_716 = arith.constant 1 : i32
      %and3A_717 = vector.broadcast %and3A_716 : i32 to vector<16xi32>
      %and3A_718 = arith.andi %shift_right_arithmetic3A_715, %and3A_717 : vector<16xi32>
      %add3A_719 = arith.addi %add3A_712, %and3A_718 : vector<16xi32>
      %swap3A_720 = arith.constant 2 : i32
      %swap3A_721 = arith.index_cast %rem3A_87 : i32 to index
      %swap3A_722 = arith.index_cast %swap3A_720 : i32 to index
      %swap3A_723 = arith.constant 32 : index
      %swap3A_724 = tpu.vector_load %arg5[%swap3A_721, %swap3A_722, %swap3A_723] {strides = array<i32>} : memref<2x5x128xi32, #tpu.memory_space<vmem>>, vector<1x1x16xi32>,
      %swap3A_725 = vector.shape_cast %swap3A_724 : vector<1x1x16xi32> to vector<16xi32>
      %swap3A_726 = vector.shape_cast %add3A_719 : vector<16xi32> to vector<1x1x16xi32>
      tpu.vector_store %arg5[%swap3A_721, %swap3A_722, %swap3A_723], %swap3A_726 {strides = array<i32>} : memref<2x5x128xi32, #tpu.memory_space<vmem>>, vector<1x1x16xi32>,
      %get3A_727 = arith.constant 2 : i32
      %get3A_728 = arith.index_cast %rem3A_87 : i32 to index
      %get3A_729 = arith.index_cast %get3A_727 : i32 to index
      %get3A_730 = arith.constant 48 : index
      %get3A_731 = tpu.vector_load %arg5[%get3A_728, %get3A_729, %get3A_730] {strides = array<i32>} : memref<2x5x128xi32, #tpu.memory_space<vmem>>, vector<1x1x16xi32>,
      %get3A_732 = vector.shape_cast %get3A_731 : vector<1x1x16xi32> to vector<16xi32>
      %shift_right_arithmetic3A_733 = arith.constant 13 : i32
      %shift_right_arithmetic3A_734 = vector.broadcast %shift_right_arithmetic3A_733 : i32 to vector<16xi32>
      %shift_right_arithmetic3A_735 = arith.shrsi %get3A_732, %shift_right_arithmetic3A_734 : vector<16xi32>
      %shift_left3A_736 = arith.constant 13 : i32
      %shift_left3A_737 = vector.broadcast %shift_left3A_736 : i32 to vector<16xi32>
      %shift_left3A_738 = arith.shli %shift_right_arithmetic3A_735, %shift_left3A_737 : vector<16xi32>
      %and3A_739 = arith.constant 4095 : i32
      %and3A_740 = vector.broadcast %and3A_739 : i32 to vector<16xi32>
      %and3A_741 = arith.andi %get3A_732, %and3A_740 : vector<16xi32>
      %shift_left3A_742 = arith.constant 1 : i32
      %shift_left3A_743 = vector.broadcast %shift_left3A_742 : i32 to vector<16xi32>
      %shift_left3A_744 = arith.shli %and3A_741, %shift_left3A_743 : vector<16xi32>
      %add3A_745 = arith.addi %shift_left3A_738, %shift_left3A_744 : vector<16xi32>
      %shift_right_arithmetic3A_746 = arith.constant 12 : i32
      %shift_right_arithmetic3A_747 = vector.broadcast %shift_right_arithmetic3A_746 : i32 to vector<16xi32>
      %shift_right_arithmetic3A_748 = arith.shrsi %get3A_732, %shift_right_arithmetic3A_747 : vector<16xi32>
      %and3A_749 = arith.constant 1 : i32
      %and3A_750 = vector.broadcast %and3A_749 : i32 to vector<16xi32>
      %and3A_751 = arith.andi %shift_right_arithmetic3A_748, %and3A_750 : vector<16xi32>
      %add3A_752 = arith.addi %add3A_745, %and3A_751 : vector<16xi32>
      %swap3A_753 = arith.constant 2 : i32
      %swap3A_754 = arith.index_cast %rem3A_87 : i32 to index
      %swap3A_755 = arith.index_cast %swap3A_753 : i32 to index
      %swap3A_756 = arith.constant 48 : index
      %swap3A_757 = tpu.vector_load %arg5[%swap3A_754, %swap3A_755, %swap3A_756] {strides = array<i32>} : memref<2x5x128xi32, #tpu.memory_space<vmem>>, vector<1x1x16xi32>,
      %swap3A_758 = vector.shape_cast %swap3A_757 : vector<1x1x16xi32> to vector<16xi32>
      %swap3A_759 = vector.shape_cast %add3A_752 : vector<16xi32> to vector<1x1x16xi32>
      tpu.vector_store %arg5[%swap3A_754, %swap3A_755, %swap3A_756], %swap3A_759 {strides = array<i32>} : memref<2x5x128xi32, #tpu.memory_space<vmem>>, vector<1x1x16xi32>,
      %get3A_760 = arith.constant 2 : i32
      %get3A_761 = arith.index_cast %rem3A_87 : i32 to index
      %get3A_762 = arith.index_cast %get3A_760 : i32 to index
      %get3A_763 = arith.constant 64 : index
      %get3A_764 = tpu.vector_load %arg5[%get3A_761, %get3A_762, %get3A_763] {strides = array<i32>} : memref<2x5x128xi32, #tpu.memory_space<vmem>>, vector<1x1x16xi32>,
      %get3A_765 = vector.shape_cast %get3A_764 : vector<1x1x16xi32> to vector<16xi32>
      %shift_right_arithmetic3A_766 = arith.constant 13 : i32
      %shift_right_arithmetic3A_767 = vector.broadcast %shift_right_arithmetic3A_766 : i32 to vector<16xi32>
      %shift_right_arithmetic3A_768 = arith.shrsi %get3A_765, %shift_right_arithmetic3A_767 : vector<16xi32>
      %shift_left3A_769 = arith.constant 13 : i32
      %shift_left3A_770 = vector.broadcast %shift_left3A_769 : i32 to vector<16xi32>
      %shift_left3A_771 = arith.shli %shift_right_arithmetic3A_768, %shift_left3A_770 : vector<16xi32>
      %and3A_772 = arith.constant 4095 : i32
      %and3A_773 = vector.broadcast %and3A_772 : i32 to vector<16xi32>
      %and3A_774 = arith.andi %get3A_765, %and3A_773 : vector<16xi32>
      %shift_left3A_775 = arith.constant 1 : i32
      %shift_left3A_776 = vector.broadcast %shift_left3A_775 : i32 to vector<16xi32>
      %shift_left3A_777 = arith.shli %and3A_774, %shift_left3A_776 : vector<16xi32>
      %add3A_778 = arith.addi %shift_left3A_771, %shift_left3A_777 : vector<16xi32>
      %shift_right_arithmetic3A_779 = arith.constant 12 : i32
      %shift_right_arithmetic3A_780 = vector.broadcast %shift_right_arithmetic3A_779 : i32 to vector<16xi32>
      %shift_right_arithmetic3A_781 = arith.shrsi %get3A_765, %shift_right_arithmetic3A_780 : vector<16xi32>
      %and3A_782 = arith.constant 1 : i32
      %and3A_783 = vector.broadcast %and3A_782 : i32 to vector<16xi32>
      %and3A_784 = arith.andi %shift_right_arithmetic3A_781, %and3A_783 : vector<16xi32>
      %add3A_785 = arith.addi %add3A_778, %and3A_784 : vector<16xi32>
      %swap3A_786 = arith.constant 2 : i32
      %swap3A_787 = arith.index_cast %rem3A_87 : i32 to index
      %swap3A_788 = arith.index_cast %swap3A_786 : i32 to index
      %swap3A_789 = arith.constant 64 : index
      %swap3A_790 = tpu.vector_load %arg5[%swap3A_787, %swap3A_788, %swap3A_789] {strides = array<i32>} : memref<2x5x128xi32, #tpu.memory_space<vmem>>, vector<1x1x16xi32>,
      %swap3A_791 = vector.shape_cast %swap3A_790 : vector<1x1x16xi32> to vector<16xi32>
      %swap3A_792 = vector.shape_cast %add3A_785 : vector<16xi32> to vector<1x1x16xi32>
      tpu.vector_store %arg5[%swap3A_787, %swap3A_788, %swap3A_789], %swap3A_792 {strides = array<i32>} : memref<2x5x128xi32, #tpu.memory_space<vmem>>, vector<1x1x16xi32>,
      %get3A_793 = arith.constant 2 : i32
      %get3A_794 = arith.index_cast %rem3A_87 : i32 to index
      %get3A_795 = arith.index_cast %get3A_793 : i32 to index
      %get3A_796 = arith.constant 80 : index
      %get3A_797 = tpu.vector_load %arg5[%get3A_794, %get3A_795, %get3A_796] {strides = array<i32>} : memref<2x5x128xi32, #tpu.memory_space<vmem>>, vector<1x1x16xi32>,
      %get3A_798 = vector.shape_cast %get3A_797 : vector<1x1x16xi32> to vector<16xi32>
      %shift_right_arithmetic3A_799 = arith.constant 13 : i32
      %shift_right_arithmetic3A_800 = vector.broadcast %shift_right_arithmetic3A_799 : i32 to vector<16xi32>
      %shift_right_arithmetic3A_801 = arith.shrsi %get3A_798, %shift_right_arithmetic3A_800 : vector<16xi32>
      %shift_left3A_802 = arith.constant 13 : i32
      %shift_left3A_803 = vector.broadcast %shift_left3A_802 : i32 to vector<16xi32>
      %shift_left3A_804 = arith.shli %shift_right_arithmetic3A_801, %shift_left3A_803 : vector<16xi32>
      %and3A_805 = arith.constant 4095 : i32
      %and3A_806 = vector.broadcast %and3A_805 : i32 to vector<16xi32>
      %and3A_807 = arith.andi %get3A_798, %and3A_806 : vector<16xi32>
      %shift_left3A_808 = arith.constant 1 : i32
      %shift_left3A_809 = vector.broadcast %shift_left3A_808 : i32 to vector<16xi32>
      %shift_left3A_810 = arith.shli %and3A_807, %shift_left3A_809 : vector<16xi32>
      %add3A_811 = arith.addi %shift_left3A_804, %shift_left3A_810 : vector<16xi32>
      %shift_right_arithmetic3A_812 = arith.constant 12 : i32
      %shift_right_arithmetic3A_813 = vector.broadcast %shift_right_arithmetic3A_812 : i32 to vector<16xi32>
      %shift_right_arithmetic3A_814 = arith.shrsi %get3A_798, %shift_right_arithmetic3A_813 : vector<16xi32>
      %and3A_815 = arith.constant 1 : i32
      %and3A_816 = vector.broadcast %and3A_815 : i32 to vector<16xi32>
      %and3A_817 = arith.andi %shift_right_arithmetic3A_814, %and3A_816 : vector<16xi32>
      %add3A_818 = arith.addi %add3A_811, %and3A_817 : vector<16xi32>
      %swap3A_819 = arith.constant 2 : i32
      %swap3A_820 = arith.index_cast %rem3A_87 : i32 to index
      %swap3A_821 = arith.index_cast %swap3A_819 : i32 to index
      %swap3A_822 = arith.constant 80 : index
      %swap3A_823 = tpu.vector_load %arg5[%swap3A_820, %swap3A_821, %swap3A_822] {strides = array<i32>} : memref<2x5x128xi32, #tpu.memory_space<vmem>>, vector<1x1x16xi32>,
      %swap3A_824 = vector.shape_cast %swap3A_823 : vector<1x1x16xi32> to vector<16xi32>
      %swap3A_825 = vector.shape_cast %add3A_818 : vector<16xi32> to vector<1x1x16xi32>
      tpu.vector_store %arg5[%swap3A_820, %swap3A_821, %swap3A_822], %swap3A_825 {strides = array<i32>} : memref<2x5x128xi32, #tpu.memory_space<vmem>>, vector<1x1x16xi32>,
      %get3A_826 = arith.constant 2 : i32
      %get3A_827 = arith.index_cast %rem3A_87 : i32 to index
      %get3A_828 = arith.index_cast %get3A_826 : i32 to index
      %get3A_829 = arith.constant 96 : index
      %get3A_830 = tpu.vector_load %arg5[%get3A_827, %get3A_828, %get3A_829] {strides = array<i32>} : memref<2x5x128xi32, #tpu.memory_space<vmem>>, vector<1x1x16xi32>,
      %get3A_831 = vector.shape_cast %get3A_830 : vector<1x1x16xi32> to vector<16xi32>
      %shift_right_arithmetic3A_832 = arith.constant 13 : i32
      %shift_right_arithmetic3A_833 = vector.broadcast %shift_right_arithmetic3A_832 : i32 to vector<16xi32>
      %shift_right_arithmetic3A_834 = arith.shrsi %get3A_831, %shift_right_arithmetic3A_833 : vector<16xi32>
      %shift_left3A_835 = arith.constant 13 : i32
      %shift_left3A_836 = vector.broadcast %shift_left3A_835 : i32 to vector<16xi32>
      %shift_left3A_837 = arith.shli %shift_right_arithmetic3A_834, %shift_left3A_836 : vector<16xi32>
      %and3A_838 = arith.constant 4095 : i32
      %and3A_839 = vector.broadcast %and3A_838 : i32 to vector<16xi32>
      %and3A_840 = arith.andi %get3A_831, %and3A_839 : vector<16xi32>
      %shift_left3A_841 = arith.constant 1 : i32
      %shift_left3A_842 = vector.broadcast %shift_left3A_841 : i32 to vector<16xi32>
      %shift_left3A_843 = arith.shli %and3A_840, %shift_left3A_842 : vector<16xi32>
      %add3A_844 = arith.addi %shift_left3A_837, %shift_left3A_843 : vector<16xi32>
      %shift_right_arithmetic3A_845 = arith.constant 12 : i32
      %shift_right_arithmetic3A_846 = vector.broadcast %shift_right_arithmetic3A_845 : i32 to vector<16xi32>
      %shift_right_arithmetic3A_847 = arith.shrsi %get3A_831, %shift_right_arithmetic3A_846 : vector<16xi32>
      %and3A_848 = arith.constant 1 : i32
      %and3A_849 = vector.broadcast %and3A_848 : i32 to vector<16xi32>
      %and3A_850 = arith.andi %shift_right_arithmetic3A_847, %and3A_849 : vector<16xi32>
      %add3A_851 = arith.addi %add3A_844, %and3A_850 : vector<16xi32>
      %swap3A_852 = arith.constant 2 : i32
      %swap3A_853 = arith.index_cast %rem3A_87 : i32 to index
      %swap3A_854 = arith.index_cast %swap3A_852 : i32 to index
      %swap3A_855 = arith.constant 96 : index
      %swap3A_856 = tpu.vector_load %arg5[%swap3A_853, %swap3A_854, %swap3A_855] {strides = array<i32>} : memref<2x5x128xi32, #tpu.memory_space<vmem>>, vector<1x1x16xi32>,
      %swap3A_857 = vector.shape_cast %swap3A_856 : vector<1x1x16xi32> to vector<16xi32>
      %swap3A_858 = vector.shape_cast %add3A_851 : vector<16xi32> to vector<1x1x16xi32>
      tpu.vector_store %arg5[%swap3A_853, %swap3A_854, %swap3A_855], %swap3A_858 {strides = array<i32>} : memref<2x5x128xi32, #tpu.memory_space<vmem>>, vector<1x1x16xi32>,
      %get3A_859 = arith.constant 2 : i32
      %get3A_860 = arith.index_cast %rem3A_87 : i32 to index
      %get3A_861 = arith.index_cast %get3A_859 : i32 to index
      %get3A_862 = arith.constant 112 : index
      %get3A_863 = tpu.vector_load %arg5[%get3A_860, %get3A_861, %get3A_862] {strides = array<i32>} : memref<2x5x128xi32, #tpu.memory_space<vmem>>, vector<1x1x16xi32>,
      %get3A_864 = vector.shape_cast %get3A_863 : vector<1x1x16xi32> to vector<16xi32>
      %shift_right_arithmetic3A_865 = arith.constant 13 : i32
      %shift_right_arithmetic3A_866 = vector.broadcast %shift_right_arithmetic3A_865 : i32 to vector<16xi32>
      %shift_right_arithmetic3A_867 = arith.shrsi %get3A_864, %shift_right_arithmetic3A_866 : vector<16xi32>
      %shift_left3A_868 = arith.constant 13 : i32
      %shift_left3A_869 = vector.broadcast %shift_left3A_868 : i32 to vector<16xi32>
      %shift_left3A_870 = arith.shli %shift_right_arithmetic3A_867, %shift_left3A_869 : vector<16xi32>
      %and3A_871 = arith.constant 4095 : i32
      %and3A_872 = vector.broadcast %and3A_871 : i32 to vector<16xi32>
      %and3A_873 = arith.andi %get3A_864, %and3A_872 : vector<16xi32>
      %shift_left3A_874 = arith.constant 1 : i32
      %shift_left3A_875 = vector.broadcast %shift_left3A_874 : i32 to vector<16xi32>
      %shift_left3A_876 = arith.shli %and3A_873, %shift_left3A_875 : vector<16xi32>
      %add3A_877 = arith.addi %shift_left3A_870, %shift_left3A_876 : vector<16xi32>
      %shift_right_arithmetic3A_878 = arith.constant 12 : i32
      %shift_right_arithmetic3A_879 = vector.broadcast %shift_right_arithmetic3A_878 : i32 to vector<16xi32>
      %shift_right_arithmetic3A_880 = arith.shrsi %get3A_864, %shift_right_arithmetic3A_879 : vector<16xi32>
      %and3A_881 = arith.constant 1 : i32
      %and3A_882 = vector.broadcast %and3A_881 : i32 to vector<16xi32>
      %and3A_883 = arith.andi %shift_right_arithmetic3A_880, %and3A_882 : vector<16xi32>
      %add3A_884 = arith.addi %add3A_877, %and3A_883 : vector<16xi32>
      %swap3A_885 = arith.constant 2 : i32
      %swap3A_886 = arith.index_cast %rem3A_87 : i32 to index
      %swap3A_887 = arith.index_cast %swap3A_885 : i32 to index
      %swap3A_888 = arith.constant 112 : index
      %swap3A_889 = tpu.vector_load %arg5[%swap3A_886, %swap3A_887, %swap3A_888] {strides = array<i32>} : memref<2x5x128xi32, #tpu.memory_space<vmem>>, vector<1x1x16xi32>,
      %swap3A_890 = vector.shape_cast %swap3A_889 : vector<1x1x16xi32> to vector<16xi32>
      %swap3A_891 = vector.shape_cast %add3A_884 : vector<16xi32> to vector<1x1x16xi32>
      tpu.vector_store %arg5[%swap3A_886, %swap3A_887, %swap3A_888], %swap3A_891 {strides = array<i32>} : memref<2x5x128xi32, #tpu.memory_space<vmem>>, vector<1x1x16xi32>,
      %get3A_892 = arith.constant 3 : i32
      %get3A_893 = arith.index_cast %rem3A_87 : i32 to index
      %get3A_894 = arith.index_cast %get3A_892 : i32 to index
      %get3A_895 = arith.constant 0 : index
      %get3A_896 = tpu.vector_load %arg5[%get3A_893, %get3A_894, %get3A_895] {strides = array<i32>} : memref<2x5x128xi32, #tpu.memory_space<vmem>>, vector<1x1x16xi32>,
      %get3A_897 = vector.shape_cast %get3A_896 : vector<1x1x16xi32> to vector<16xi32>
      %shift_right_arithmetic3A_898 = arith.constant 13 : i32
      %shift_right_arithmetic3A_899 = vector.broadcast %shift_right_arithmetic3A_898 : i32 to vector<16xi32>
      %shift_right_arithmetic3A_900 = arith.shrsi %get3A_897, %shift_right_arithmetic3A_899 : vector<16xi32>
      %shift_left3A_901 = arith.constant 13 : i32
      %shift_left3A_902 = vector.broadcast %shift_left3A_901 : i32 to vector<16xi32>
      %shift_left3A_903 = arith.shli %shift_right_arithmetic3A_900, %shift_left3A_902 : vector<16xi32>
      %and3A_904 = arith.constant 4095 : i32
      %and3A_905 = vector.broadcast %and3A_904 : i32 to vector<16xi32>
      %and3A_906 = arith.andi %get3A_897, %and3A_905 : vector<16xi32>
      %shift_left3A_907 = arith.constant 1 : i32
      %shift_left3A_908 = vector.broadcast %shift_left3A_907 : i32 to vector<16xi32>
      %shift_left3A_909 = arith.shli %and3A_906, %shift_left3A_908 : vector<16xi32>
      %add3A_910 = arith.addi %shift_left3A_903, %shift_left3A_909 : vector<16xi32>
      %shift_right_arithmetic3A_911 = arith.constant 12 : i32
      %shift_right_arithmetic3A_912 = vector.broadcast %shift_right_arithmetic3A_911 : i32 to vector<16xi32>
      %shift_right_arithmetic3A_913 = arith.shrsi %get3A_897, %shift_right_arithmetic3A_912 : vector<16xi32>
      %and3A_914 = arith.constant 1 : i32
      %and3A_915 = vector.broadcast %and3A_914 : i32 to vector<16xi32>
      %and3A_916 = arith.andi %shift_right_arithmetic3A_913, %and3A_915 : vector<16xi32>
      %add3A_917 = arith.addi %add3A_910, %and3A_916 : vector<16xi32>
      %swap3A_918 = arith.constant 3 : i32
      %swap3A_919 = arith.index_cast %rem3A_87 : i32 to index
      %swap3A_920 = arith.index_cast %swap3A_918 : i32 to index
      %swap3A_921 = arith.constant 0 : index
      %swap3A_922 = tpu.vector_load %arg5[%swap3A_919, %swap3A_920, %swap3A_921] {strides = array<i32>} : memref<2x5x128xi32, #tpu.memory_space<vmem>>, vector<1x1x16xi32>,
      %swap3A_923 = vector.shape_cast %swap3A_922 : vector<1x1x16xi32> to vector<16xi32>
      %swap3A_924 = vector.shape_cast %add3A_917 : vector<16xi32> to vector<1x1x16xi32>
      tpu.vector_store %arg5[%swap3A_919, %swap3A_920, %swap3A_921], %swap3A_924 {strides = array<i32>} : memref<2x5x128xi32, #tpu.memory_space<vmem>>, vector<1x1x16xi32>,
      %get3A_925 = arith.constant 3 : i32
      %get3A_926 = arith.index_cast %rem3A_87 : i32 to index
      %get3A_927 = arith.index_cast %get3A_925 : i32 to index
      %get3A_928 = arith.constant 16 : index
      %get3A_929 = tpu.vector_load %arg5[%get3A_926, %get3A_927, %get3A_928] {strides = array<i32>} : memref<2x5x128xi32, #tpu.memory_space<vmem>>, vector<1x1x16xi32>,
      %get3A_930 = vector.shape_cast %get3A_929 : vector<1x1x16xi32> to vector<16xi32>
      %shift_right_arithmetic3A_931 = arith.constant 13 : i32
      %shift_right_arithmetic3A_932 = vector.broadcast %shift_right_arithmetic3A_931 : i32 to vector<16xi32>
      %shift_right_arithmetic3A_933 = arith.shrsi %get3A_930, %shift_right_arithmetic3A_932 : vector<16xi32>
      %shift_left3A_934 = arith.constant 13 : i32
      %shift_left3A_935 = vector.broadcast %shift_left3A_934 : i32 to vector<16xi32>
      %shift_left3A_936 = arith.shli %shift_right_arithmetic3A_933, %shift_left3A_935 : vector<16xi32>
      %and3A_937 = arith.constant 4095 : i32
      %and3A_938 = vector.broadcast %and3A_937 : i32 to vector<16xi32>
      %and3A_939 = arith.andi %get3A_930, %and3A_938 : vector<16xi32>
      %shift_left3A_940 = arith.constant 1 : i32
      %shift_left3A_941 = vector.broadcast %shift_left3A_940 : i32 to vector<16xi32>
      %shift_left3A_942 = arith.shli %and3A_939, %shift_left3A_941 : vector<16xi32>
      %add3A_943 = arith.addi %shift_left3A_936, %shift_left3A_942 : vector<16xi32>
      %shift_right_arithmetic3A_944 = arith.constant 12 : i32
      %shift_right_arithmetic3A_945 = vector.broadcast %shift_right_arithmetic3A_944 : i32 to vector<16xi32>
      %shift_right_arithmetic3A_946 = arith.shrsi %get3A_930, %shift_right_arithmetic3A_945 : vector<16xi32>
      %and3A_947 = arith.constant 1 : i32
      %and3A_948 = vector.broadcast %and3A_947 : i32 to vector<16xi32>
      %and3A_949 = arith.andi %shift_right_arithmetic3A_946, %and3A_948 : vector<16xi32>
      %add3A_950 = arith.addi %add3A_943, %and3A_949 : vector<16xi32>
      %swap3A_951 = arith.constant 3 : i32
      %swap3A_952 = arith.index_cast %rem3A_87 : i32 to index
      %swap3A_953 = arith.index_cast %swap3A_951 : i32 to index
      %swap3A_954 = arith.constant 16 : index
      %swap3A_955 = tpu.vector_load %arg5[%swap3A_952, %swap3A_953, %swap3A_954] {strides = array<i32>} : memref<2x5x128xi32, #tpu.memory_space<vmem>>, vector<1x1x16xi32>,
      %swap3A_956 = vector.shape_cast %swap3A_955 : vector<1x1x16xi32> to vector<16xi32>
      %swap3A_957 = vector.shape_cast %add3A_950 : vector<16xi32> to vector<1x1x16xi32>
      tpu.vector_store %arg5[%swap3A_952, %swap3A_953, %swap3A_954], %swap3A_957 {strides = array<i32>} : memref<2x5x128xi32, #tpu.memory_space<vmem>>, vector<1x1x16xi32>,
      %get3A_958 = arith.constant 3 : i32
      %get3A_959 = arith.index_cast %rem3A_87 : i32 to index
      %get3A_960 = arith.index_cast %get3A_958 : i32 to index
      %get3A_961 = arith.constant 32 : index
      %get3A_962 = tpu.vector_load %arg5[%get3A_959, %get3A_960, %get3A_961] {strides = array<i32>} : memref<2x5x128xi32, #tpu.memory_space<vmem>>, vector<1x1x16xi32>,
      %get3A_963 = vector.shape_cast %get3A_962 : vector<1x1x16xi32> to vector<16xi32>
      %shift_right_arithmetic3A_964 = arith.constant 13 : i32
      %shift_right_arithmetic3A_965 = vector.broadcast %shift_right_arithmetic3A_964 : i32 to vector<16xi32>
      %shift_right_arithmetic3A_966 = arith.shrsi %get3A_963, %shift_right_arithmetic3A_965 : vector<16xi32>
      %shift_left3A_967 = arith.constant 13 : i32
      %shift_left3A_968 = vector.broadcast %shift_left3A_967 : i32 to vector<16xi32>
      %shift_left3A_969 = arith.shli %shift_right_arithmetic3A_966, %shift_left3A_968 : vector<16xi32>
      %and3A_970 = arith.constant 4095 : i32
      %and3A_971 = vector.broadcast %and3A_970 : i32 to vector<16xi32>
      %and3A_972 = arith.andi %get3A_963, %and3A_971 : vector<16xi32>
      %shift_left3A_973 = arith.constant 1 : i32
      %shift_left3A_974 = vector.broadcast %shift_left3A_973 : i32 to vector<16xi32>
      %shift_left3A_975 = arith.shli %and3A_972, %shift_left3A_974 : vector<16xi32>
      %add3A_976 = arith.addi %shift_left3A_969, %shift_left3A_975 : vector<16xi32>
      %shift_right_arithmetic3A_977 = arith.constant 12 : i32
      %shift_right_arithmetic3A_978 = vector.broadcast %shift_right_arithmetic3A_977 : i32 to vector<16xi32>
      %shift_right_arithmetic3A_979 = arith.shrsi %get3A_963, %shift_right_arithmetic3A_978 : vector<16xi32>
      %and3A_980 = arith.constant 1 : i32
      %and3A_981 = vector.broadcast %and3A_980 : i32 to vector<16xi32>
      %and3A_982 = arith.andi %shift_right_arithmetic3A_979, %and3A_981 : vector<16xi32>
      %add3A_983 = arith.addi %add3A_976, %and3A_982 : vector<16xi32>
      %swap3A_984 = arith.constant 3 : i32
      %swap3A_985 = arith.index_cast %rem3A_87 : i32 to index
      %swap3A_986 = arith.index_cast %swap3A_984 : i32 to index
      %swap3A_987 = arith.constant 32 : index
      %swap3A_988 = tpu.vector_load %arg5[%swap3A_985, %swap3A_986, %swap3A_987] {strides = array<i32>} : memref<2x5x128xi32, #tpu.memory_space<vmem>>, vector<1x1x16xi32>,
      %swap3A_989 = vector.shape_cast %swap3A_988 : vector<1x1x16xi32> to vector<16xi32>
      %swap3A_990 = vector.shape_cast %add3A_983 : vector<16xi32> to vector<1x1x16xi32>
      tpu.vector_store %arg5[%swap3A_985, %swap3A_986, %swap3A_987], %swap3A_990 {strides = array<i32>} : memref<2x5x128xi32, #tpu.memory_space<vmem>>, vector<1x1x16xi32>,
      %get3A_991 = arith.constant 3 : i32
      %get3A_992 = arith.index_cast %rem3A_87 : i32 to index
      %get3A_993 = arith.index_cast %get3A_991 : i32 to index
      %get3A_994 = arith.constant 48 : index
      %get3A_995 = tpu.vector_load %arg5[%get3A_992, %get3A_993, %get3A_994] {strides = array<i32>} : memref<2x5x128xi32, #tpu.memory_space<vmem>>, vector<1x1x16xi32>,
      %get3A_996 = vector.shape_cast %get3A_995 : vector<1x1x16xi32> to vector<16xi32>
      %shift_right_arithmetic3A_997 = arith.constant 13 : i32
      %shift_right_arithmetic3A_998 = vector.broadcast %shift_right_arithmetic3A_997 : i32 to vector<16xi32>
      %shift_right_arithmetic3A_999 = arith.shrsi %get3A_996, %shift_right_arithmetic3A_998 : vector<16xi32>
      %shift_left3A_1000 = arith.constant 13 : i32
      %shift_left3A_1001 = vector.broadcast %shift_left3A_1000 : i32 to vector<16xi32>
      %shift_left3A_1002 = arith.shli %shift_right_arithmetic3A_999, %shift_left3A_1001 : vector<16xi32>
      %and3A_1003 = arith.constant 4095 : i32
      %and3A_1004 = vector.broadcast %and3A_1003 : i32 to vector<16xi32>
      %and3A_1005 = arith.andi %get3A_996, %and3A_1004 : vector<16xi32>
      %shift_left3A_1006 = arith.constant 1 : i32
      %shift_left3A_1007 = vector.broadcast %shift_left3A_1006 : i32 to vector<16xi32>
      %shift_left3A_1008 = arith.shli %and3A_1005, %shift_left3A_1007 : vector<16xi32>
      %add3A_1009 = arith.addi %shift_left3A_1002, %shift_left3A_1008 : vector<16xi32>
      %shift_right_arithmetic3A_1010 = arith.constant 12 : i32
      %shift_right_arithmetic3A_1011 = vector.broadcast %shift_right_arithmetic3A_1010 : i32 to vector<16xi32>
      %shift_right_arithmetic3A_1012 = arith.shrsi %get3A_996, %shift_right_arithmetic3A_1011 : vector<16xi32>
      %and3A_1013 = arith.constant 1 : i32
      %and3A_1014 = vector.broadcast %and3A_1013 : i32 to vector<16xi32>
      %and3A_1015 = arith.andi %shift_right_arithmetic3A_1012, %and3A_1014 : vector<16xi32>
      %add3A_1016 = arith.addi %add3A_1009, %and3A_1015 : vector<16xi32>
      %swap3A_1017 = arith.constant 3 : i32
      %swap3A_1018 = arith.index_cast %rem3A_87 : i32 to index
      %swap3A_1019 = arith.index_cast %swap3A_1017 : i32 to index
      %swap3A_1020 = arith.constant 48 : index
      %swap3A_1021 = tpu.vector_load %arg5[%swap3A_1018, %swap3A_1019, %swap3A_1020] {strides = array<i32>} : memref<2x5x128xi32, #tpu.memory_space<vmem>>, vector<1x1x16xi32>,
      %swap3A_1022 = vector.shape_cast %swap3A_1021 : vector<1x1x16xi32> to vector<16xi32>
      %swap3A_1023 = vector.shape_cast %add3A_1016 : vector<16xi32> to vector<1x1x16xi32>
      tpu.vector_store %arg5[%swap3A_1018, %swap3A_1019, %swap3A_1020], %swap3A_1023 {strides = array<i32>} : memref<2x5x128xi32, #tpu.memory_space<vmem>>, vector<1x1x16xi32>,
      %get3A_1024 = arith.constant 3 : i32
      %get3A_1025 = arith.index_cast %rem3A_87 : i32 to index
      %get3A_1026 = arith.index_cast %get3A_1024 : i32 to index
      %get3A_1027 = arith.constant 64 : index
      %get3A_1028 = tpu.vector_load %arg5[%get3A_1025, %get3A_1026, %get3A_1027] {strides = array<i32>} : memref<2x5x128xi32, #tpu.memory_space<vmem>>, vector<1x1x16xi32>,
      %get3A_1029 = vector.shape_cast %get3A_1028 : vector<1x1x16xi32> to vector<16xi32>
      %shift_right_arithmetic3A_1030 = arith.constant 13 : i32
      %shift_right_arithmetic3A_1031 = vector.broadcast %shift_right_arithmetic3A_1030 : i32 to vector<16xi32>
      %shift_right_arithmetic3A_1032 = arith.shrsi %get3A_1029, %shift_right_arithmetic3A_1031 : vector<16xi32>
      %shift_left3A_1033 = arith.constant 13 : i32
      %shift_left3A_1034 = vector.broadcast %shift_left3A_1033 : i32 to vector<16xi32>
      %shift_left3A_1035 = arith.shli %shift_right_arithmetic3A_1032, %shift_left3A_1034 : vector<16xi32>
      %and3A_1036 = arith.constant 4095 : i32
      %and3A_1037 = vector.broadcast %and3A_1036 : i32 to vector<16xi32>
      %and3A_1038 = arith.andi %get3A_1029, %and3A_1037 : vector<16xi32>
      %shift_left3A_1039 = arith.constant 1 : i32
      %shift_left3A_1040 = vector.broadcast %shift_left3A_1039 : i32 to vector<16xi32>
      %shift_left3A_1041 = arith.shli %and3A_1038, %shift_left3A_1040 : vector<16xi32>
      %add3A_1042 = arith.addi %shift_left3A_1035, %shift_left3A_1041 : vector<16xi32>
      %shift_right_arithmetic3A_1043 = arith.constant 12 : i32
      %shift_right_arithmetic3A_1044 = vector.broadcast %shift_right_arithmetic3A_1043 : i32 to vector<16xi32>
      %shift_right_arithmetic3A_1045 = arith.shrsi %get3A_1029, %shift_right_arithmetic3A_1044 : vector<16xi32>
      %and3A_1046 = arith.constant 1 : i32
      %and3A_1047 = vector.broadcast %and3A_1046 : i32 to vector<16xi32>
      %and3A_1048 = arith.andi %shift_right_arithmetic3A_1045, %and3A_1047 : vector<16xi32>
      %add3A_1049 = arith.addi %add3A_1042, %and3A_1048 : vector<16xi32>
      %swap3A_1050 = arith.constant 3 : i32
      %swap3A_1051 = arith.index_cast %rem3A_87 : i32 to index
      %swap3A_1052 = arith.index_cast %swap3A_1050 : i32 to index
      %swap3A_1053 = arith.constant 64 : index
      %swap3A_1054 = tpu.vector_load %arg5[%swap3A_1051, %swap3A_1052, %swap3A_1053] {strides = array<i32>} : memref<2x5x128xi32, #tpu.memory_space<vmem>>, vector<1x1x16xi32>,
      %swap3A_1055 = vector.shape_cast %swap3A_1054 : vector<1x1x16xi32> to vector<16xi32>
      %swap3A_1056 = vector.shape_cast %add3A_1049 : vector<16xi32> to vector<1x1x16xi32>
      tpu.vector_store %arg5[%swap3A_1051, %swap3A_1052, %swap3A_1053], %swap3A_1056 {strides = array<i32>} : memref<2x5x128xi32, #tpu.memory_space<vmem>>, vector<1x1x16xi32>,
      %get3A_1057 = arith.constant 3 : i32
      %get3A_1058 = arith.index_cast %rem3A_87 : i32 to index
      %get3A_1059 = arith.index_cast %get3A_1057 : i32 to index
      %get3A_1060 = arith.constant 80 : index
      %get3A_1061 = tpu.vector_load %arg5[%get3A_1058, %get3A_1059, %get3A_1060] {strides = array<i32>} : memref<2x5x128xi32, #tpu.memory_space<vmem>>, vector<1x1x16xi32>,
      %get3A_1062 = vector.shape_cast %get3A_1061 : vector<1x1x16xi32> to vector<16xi32>
      %shift_right_arithmetic3A_1063 = arith.constant 13 : i32
      %shift_right_arithmetic3A_1064 = vector.broadcast %shift_right_arithmetic3A_1063 : i32 to vector<16xi32>
      %shift_right_arithmetic3A_1065 = arith.shrsi %get3A_1062, %shift_right_arithmetic3A_1064 : vector<16xi32>
      %shift_left3A_1066 = arith.constant 13 : i32
      %shift_left3A_1067 = vector.broadcast %shift_left3A_1066 : i32 to vector<16xi32>
      %shift_left3A_1068 = arith.shli %shift_right_arithmetic3A_1065, %shift_left3A_1067 : vector<16xi32>
      %and3A_1069 = arith.constant 4095 : i32
      %and3A_1070 = vector.broadcast %and3A_1069 : i32 to vector<16xi32>
      %and3A_1071 = arith.andi %get3A_1062, %and3A_1070 : vector<16xi32>
      %shift_left3A_1072 = arith.constant 1 : i32
      %shift_left3A_1073 = vector.broadcast %shift_left3A_1072 : i32 to vector<16xi32>
      %shift_left3A_1074 = arith.shli %and3A_1071, %shift_left3A_1073 : vector<16xi32>
      %add3A_1075 = arith.addi %shift_left3A_1068, %shift_left3A_1074 : vector<16xi32>
      %shift_right_arithmetic3A_1076 = arith.constant 12 : i32
      %shift_right_arithmetic3A_1077 = vector.broadcast %shift_right_arithmetic3A_1076 : i32 to vector<16xi32>
      %shift_right_arithmetic3A_1078 = arith.shrsi %get3A_1062, %shift_right_arithmetic3A_1077 : vector<16xi32>
      %and3A_1079 = arith.constant 1 : i32
      %and3A_1080 = vector.broadcast %and3A_1079 : i32 to vector<16xi32>
      %and3A_1081 = arith.andi %shift_right_arithmetic3A_1078, %and3A_1080 : vector<16xi32>
      %add3A_1082 = arith.addi %add3A_1075, %and3A_1081 : vector<16xi32>
      %swap3A_1083 = arith.constant 3 : i32
      %swap3A_1084 = arith.index_cast %rem3A_87 : i32 to index
      %swap3A_1085 = arith.index_cast %swap3A_1083 : i32 to index
      %swap3A_1086 = arith.constant 80 : index
      %swap3A_1087 = tpu.vector_load %arg5[%swap3A_1084, %swap3A_1085, %swap3A_1086] {strides = array<i32>} : memref<2x5x128xi32, #tpu.memory_space<vmem>>, vector<1x1x16xi32>,
      %swap3A_1088 = vector.shape_cast %swap3A_1087 : vector<1x1x16xi32> to vector<16xi32>
      %swap3A_1089 = vector.shape_cast %add3A_1082 : vector<16xi32> to vector<1x1x16xi32>
      tpu.vector_store %arg5[%swap3A_1084, %swap3A_1085, %swap3A_1086], %swap3A_1089 {strides = array<i32>} : memref<2x5x128xi32, #tpu.memory_space<vmem>>, vector<1x1x16xi32>,
      %get3A_1090 = arith.constant 3 : i32
      %get3A_1091 = arith.index_cast %rem3A_87 : i32 to index
      %get3A_1092 = arith.index_cast %get3A_1090 : i32 to index
      %get3A_1093 = arith.constant 96 : index
      %get3A_1094 = tpu.vector_load %arg5[%get3A_1091, %get3A_1092, %get3A_1093] {strides = array<i32>} : memref<2x5x128xi32, #tpu.memory_space<vmem>>, vector<1x1x16xi32>,
      %get3A_1095 = vector.shape_cast %get3A_1094 : vector<1x1x16xi32> to vector<16xi32>
      %shift_right_arithmetic3A_1096 = arith.constant 13 : i32
      %shift_right_arithmetic3A_1097 = vector.broadcast %shift_right_arithmetic3A_1096 : i32 to vector<16xi32>
      %shift_right_arithmetic3A_1098 = arith.shrsi %get3A_1095, %shift_right_arithmetic3A_1097 : vector<16xi32>
      %shift_left3A_1099 = arith.constant 13 : i32
      %shift_left3A_1100 = vector.broadcast %shift_left3A_1099 : i32 to vector<16xi32>
      %shift_left3A_1101 = arith.shli %shift_right_arithmetic3A_1098, %shift_left3A_1100 : vector<16xi32>
      %and3A_1102 = arith.constant 4095 : i32
      %and3A_1103 = vector.broadcast %and3A_1102 : i32 to vector<16xi32>
      %and3A_1104 = arith.andi %get3A_1095, %and3A_1103 : vector<16xi32>
      %shift_left3A_1105 = arith.constant 1 : i32
      %shift_left3A_1106 = vector.broadcast %shift_left3A_1105 : i32 to vector<16xi32>
      %shift_left3A_1107 = arith.shli %and3A_1104, %shift_left3A_1106 : vector<16xi32>
      %add3A_1108 = arith.addi %shift_left3A_1101, %shift_left3A_1107 : vector<16xi32>
      %shift_right_arithmetic3A_1109 = arith.constant 12 : i32
      %shift_right_arithmetic3A_1110 = vector.broadcast %shift_right_arithmetic3A_1109 : i32 to vector<16xi32>
      %shift_right_arithmetic3A_1111 = arith.shrsi %get3A_1095, %shift_right_arithmetic3A_1110 : vector<16xi32>
      %and3A_1112 = arith.constant 1 : i32
      %and3A_1113 = vector.broadcast %and3A_1112 : i32 to vector<16xi32>
      %and3A_1114 = arith.andi %shift_right_arithmetic3A_1111, %and3A_1113 : vector<16xi32>
      %add3A_1115 = arith.addi %add3A_1108, %and3A_1114 : vector<16xi32>
      %swap3A_1116 = arith.constant 3 : i32
      %swap3A_1117 = arith.index_cast %rem3A_87 : i32 to index
      %swap3A_1118 = arith.index_cast %swap3A_1116 : i32 to index
      %swap3A_1119 = arith.constant 96 : index
      %swap3A_1120 = tpu.vector_load %arg5[%swap3A_1117, %swap3A_1118, %swap3A_1119] {strides = array<i32>} : memref<2x5x128xi32, #tpu.memory_space<vmem>>, vector<1x1x16xi32>,
      %swap3A_1121 = vector.shape_cast %swap3A_1120 : vector<1x1x16xi32> to vector<16xi32>
      %swap3A_1122 = vector.shape_cast %add3A_1115 : vector<16xi32> to vector<1x1x16xi32>
      tpu.vector_store %arg5[%swap3A_1117, %swap3A_1118, %swap3A_1119], %swap3A_1122 {strides = array<i32>} : memref<2x5x128xi32, #tpu.memory_space<vmem>>, vector<1x1x16xi32>,
      %get3A_1123 = arith.constant 3 : i32
      %get3A_1124 = arith.index_cast %rem3A_87 : i32 to index
      %get3A_1125 = arith.index_cast %get3A_1123 : i32 to index
      %get3A_1126 = arith.constant 112 : index
      %get3A_1127 = tpu.vector_load %arg5[%get3A_1124, %get3A_1125, %get3A_1126] {strides = array<i32>} : memref<2x5x128xi32, #tpu.memory_space<vmem>>, vector<1x1x16xi32>,
      %get3A_1128 = vector.shape_cast %get3A_1127 : vector<1x1x16xi32> to vector<16xi32>
      %shift_right_arithmetic3A_1129 = arith.constant 13 : i32
      %shift_right_arithmetic3A_1130 = vector.broadcast %shift_right_arithmetic3A_1129 : i32 to vector<16xi32>
      %shift_right_arithmetic3A_1131 = arith.shrsi %get3A_1128, %shift_right_arithmetic3A_1130 : vector<16xi32>
      %shift_left3A_1132 = arith.constant 13 : i32
      %shift_left3A_1133 = vector.broadcast %shift_left3A_1132 : i32 to vector<16xi32>
      %shift_left3A_1134 = arith.shli %shift_right_arithmetic3A_1131, %shift_left3A_1133 : vector<16xi32>
      %and3A_1135 = arith.constant 4095 : i32
      %and3A_1136 = vector.broadcast %and3A_1135 : i32 to vector<16xi32>
      %and3A_1137 = arith.andi %get3A_1128, %and3A_1136 : vector<16xi32>
      %shift_left3A_1138 = arith.constant 1 : i32
      %shift_left3A_1139 = vector.broadcast %shift_left3A_1138 : i32 to vector<16xi32>
      %shift_left3A_1140 = arith.shli %and3A_1137, %shift_left3A_1139 : vector<16xi32>
      %add3A_1141 = arith.addi %shift_left3A_1134, %shift_left3A_1140 : vector<16xi32>
      %shift_right_arithmetic3A_1142 = arith.constant 12 : i32
      %shift_right_arithmetic3A_1143 = vector.broadcast %shift_right_arithmetic3A_1142 : i32 to vector<16xi32>
      %shift_right_arithmetic3A_1144 = arith.shrsi %get3A_1128, %shift_right_arithmetic3A_1143 : vector<16xi32>
      %and3A_1145 = arith.constant 1 : i32
      %and3A_1146 = vector.broadcast %and3A_1145 : i32 to vector<16xi32>
      %and3A_1147 = arith.andi %shift_right_arithmetic3A_1144, %and3A_1146 : vector<16xi32>
      %add3A_1148 = arith.addi %add3A_1141, %and3A_1147 : vector<16xi32>
      %swap3A_1149 = arith.constant 3 : i32
      %swap3A_1150 = arith.index_cast %rem3A_87 : i32 to index
      %swap3A_1151 = arith.index_cast %swap3A_1149 : i32 to index
      %swap3A_1152 = arith.constant 112 : index
      %swap3A_1153 = tpu.vector_load %arg5[%swap3A_1150, %swap3A_1151, %swap3A_1152] {strides = array<i32>} : memref<2x5x128xi32, #tpu.memory_space<vmem>>, vector<1x1x16xi32>,
      %swap3A_1154 = vector.shape_cast %swap3A_1153 : vector<1x1x16xi32> to vector<16xi32>
      %swap3A_1155 = vector.shape_cast %add3A_1148 : vector<16xi32> to vector<1x1x16xi32>
      tpu.vector_store %arg5[%swap3A_1150, %swap3A_1151, %swap3A_1152], %swap3A_1155 {strides = array<i32>} : memref<2x5x128xi32, #tpu.memory_space<vmem>>, vector<1x1x16xi32>,
      %get3A_1156 = arith.constant 4 : i32
      %get3A_1157 = arith.index_cast %rem3A_87 : i32 to index
      %get3A_1158 = arith.index_cast %get3A_1156 : i32 to index
      %get3A_1159 = arith.constant 0 : index
      %get3A_1160 = tpu.vector_load %arg5[%get3A_1157, %get3A_1158, %get3A_1159] {strides = array<i32>} : memref<2x5x128xi32, #tpu.memory_space<vmem>>, vector<1x1x16xi32>,
      %get3A_1161 = vector.shape_cast %get3A_1160 : vector<1x1x16xi32> to vector<16xi32>
      %shift_right_arithmetic3A_1162 = arith.constant 13 : i32
      %shift_right_arithmetic3A_1163 = vector.broadcast %shift_right_arithmetic3A_1162 : i32 to vector<16xi32>
      %shift_right_arithmetic3A_1164 = arith.shrsi %get3A_1161, %shift_right_arithmetic3A_1163 : vector<16xi32>
      %shift_left3A_1165 = arith.constant 13 : i32
      %shift_left3A_1166 = vector.broadcast %shift_left3A_1165 : i32 to vector<16xi32>
      %shift_left3A_1167 = arith.shli %shift_right_arithmetic3A_1164, %shift_left3A_1166 : vector<16xi32>
      %and3A_1168 = arith.constant 4095 : i32
      %and3A_1169 = vector.broadcast %and3A_1168 : i32 to vector<16xi32>
      %and3A_1170 = arith.andi %get3A_1161, %and3A_1169 : vector<16xi32>
      %shift_left3A_1171 = arith.constant 1 : i32
      %shift_left3A_1172 = vector.broadcast %shift_left3A_1171 : i32 to vector<16xi32>
      %shift_left3A_1173 = arith.shli %and3A_1170, %shift_left3A_1172 : vector<16xi32>
      %add3A_1174 = arith.addi %shift_left3A_1167, %shift_left3A_1173 : vector<16xi32>
      %shift_right_arithmetic3A_1175 = arith.constant 12 : i32
      %shift_right_arithmetic3A_1176 = vector.broadcast %shift_right_arithmetic3A_1175 : i32 to vector<16xi32>
      %shift_right_arithmetic3A_1177 = arith.shrsi %get3A_1161, %shift_right_arithmetic3A_1176 : vector<16xi32>
      %and3A_1178 = arith.constant 1 : i32
      %and3A_1179 = vector.broadcast %and3A_1178 : i32 to vector<16xi32>
      %and3A_1180 = arith.andi %shift_right_arithmetic3A_1177, %and3A_1179 : vector<16xi32>
      %add3A_1181 = arith.addi %add3A_1174, %and3A_1180 : vector<16xi32>
      %swap3A_1182 = arith.constant 4 : i32
      %swap3A_1183 = arith.index_cast %rem3A_87 : i32 to index
      %swap3A_1184 = arith.index_cast %swap3A_1182 : i32 to index
      %swap3A_1185 = arith.constant 0 : index
      %swap3A_1186 = tpu.vector_load %arg5[%swap3A_1183, %swap3A_1184, %swap3A_1185] {strides = array<i32>} : memref<2x5x128xi32, #tpu.memory_space<vmem>>, vector<1x1x16xi32>,
      %swap3A_1187 = vector.shape_cast %swap3A_1186 : vector<1x1x16xi32> to vector<16xi32>
      %swap3A_1188 = vector.shape_cast %add3A_1181 : vector<16xi32> to vector<1x1x16xi32>
      tpu.vector_store %arg5[%swap3A_1183, %swap3A_1184, %swap3A_1185], %swap3A_1188 {strides = array<i32>} : memref<2x5x128xi32, #tpu.memory_space<vmem>>, vector<1x1x16xi32>,
      %get3A_1189 = arith.constant 4 : i32
      %get3A_1190 = arith.index_cast %rem3A_87 : i32 to index
      %get3A_1191 = arith.index_cast %get3A_1189 : i32 to index
      %get3A_1192 = arith.constant 16 : index
      %get3A_1193 = tpu.vector_load %arg5[%get3A_1190, %get3A_1191, %get3A_1192] {strides = array<i32>} : memref<2x5x128xi32, #tpu.memory_space<vmem>>, vector<1x1x16xi32>,
      %get3A_1194 = vector.shape_cast %get3A_1193 : vector<1x1x16xi32> to vector<16xi32>
      %shift_right_arithmetic3A_1195 = arith.constant 13 : i32
      %shift_right_arithmetic3A_1196 = vector.broadcast %shift_right_arithmetic3A_1195 : i32 to vector<16xi32>
      %shift_right_arithmetic3A_1197 = arith.shrsi %get3A_1194, %shift_right_arithmetic3A_1196 : vector<16xi32>
      %shift_left3A_1198 = arith.constant 13 : i32
      %shift_left3A_1199 = vector.broadcast %shift_left3A_1198 : i32 to vector<16xi32>
      %shift_left3A_1200 = arith.shli %shift_right_arithmetic3A_1197, %shift_left3A_1199 : vector<16xi32>
      %and3A_1201 = arith.constant 4095 : i32
      %and3A_1202 = vector.broadcast %and3A_1201 : i32 to vector<16xi32>
      %and3A_1203 = arith.andi %get3A_1194, %and3A_1202 : vector<16xi32>
      %shift_left3A_1204 = arith.constant 1 : i32
      %shift_left3A_1205 = vector.broadcast %shift_left3A_1204 : i32 to vector<16xi32>
      %shift_left3A_1206 = arith.shli %and3A_1203, %shift_left3A_1205 : vector<16xi32>
      %add3A_1207 = arith.addi %shift_left3A_1200, %shift_left3A_1206 : vector<16xi32>
      %shift_right_arithmetic3A_1208 = arith.constant 12 : i32
      %shift_right_arithmetic3A_1209 = vector.broadcast %shift_right_arithmetic3A_1208 : i32 to vector<16xi32>
      %shift_right_arithmetic3A_1210 = arith.shrsi %get3A_1194, %shift_right_arithmetic3A_1209 : vector<16xi32>
      %and3A_1211 = arith.constant 1 : i32
      %and3A_1212 = vector.broadcast %and3A_1211 : i32 to vector<16xi32>
      %and3A_1213 = arith.andi %shift_right_arithmetic3A_1210, %and3A_1212 : vector<16xi32>
      %add3A_1214 = arith.addi %add3A_1207, %and3A_1213 : vector<16xi32>
      %swap3A_1215 = arith.constant 4 : i32
      %swap3A_1216 = arith.index_cast %rem3A_87 : i32 to index
      %swap3A_1217 = arith.index_cast %swap3A_1215 : i32 to index
      %swap3A_1218 = arith.constant 16 : index
      %swap3A_1219 = tpu.vector_load %arg5[%swap3A_1216, %swap3A_1217, %swap3A_1218] {strides = array<i32>} : memref<2x5x128xi32, #tpu.memory_space<vmem>>, vector<1x1x16xi32>,
      %swap3A_1220 = vector.shape_cast %swap3A_1219 : vector<1x1x16xi32> to vector<16xi32>
      %swap3A_1221 = vector.shape_cast %add3A_1214 : vector<16xi32> to vector<1x1x16xi32>
      tpu.vector_store %arg5[%swap3A_1216, %swap3A_1217, %swap3A_1218], %swap3A_1221 {strides = array<i32>} : memref<2x5x128xi32, #tpu.memory_space<vmem>>, vector<1x1x16xi32>,
      %get3A_1222 = arith.constant 4 : i32
      %get3A_1223 = arith.index_cast %rem3A_87 : i32 to index
      %get3A_1224 = arith.index_cast %get3A_1222 : i32 to index
      %get3A_1225 = arith.constant 32 : index
      %get3A_1226 = tpu.vector_load %arg5[%get3A_1223, %get3A_1224, %get3A_1225] {strides = array<i32>} : memref<2x5x128xi32, #tpu.memory_space<vmem>>, vector<1x1x16xi32>,
      %get3A_1227 = vector.shape_cast %get3A_1226 : vector<1x1x16xi32> to vector<16xi32>
      %shift_right_arithmetic3A_1228 = arith.constant 13 : i32
      %shift_right_arithmetic3A_1229 = vector.broadcast %shift_right_arithmetic3A_1228 : i32 to vector<16xi32>
      %shift_right_arithmetic3A_1230 = arith.shrsi %get3A_1227, %shift_right_arithmetic3A_1229 : vector<16xi32>
      %shift_left3A_1231 = arith.constant 13 : i32
      %shift_left3A_1232 = vector.broadcast %shift_left3A_1231 : i32 to vector<16xi32>
      %shift_left3A_1233 = arith.shli %shift_right_arithmetic3A_1230, %shift_left3A_1232 : vector<16xi32>
      %and3A_1234 = arith.constant 4095 : i32
      %and3A_1235 = vector.broadcast %and3A_1234 : i32 to vector<16xi32>
      %and3A_1236 = arith.andi %get3A_1227, %and3A_1235 : vector<16xi32>
      %shift_left3A_1237 = arith.constant 1 : i32
      %shift_left3A_1238 = vector.broadcast %shift_left3A_1237 : i32 to vector<16xi32>
      %shift_left3A_1239 = arith.shli %and3A_1236, %shift_left3A_1238 : vector<16xi32>
      %add3A_1240 = arith.addi %shift_left3A_1233, %shift_left3A_1239 : vector<16xi32>
      %shift_right_arithmetic3A_1241 = arith.constant 12 : i32
      %shift_right_arithmetic3A_1242 = vector.broadcast %shift_right_arithmetic3A_1241 : i32 to vector<16xi32>
      %shift_right_arithmetic3A_1243 = arith.shrsi %get3A_1227, %shift_right_arithmetic3A_1242 : vector<16xi32>
      %and3A_1244 = arith.constant 1 : i32
      %and3A_1245 = vector.broadcast %and3A_1244 : i32 to vector<16xi32>
      %and3A_1246 = arith.andi %shift_right_arithmetic3A_1243, %and3A_1245 : vector<16xi32>
      %add3A_1247 = arith.addi %add3A_1240, %and3A_1246 : vector<16xi32>
      %swap3A_1248 = arith.constant 4 : i32
      %swap3A_1249 = arith.index_cast %rem3A_87 : i32 to index
      %swap3A_1250 = arith.index_cast %swap3A_1248 : i32 to index
      %swap3A_1251 = arith.constant 32 : index
      %swap3A_1252 = tpu.vector_load %arg5[%swap3A_1249, %swap3A_1250, %swap3A_1251] {strides = array<i32>} : memref<2x5x128xi32, #tpu.memory_space<vmem>>, vector<1x1x16xi32>,
      %swap3A_1253 = vector.shape_cast %swap3A_1252 : vector<1x1x16xi32> to vector<16xi32>
      %swap3A_1254 = vector.shape_cast %add3A_1247 : vector<16xi32> to vector<1x1x16xi32>
      tpu.vector_store %arg5[%swap3A_1249, %swap3A_1250, %swap3A_1251], %swap3A_1254 {strides = array<i32>} : memref<2x5x128xi32, #tpu.memory_space<vmem>>, vector<1x1x16xi32>,
      %get3A_1255 = arith.constant 4 : i32
      %get3A_1256 = arith.index_cast %rem3A_87 : i32 to index
      %get3A_1257 = arith.index_cast %get3A_1255 : i32 to index
      %get3A_1258 = arith.constant 48 : index
      %get3A_1259 = tpu.vector_load %arg5[%get3A_1256, %get3A_1257, %get3A_1258] {strides = array<i32>} : memref<2x5x128xi32, #tpu.memory_space<vmem>>, vector<1x1x16xi32>,
      %get3A_1260 = vector.shape_cast %get3A_1259 : vector<1x1x16xi32> to vector<16xi32>
      %shift_right_arithmetic3A_1261 = arith.constant 13 : i32
      %shift_right_arithmetic3A_1262 = vector.broadcast %shift_right_arithmetic3A_1261 : i32 to vector<16xi32>
      %shift_right_arithmetic3A_1263 = arith.shrsi %get3A_1260, %shift_right_arithmetic3A_1262 : vector<16xi32>
      %shift_left3A_1264 = arith.constant 13 : i32
      %shift_left3A_1265 = vector.broadcast %shift_left3A_1264 : i32 to vector<16xi32>
      %shift_left3A_1266 = arith.shli %shift_right_arithmetic3A_1263, %shift_left3A_1265 : vector<16xi32>
      %and3A_1267 = arith.constant 4095 : i32
      %and3A_1268 = vector.broadcast %and3A_1267 : i32 to vector<16xi32>
      %and3A_1269 = arith.andi %get3A_1260, %and3A_1268 : vector<16xi32>
      %shift_left3A_1270 = arith.constant 1 : i32
      %shift_left3A_1271 = vector.broadcast %shift_left3A_1270 : i32 to vector<16xi32>
      %shift_left3A_1272 = arith.shli %and3A_1269, %shift_left3A_1271 : vector<16xi32>
      %add3A_1273 = arith.addi %shift_left3A_1266, %shift_left3A_1272 : vector<16xi32>
      %shift_right_arithmetic3A_1274 = arith.constant 12 : i32
      %shift_right_arithmetic3A_1275 = vector.broadcast %shift_right_arithmetic3A_1274 : i32 to vector<16xi32>
      %shift_right_arithmetic3A_1276 = arith.shrsi %get3A_1260, %shift_right_arithmetic3A_1275 : vector<16xi32>
      %and3A_1277 = arith.constant 1 : i32
      %and3A_1278 = vector.broadcast %and3A_1277 : i32 to vector<16xi32>
      %and3A_1279 = arith.andi %shift_right_arithmetic3A_1276, %and3A_1278 : vector<16xi32>
      %add3A_1280 = arith.addi %add3A_1273, %and3A_1279 : vector<16xi32>
      %swap3A_1281 = arith.constant 4 : i32
      %swap3A_1282 = arith.index_cast %rem3A_87 : i32 to index
      %swap3A_1283 = arith.index_cast %swap3A_1281 : i32 to index
      %swap3A_1284 = arith.constant 48 : index
      %swap3A_1285 = tpu.vector_load %arg5[%swap3A_1282, %swap3A_1283, %swap3A_1284] {strides = array<i32>} : memref<2x5x128xi32, #tpu.memory_space<vmem>>, vector<1x1x16xi32>,
      %swap3A_1286 = vector.shape_cast %swap3A_1285 : vector<1x1x16xi32> to vector<16xi32>
      %swap3A_1287 = vector.shape_cast %add3A_1280 : vector<16xi32> to vector<1x1x16xi32>
      tpu.vector_store %arg5[%swap3A_1282, %swap3A_1283, %swap3A_1284], %swap3A_1287 {strides = array<i32>} : memref<2x5x128xi32, #tpu.memory_space<vmem>>, vector<1x1x16xi32>,
      %get3A_1288 = arith.constant 4 : i32
      %get3A_1289 = arith.index_cast %rem3A_87 : i32 to index
      %get3A_1290 = arith.index_cast %get3A_1288 : i32 to index
      %get3A_1291 = arith.constant 64 : index
      %get3A_1292 = tpu.vector_load %arg5[%get3A_1289, %get3A_1290, %get3A_1291] {strides = array<i32>} : memref<2x5x128xi32, #tpu.memory_space<vmem>>, vector<1x1x16xi32>,
      %get3A_1293 = vector.shape_cast %get3A_1292 : vector<1x1x16xi32> to vector<16xi32>
      %shift_right_arithmetic3A_1294 = arith.constant 13 : i32
      %shift_right_arithmetic3A_1295 = vector.broadcast %shift_right_arithmetic3A_1294 : i32 to vector<16xi32>
      %shift_right_arithmetic3A_1296 = arith.shrsi %get3A_1293, %shift_right_arithmetic3A_1295 : vector<16xi32>
      %shift_left3A_1297 = arith.constant 13 : i32
      %shift_left3A_1298 = vector.broadcast %shift_left3A_1297 : i32 to vector<16xi32>
      %shift_left3A_1299 = arith.shli %shift_right_arithmetic3A_1296, %shift_left3A_1298 : vector<16xi32>
      %and3A_1300 = arith.constant 4095 : i32
      %and3A_1301 = vector.broadcast %and3A_1300 : i32 to vector<16xi32>
      %and3A_1302 = arith.andi %get3A_1293, %and3A_1301 : vector<16xi32>
      %shift_left3A_1303 = arith.constant 1 : i32
      %shift_left3A_1304 = vector.broadcast %shift_left3A_1303 : i32 to vector<16xi32>
      %shift_left3A_1305 = arith.shli %and3A_1302, %shift_left3A_1304 : vector<16xi32>
      %add3A_1306 = arith.addi %shift_left3A_1299, %shift_left3A_1305 : vector<16xi32>
      %shift_right_arithmetic3A_1307 = arith.constant 12 : i32
      %shift_right_arithmetic3A_1308 = vector.broadcast %shift_right_arithmetic3A_1307 : i32 to vector<16xi32>
      %shift_right_arithmetic3A_1309 = arith.shrsi %get3A_1293, %shift_right_arithmetic3A_1308 : vector<16xi32>
      %and3A_1310 = arith.constant 1 : i32
      %and3A_1311 = vector.broadcast %and3A_1310 : i32 to vector<16xi32>
      %and3A_1312 = arith.andi %shift_right_arithmetic3A_1309, %and3A_1311 : vector<16xi32>
      %add3A_1313 = arith.addi %add3A_1306, %and3A_1312 : vector<16xi32>
      %swap3A_1314 = arith.constant 4 : i32
      %swap3A_1315 = arith.index_cast %rem3A_87 : i32 to index
      %swap3A_1316 = arith.index_cast %swap3A_1314 : i32 to index
      %swap3A_1317 = arith.constant 64 : index
      %swap3A_1318 = tpu.vector_load %arg5[%swap3A_1315, %swap3A_1316, %swap3A_1317] {strides = array<i32>} : memref<2x5x128xi32, #tpu.memory_space<vmem>>, vector<1x1x16xi32>,
      %swap3A_1319 = vector.shape_cast %swap3A_1318 : vector<1x1x16xi32> to vector<16xi32>
      %swap3A_1320 = vector.shape_cast %add3A_1313 : vector<16xi32> to vector<1x1x16xi32>
      tpu.vector_store %arg5[%swap3A_1315, %swap3A_1316, %swap3A_1317], %swap3A_1320 {strides = array<i32>} : memref<2x5x128xi32, #tpu.memory_space<vmem>>, vector<1x1x16xi32>,
      %get3A_1321 = arith.constant 4 : i32
      %get3A_1322 = arith.index_cast %rem3A_87 : i32 to index
      %get3A_1323 = arith.index_cast %get3A_1321 : i32 to index
      %get3A_1324 = arith.constant 80 : index
      %get3A_1325 = tpu.vector_load %arg5[%get3A_1322, %get3A_1323, %get3A_1324] {strides = array<i32>} : memref<2x5x128xi32, #tpu.memory_space<vmem>>, vector<1x1x16xi32>,
      %get3A_1326 = vector.shape_cast %get3A_1325 : vector<1x1x16xi32> to vector<16xi32>
      %shift_right_arithmetic3A_1327 = arith.constant 13 : i32
      %shift_right_arithmetic3A_1328 = vector.broadcast %shift_right_arithmetic3A_1327 : i32 to vector<16xi32>
      %shift_right_arithmetic3A_1329 = arith.shrsi %get3A_1326, %shift_right_arithmetic3A_1328 : vector<16xi32>
      %shift_left3A_1330 = arith.constant 13 : i32
      %shift_left3A_1331 = vector.broadcast %shift_left3A_1330 : i32 to vector<16xi32>
      %shift_left3A_1332 = arith.shli %shift_right_arithmetic3A_1329, %shift_left3A_1331 : vector<16xi32>
      %and3A_1333 = arith.constant 4095 : i32
      %and3A_1334 = vector.broadcast %and3A_1333 : i32 to vector<16xi32>
      %and3A_1335 = arith.andi %get3A_1326, %and3A_1334 : vector<16xi32>
      %shift_left3A_1336 = arith.constant 1 : i32
      %shift_left3A_1337 = vector.broadcast %shift_left3A_1336 : i32 to vector<16xi32>
      %shift_left3A_1338 = arith.shli %and3A_1335, %shift_left3A_1337 : vector<16xi32>
      %add3A_1339 = arith.addi %shift_left3A_1332, %shift_left3A_1338 : vector<16xi32>
      %shift_right_arithmetic3A_1340 = arith.constant 12 : i32
      %shift_right_arithmetic3A_1341 = vector.broadcast %shift_right_arithmetic3A_1340 : i32 to vector<16xi32>
      %shift_right_arithmetic3A_1342 = arith.shrsi %get3A_1326, %shift_right_arithmetic3A_1341 : vector<16xi32>
      %and3A_1343 = arith.constant 1 : i32
      %and3A_1344 = vector.broadcast %and3A_1343 : i32 to vector<16xi32>
      %and3A_1345 = arith.andi %shift_right_arithmetic3A_1342, %and3A_1344 : vector<16xi32>
      %add3A_1346 = arith.addi %add3A_1339, %and3A_1345 : vector<16xi32>
      %swap3A_1347 = arith.constant 4 : i32
      %swap3A_1348 = arith.index_cast %rem3A_87 : i32 to index
      %swap3A_1349 = arith.index_cast %swap3A_1347 : i32 to index
      %swap3A_1350 = arith.constant 80 : index
      %swap3A_1351 = tpu.vector_load %arg5[%swap3A_1348, %swap3A_1349, %swap3A_1350] {strides = array<i32>} : memref<2x5x128xi32, #tpu.memory_space<vmem>>, vector<1x1x16xi32>,
      %swap3A_1352 = vector.shape_cast %swap3A_1351 : vector<1x1x16xi32> to vector<16xi32>
      %swap3A_1353 = vector.shape_cast %add3A_1346 : vector<16xi32> to vector<1x1x16xi32>
      tpu.vector_store %arg5[%swap3A_1348, %swap3A_1349, %swap3A_1350], %swap3A_1353 {strides = array<i32>} : memref<2x5x128xi32, #tpu.memory_space<vmem>>, vector<1x1x16xi32>,
      %get3A_1354 = arith.constant 4 : i32
      %get3A_1355 = arith.index_cast %rem3A_87 : i32 to index
      %get3A_1356 = arith.index_cast %get3A_1354 : i32 to index
      %get3A_1357 = arith.constant 96 : index
      %get3A_1358 = tpu.vector_load %arg5[%get3A_1355, %get3A_1356, %get3A_1357] {strides = array<i32>} : memref<2x5x128xi32, #tpu.memory_space<vmem>>, vector<1x1x16xi32>,
      %get3A_1359 = vector.shape_cast %get3A_1358 : vector<1x1x16xi32> to vector<16xi32>
      %shift_right_arithmetic3A_1360 = arith.constant 13 : i32
      %shift_right_arithmetic3A_1361 = vector.broadcast %shift_right_arithmetic3A_1360 : i32 to vector<16xi32>
      %shift_right_arithmetic3A_1362 = arith.shrsi %get3A_1359, %shift_right_arithmetic3A_1361 : vector<16xi32>
      %shift_left3A_1363 = arith.constant 13 : i32
      %shift_left3A_1364 = vector.broadcast %shift_left3A_1363 : i32 to vector<16xi32>
      %shift_left3A_1365 = arith.shli %shift_right_arithmetic3A_1362, %shift_left3A_1364 : vector<16xi32>
      %and3A_1366 = arith.constant 4095 : i32
      %and3A_1367 = vector.broadcast %and3A_1366 : i32 to vector<16xi32>
      %and3A_1368 = arith.andi %get3A_1359, %and3A_1367 : vector<16xi32>
      %shift_left3A_1369 = arith.constant 1 : i32
      %shift_left3A_1370 = vector.broadcast %shift_left3A_1369 : i32 to vector<16xi32>
      %shift_left3A_1371 = arith.shli %and3A_1368, %shift_left3A_1370 : vector<16xi32>
      %add3A_1372 = arith.addi %shift_left3A_1365, %shift_left3A_1371 : vector<16xi32>
      %shift_right_arithmetic3A_1373 = arith.constant 12 : i32
      %shift_right_arithmetic3A_1374 = vector.broadcast %shift_right_arithmetic3A_1373 : i32 to vector<16xi32>
      %shift_right_arithmetic3A_1375 = arith.shrsi %get3A_1359, %shift_right_arithmetic3A_1374 : vector<16xi32>
      %and3A_1376 = arith.constant 1 : i32
      %and3A_1377 = vector.broadcast %and3A_1376 : i32 to vector<16xi32>
      %and3A_1378 = arith.andi %shift_right_arithmetic3A_1375, %and3A_1377 : vector<16xi32>
      %add3A_1379 = arith.addi %add3A_1372, %and3A_1378 : vector<16xi32>
      %swap3A_1380 = arith.constant 4 : i32
      %swap3A_1381 = arith.index_cast %rem3A_87 : i32 to index
      %swap3A_1382 = arith.index_cast %swap3A_1380 : i32 to index
      %swap3A_1383 = arith.constant 96 : index
      %swap3A_1384 = tpu.vector_load %arg5[%swap3A_1381, %swap3A_1382, %swap3A_1383] {strides = array<i32>} : memref<2x5x128xi32, #tpu.memory_space<vmem>>, vector<1x1x16xi32>,
      %swap3A_1385 = vector.shape_cast %swap3A_1384 : vector<1x1x16xi32> to vector<16xi32>
      %swap3A_1386 = vector.shape_cast %add3A_1379 : vector<16xi32> to vector<1x1x16xi32>
      tpu.vector_store %arg5[%swap3A_1381, %swap3A_1382, %swap3A_1383], %swap3A_1386 {strides = array<i32>} : memref<2x5x128xi32, #tpu.memory_space<vmem>>, vector<1x1x16xi32>,
      %get3A_1387 = arith.constant 4 : i32
      %get3A_1388 = arith.index_cast %rem3A_87 : i32 to index
      %get3A_1389 = arith.index_cast %get3A_1387 : i32 to index
      %get3A_1390 = arith.constant 112 : index
      %get3A_1391 = tpu.vector_load %arg5[%get3A_1388, %get3A_1389, %get3A_1390] {strides = array<i32>} : memref<2x5x128xi32, #tpu.memory_space<vmem>>, vector<1x1x16xi32>,
      %get3A_1392 = vector.shape_cast %get3A_1391 : vector<1x1x16xi32> to vector<16xi32>
      %shift_right_arithmetic3A_1393 = arith.constant 13 : i32
      %shift_right_arithmetic3A_1394 = vector.broadcast %shift_right_arithmetic3A_1393 : i32 to vector<16xi32>
      %shift_right_arithmetic3A_1395 = arith.shrsi %get3A_1392, %shift_right_arithmetic3A_1394 : vector<16xi32>
      %shift_left3A_1396 = arith.constant 13 : i32
      %shift_left3A_1397 = vector.broadcast %shift_left3A_1396 : i32 to vector<16xi32>
      %shift_left3A_1398 = arith.shli %shift_right_arithmetic3A_1395, %shift_left3A_1397 : vector<16xi32>
      %and3A_1399 = arith.constant 4095 : i32
      %and3A_1400 = vector.broadcast %and3A_1399 : i32 to vector<16xi32>
      %and3A_1401 = arith.andi %get3A_1392, %and3A_1400 : vector<16xi32>
      %shift_left3A_1402 = arith.constant 1 : i32
      %shift_left3A_1403 = vector.broadcast %shift_left3A_1402 : i32 to vector<16xi32>
      %shift_left3A_1404 = arith.shli %and3A_1401, %shift_left3A_1403 : vector<16xi32>
      %add3A_1405 = arith.addi %shift_left3A_1398, %shift_left3A_1404 : vector<16xi32>
      %shift_right_arithmetic3A_1406 = arith.constant 12 : i32
      %shift_right_arithmetic3A_1407 = vector.broadcast %shift_right_arithmetic3A_1406 : i32 to vector<16xi32>
      %shift_right_arithmetic3A_1408 = arith.shrsi %get3A_1392, %shift_right_arithmetic3A_1407 : vector<16xi32>
      %and3A_1409 = arith.constant 1 : i32
      %and3A_1410 = vector.broadcast %and3A_1409 : i32 to vector<16xi32>
      %and3A_1411 = arith.andi %shift_right_arithmetic3A_1408, %and3A_1410 : vector<16xi32>
      %add3A_1412 = arith.addi %add3A_1405, %and3A_1411 : vector<16xi32>
      %swap3A_1413 = arith.constant 4 : i32
      %swap3A_1414 = arith.index_cast %rem3A_87 : i32 to index
      %swap3A_1415 = arith.index_cast %swap3A_1413 : i32 to index
      %swap3A_1416 = arith.constant 112 : index
      %swap3A_1417 = tpu.vector_load %arg5[%swap3A_1414, %swap3A_1415, %swap3A_1416] {strides = array<i32>} : memref<2x5x128xi32, #tpu.memory_space<vmem>>, vector<1x1x16xi32>,
      %swap3A_1418 = vector.shape_cast %swap3A_1417 : vector<1x1x16xi32> to vector<16xi32>
      %swap3A_1419 = vector.shape_cast %add3A_1412 : vector<16xi32> to vector<1x1x16xi32>
      tpu.vector_store %arg5[%swap3A_1414, %swap3A_1415, %swap3A_1416], %swap3A_1419 {strides = array<i32>} : memref<2x5x128xi32, #tpu.memory_space<vmem>>, vector<1x1x16xi32>,
      %ge3A = arith.constant 2 : i32
      %ge3A_1420 = arith.cmpi sge, %scan3A_86, %ge3A : i32
      %convert_element_type3A = arith.extui %ge3A_1420 : i1 to i32
      %cond3A = arith.constant 0 : i32
      %cond3A_1421 = arith.cmpi ne, %convert_element_type3A, %cond3A : i32
      scf.if %cond3A_1421 {
        %sub3A = arith.constant 10 : i32
        %sub3A_1566 = arith.subi %add3A_90, %sub3A : i32
        %dma_wait3A_1567 = arith.constant 0 : i32
        %dma_wait3A_1568 = arith.constant 0 : i32
        %dma_wait3A_1569 = arith.constant 0 : i32
        %dma_wait3A_1570 = tpu.memref_slice %arg6[%rem3A_87, %dma_wait3A_1567, %dma_wait3A_1568, %dma_wait3A_1569] : memref<2x5x128x64xf32, #tpu.memory_space<vmem>> -> memref<1x5x128x64xf32, #tpu.memory_space<vmem>>
        %dma_wait3A_1571 = tpu.memref_squeeze %dma_wait3A_1570 : memref<1x5x128x64xf32, #tpu.memory_space<vmem>> -> memref<5x128x64xf32, #tpu.memory_space<vmem>>
        %dma_wait3A_1572 = arith.constant 0 : i32
        %dma_wait3A_1573 = arith.constant 0 : i32
        %dma_wait3A_1574 = tpu.memref_slice %arg4[%sub3A_1566, %dma_wait3A_1572, %dma_wait3A_1573] : memref<6400x128x64xf32, #tpu.memory_space<hbm>> -> memref<5x128x64xf32, #tpu.memory_space<hbm>>
        %dma_wait3A_1575 = tpu.memref_slice %arg9[%rem3A_87] : memref<2x!tpu.dma_semaphore, #tpu.memory_space<semaphore_mem>> -> memref<1x!tpu.dma_semaphore, #tpu.memory_space<semaphore_mem>>
        %dma_wait3A_1576 = tpu.memref_squeeze %dma_wait3A_1575 : memref<1x!tpu.dma_semaphore, #tpu.memory_space<semaphore_mem>> -> memref<!tpu.dma_semaphore, #tpu.memory_space<semaphore_mem>>
        %dma_wait3A_1577 = arith.constant 0 : i32
        %dma_wait3A_1578 = arith.constant 0 : i32
        %dma_wait3A_1579 = tpu.memref_slice %arg4[%sub3A_1566, %dma_wait3A_1577, %dma_wait3A_1578] : memref<6400x128x64xf32, #tpu.memory_space<hbm>> -> memref<5x128x64xf32, #tpu.memory_space<hbm>>
        %dma_wait3A_1580 = arith.constant 0 : i32
        %dma_wait3A_1581 = arith.constant 0 : i32
        %dma_wait3A_1582 = arith.constant 0 : i32
        %dma_wait3A_1583 = tpu.memref_slice %arg6[%rem3A_87, %dma_wait3A_1580, %dma_wait3A_1581, %dma_wait3A_1582] : memref<2x5x128x64xf32, #tpu.memory_space<vmem>> -> memref<1x5x128x64xf32, #tpu.memory_space<vmem>>
        %dma_wait3A_1584 = tpu.memref_squeeze %dma_wait3A_1583 : memref<1x5x128x64xf32, #tpu.memory_space<vmem>> -> memref<5x128x64xf32, #tpu.memory_space<vmem>>
        tpu.wait_dma2 semaphore(%dma_wait3A_1576 : memref<!tpu.dma_semaphore, #tpu.memory_space<semaphore_mem>>) src(%dma_wait3A_1584 : memref<5x128x64xf32, #tpu.memory_space<vmem>>) dst(%dma_wait3A_1579 : memref<5x128x64xf32, #tpu.memory_space<hbm>>)
      } else {
      }
      %dma_start3A_1422 = arith.constant 0 : i32
      %dma_start3A_1423 = arith.constant 0 : i32
      %dma_start3A_1424 = arith.constant 0 : i32
      %dma_start3A_1425 = arith.constant 0 : i32
      %dma_start3A_1426 = tpu.memref_slice %arg6[%rem3A_87, %dma_start3A_1423, %dma_start3A_1424, %dma_start3A_1425] : memref<2x5x128x64xf32, #tpu.memory_space<vmem>> -> memref<1x1x128x64xf32, #tpu.memory_space<vmem>>
      %dma_start3A_1427 = tpu.memref_squeeze %dma_start3A_1426 : memref<1x1x128x64xf32, #tpu.memory_space<vmem>> -> memref<128x64xf32, #tpu.memory_space<vmem>>
      %dma_start3A_1428 = arith.constant 0 : i32
      %dma_start3A_1429 = tpu.memref_slice %arg5[%rem3A_87, %dma_start3A_1422, %dma_start3A_1428] : memref<2x5x128xi32, #tpu.memory_space<vmem>> -> memref<1x1x128xi32, #tpu.memory_space<vmem>>
      %dma_start3A_1430 = tpu.memref_squeeze %dma_start3A_1429 : memref<1x1x128xi32, #tpu.memory_space<vmem>> -> memref<128xi32, #tpu.memory_space<vmem>>
      %dma_start3A_1431 = arith.constant 0 : i32
      %dma_start3A_1432 = arith.constant 0 : i32
      %dma_start3A_1433 = tpu.memref_slice %arg2[%dma_start3A_1431, %dma_start3A_1432] : memref<1007616x64xf32, #tpu.memory_space<hbm>> -> memref<1007616x64xf32, #tpu.memory_space<hbm>>
      tpu.enqueue_indirect_dma source(%dma_start3A_1433 : memref<1007616x64xf32, #tpu.memory_space<hbm>>) target(%dma_start3A_1427 : memref<128x64xf32, #tpu.memory_space<vmem>>) offsets(%dma_start3A_1430 : memref<128xi32, #tpu.memory_space<vmem>>) semaphore(%arg8 : memref<!tpu.dma_semaphore, #tpu.memory_space<semaphore_mem>>)
      %dma_start3A_1434 = arith.constant 1 : i32
      %dma_start3A_1435 = arith.constant 1 : i32
      %dma_start3A_1436 = arith.constant 0 : i32
      %dma_start3A_1437 = arith.constant 0 : i32
      %dma_start3A_1438 = tpu.memref_slice %arg6[%rem3A_87, %dma_start3A_1435, %dma_start3A_1436, %dma_start3A_1437] : memref<2x5x128x64xf32, #tpu.memory_space<vmem>> -> memref<1x1x128x64xf32, #tpu.memory_space<vmem>>
      %dma_start3A_1439 = tpu.memref_squeeze %dma_start3A_1438 : memref<1x1x128x64xf32, #tpu.memory_space<vmem>> -> memref<128x64xf32, #tpu.memory_space<vmem>>
      %dma_start3A_1440 = arith.constant 0 : i32
      %dma_start3A_1441 = tpu.memref_slice %arg5[%rem3A_87, %dma_start3A_1434, %dma_start3A_1440] : memref<2x5x128xi32, #tpu.memory_space<vmem>> -> memref<1x1x128xi32, #tpu.memory_space<vmem>>
      %dma_start3A_1442 = tpu.memref_squeeze %dma_start3A_1441 : memref<1x1x128xi32, #tpu.memory_space<vmem>> -> memref<128xi32, #tpu.memory_space<vmem>>
      %dma_start3A_1443 = arith.constant 0 : i32
      %dma_start3A_1444 = arith.constant 0 : i32
      %dma_start3A_1445 = tpu.memref_slice %arg2[%dma_start3A_1443, %dma_start3A_1444] : memref<1007616x64xf32, #tpu.memory_space<hbm>> -> memref<1007616x64xf32, #tpu.memory_space<hbm>>
      tpu.enqueue_indirect_dma source(%dma_start3A_1445 : memref<1007616x64xf32, #tpu.memory_space<hbm>>) target(%dma_start3A_1439 : memref<128x64xf32, #tpu.memory_space<vmem>>) offsets(%dma_start3A_1442 : memref<128xi32, #tpu.memory_space<vmem>>) semaphore(%arg8 : memref<!tpu.dma_semaphore, #tpu.memory_space<semaphore_mem>>)
      %dma_start3A_1446 = arith.constant 2 : i32
      %dma_start3A_1447 = arith.constant 2 : i32
      %dma_start3A_1448 = arith.constant 0 : i32
      %dma_start3A_1449 = arith.constant 0 : i32
      %dma_start3A_1450 = tpu.memref_slice %arg6[%rem3A_87, %dma_start3A_1447, %dma_start3A_1448, %dma_start3A_1449] : memref<2x5x128x64xf32, #tpu.memory_space<vmem>> -> memref<1x1x128x64xf32, #tpu.memory_space<vmem>>
      %dma_start3A_1451 = tpu.memref_squeeze %dma_start3A_1450 : memref<1x1x128x64xf32, #tpu.memory_space<vmem>> -> memref<128x64xf32, #tpu.memory_space<vmem>>
      %dma_start3A_1452 = arith.constant 0 : i32
      %dma_start3A_1453 = tpu.memref_slice %arg5[%rem3A_87, %dma_start3A_1446, %dma_start3A_1452] : memref<2x5x128xi32, #tpu.memory_space<vmem>> -> memref<1x1x128xi32, #tpu.memory_space<vmem>>
      %dma_start3A_1454 = tpu.memref_squeeze %dma_start3A_1453 : memref<1x1x128xi32, #tpu.memory_space<vmem>> -> memref<128xi32, #tpu.memory_space<vmem>>
      %dma_start3A_1455 = arith.constant 0 : i32
      %dma_start3A_1456 = arith.constant 0 : i32
      %dma_start3A_1457 = tpu.memref_slice %arg2[%dma_start3A_1455, %dma_start3A_1456] : memref<1007616x64xf32, #tpu.memory_space<hbm>> -> memref<1007616x64xf32, #tpu.memory_space<hbm>>
      tpu.enqueue_indirect_dma source(%dma_start3A_1457 : memref<1007616x64xf32, #tpu.memory_space<hbm>>) target(%dma_start3A_1451 : memref<128x64xf32, #tpu.memory_space<vmem>>) offsets(%dma_start3A_1454 : memref<128xi32, #tpu.memory_space<vmem>>) semaphore(%arg8 : memref<!tpu.dma_semaphore, #tpu.memory_space<semaphore_mem>>)
      %dma_start3A_1458 = arith.constant 3 : i32
      %dma_start3A_1459 = arith.constant 3 : i32
      %dma_start3A_1460 = arith.constant 0 : i32
      %dma_start3A_1461 = arith.constant 0 : i32
      %dma_start3A_1462 = tpu.memref_slice %arg6[%rem3A_87, %dma_start3A_1459, %dma_start3A_1460, %dma_start3A_1461] : memref<2x5x128x64xf32, #tpu.memory_space<vmem>> -> memref<1x1x128x64xf32, #tpu.memory_space<vmem>>
      %dma_start3A_1463 = tpu.memref_squeeze %dma_start3A_1462 : memref<1x1x128x64xf32, #tpu.memory_space<vmem>> -> memref<128x64xf32, #tpu.memory_space<vmem>>
      %dma_start3A_1464 = arith.constant 0 : i32
      %dma_start3A_1465 = tpu.memref_slice %arg5[%rem3A_87, %dma_start3A_1458, %dma_start3A_1464] : memref<2x5x128xi32, #tpu.memory_space<vmem>> -> memref<1x1x128xi32, #tpu.memory_space<vmem>>
      %dma_start3A_1466 = tpu.memref_squeeze %dma_start3A_1465 : memref<1x1x128xi32, #tpu.memory_space<vmem>> -> memref<128xi32, #tpu.memory_space<vmem>>
      %dma_start3A_1467 = arith.constant 0 : i32
      %dma_start3A_1468 = arith.constant 0 : i32
      %dma_start3A_1469 = tpu.memref_slice %arg2[%dma_start3A_1467, %dma_start3A_1468] : memref<1007616x64xf32, #tpu.memory_space<hbm>> -> memref<1007616x64xf32, #tpu.memory_space<hbm>>
      tpu.enqueue_indirect_dma source(%dma_start3A_1469 : memref<1007616x64xf32, #tpu.memory_space<hbm>>) target(%dma_start3A_1463 : memref<128x64xf32, #tpu.memory_space<vmem>>) offsets(%dma_start3A_1466 : memref<128xi32, #tpu.memory_space<vmem>>) semaphore(%arg8 : memref<!tpu.dma_semaphore, #tpu.memory_space<semaphore_mem>>)
      %dma_start3A_1470 = arith.constant 4 : i32
      %dma_start3A_1471 = arith.constant 4 : i32
      %dma_start3A_1472 = arith.constant 0 : i32
      %dma_start3A_1473 = arith.constant 0 : i32
      %dma_start3A_1474 = tpu.memref_slice %arg6[%rem3A_87, %dma_start3A_1471, %dma_start3A_1472, %dma_start3A_1473] : memref<2x5x128x64xf32, #tpu.memory_space<vmem>> -> memref<1x1x128x64xf32, #tpu.memory_space<vmem>>
      %dma_start3A_1475 = tpu.memref_squeeze %dma_start3A_1474 : memref<1x1x128x64xf32, #tpu.memory_space<vmem>> -> memref<128x64xf32, #tpu.memory_space<vmem>>
      %dma_start3A_1476 = arith.constant 0 : i32
      %dma_start3A_1477 = tpu.memref_slice %arg5[%rem3A_87, %dma_start3A_1470, %dma_start3A_1476] : memref<2x5x128xi32, #tpu.memory_space<vmem>> -> memref<1x1x128xi32, #tpu.memory_space<vmem>>
      %dma_start3A_1478 = tpu.memref_squeeze %dma_start3A_1477 : memref<1x1x128xi32, #tpu.memory_space<vmem>> -> memref<128xi32, #tpu.memory_space<vmem>>
      %dma_start3A_1479 = arith.constant 0 : i32
      %dma_start3A_1480 = arith.constant 0 : i32
      %dma_start3A_1481 = tpu.memref_slice %arg2[%dma_start3A_1479, %dma_start3A_1480] : memref<1007616x64xf32, #tpu.memory_space<hbm>> -> memref<1007616x64xf32, #tpu.memory_space<hbm>>
      tpu.enqueue_indirect_dma source(%dma_start3A_1481 : memref<1007616x64xf32, #tpu.memory_space<hbm>>) target(%dma_start3A_1475 : memref<128x64xf32, #tpu.memory_space<vmem>>) offsets(%dma_start3A_1478 : memref<128xi32, #tpu.memory_space<vmem>>) semaphore(%arg8 : memref<!tpu.dma_semaphore, #tpu.memory_space<semaphore_mem>>)
      %dma_wait3A_1482 = arith.constant 0 : i32
      %dma_wait3A_1483 = arith.constant 0 : i32
      %dma_wait3A_1484 = arith.constant 0 : i32
      %dma_wait3A_1485 = arith.constant 0 : i32
      %dma_wait3A_1486 = tpu.memref_slice %arg6[%rem3A_87, %dma_wait3A_1483, %dma_wait3A_1484, %dma_wait3A_1485] : memref<2x5x128x64xf32, #tpu.memory_space<vmem>> -> memref<1x1x128x64xf32, #tpu.memory_space<vmem>>
      %dma_wait3A_1487 = tpu.memref_squeeze %dma_wait3A_1486 : memref<1x1x128x64xf32, #tpu.memory_space<vmem>> -> memref<128x64xf32, #tpu.memory_space<vmem>>
      %dma_wait3A_1488 = arith.constant 0 : i32
      %dma_wait3A_1489 = tpu.memref_slice %arg5[%rem3A_87, %dma_wait3A_1482, %dma_wait3A_1488] : memref<2x5x128xi32, #tpu.memory_space<vmem>> -> memref<1x1x128xi32, #tpu.memory_space<vmem>>
      %dma_wait3A_1490 = tpu.memref_squeeze %dma_wait3A_1489 : memref<1x1x128xi32, #tpu.memory_space<vmem>> -> memref<128xi32, #tpu.memory_space<vmem>>
      %dma_wait3A_1491 = arith.constant 0 : i32
      %dma_wait3A_1492 = arith.constant 0 : i32
      %dma_wait3A_1493 = tpu.memref_slice %arg2[%dma_wait3A_1491, %dma_wait3A_1492] : memref<1007616x64xf32, #tpu.memory_space<hbm>> -> memref<1007616x64xf32, #tpu.memory_space<hbm>>
      tpu.wait_indirect_dma semaphore(%arg8 : memref<!tpu.dma_semaphore, #tpu.memory_space<semaphore_mem>>) src(%dma_wait3A_1493 : memref<1007616x64xf32, #tpu.memory_space<hbm>>) dst(%dma_wait3A_1487 : memref<128x64xf32, #tpu.memory_space<vmem>>)
      %dma_wait3A_1494 = arith.constant 1 : i32
      %dma_wait3A_1495 = arith.constant 1 : i32
      %dma_wait3A_1496 = arith.constant 0 : i32
      %dma_wait3A_1497 = arith.constant 0 : i32
      %dma_wait3A_1498 = tpu.memref_slice %arg6[%rem3A_87, %dma_wait3A_1495, %dma_wait3A_1496, %dma_wait3A_1497] : memref<2x5x128x64xf32, #tpu.memory_space<vmem>> -> memref<1x1x128x64xf32, #tpu.memory_space<vmem>>
      %dma_wait3A_1499 = tpu.memref_squeeze %dma_wait3A_1498 : memref<1x1x128x64xf32, #tpu.memory_space<vmem>> -> memref<128x64xf32, #tpu.memory_space<vmem>>
      %dma_wait3A_1500 = arith.constant 0 : i32
      %dma_wait3A_1501 = tpu.memref_slice %arg5[%rem3A_87, %dma_wait3A_1494, %dma_wait3A_1500] : memref<2x5x128xi32, #tpu.memory_space<vmem>> -> memref<1x1x128xi32, #tpu.memory_space<vmem>>
      %dma_wait3A_1502 = tpu.memref_squeeze %dma_wait3A_1501 : memref<1x1x128xi32, #tpu.memory_space<vmem>> -> memref<128xi32, #tpu.memory_space<vmem>>
      %dma_wait3A_1503 = arith.constant 0 : i32
      %dma_wait3A_1504 = arith.constant 0 : i32
      %dma_wait3A_1505 = tpu.memref_slice %arg2[%dma_wait3A_1503, %dma_wait3A_1504] : memref<1007616x64xf32, #tpu.memory_space<hbm>> -> memref<1007616x64xf32, #tpu.memory_space<hbm>>
      tpu.wait_indirect_dma semaphore(%arg8 : memref<!tpu.dma_semaphore, #tpu.memory_space<semaphore_mem>>) src(%dma_wait3A_1505 : memref<1007616x64xf32, #tpu.memory_space<hbm>>) dst(%dma_wait3A_1499 : memref<128x64xf32, #tpu.memory_space<vmem>>)
      %dma_wait3A_1506 = arith.constant 2 : i32
      %dma_wait3A_1507 = arith.constant 2 : i32
      %dma_wait3A_1508 = arith.constant 0 : i32
      %dma_wait3A_1509 = arith.constant 0 : i32
      %dma_wait3A_1510 = tpu.memref_slice %arg6[%rem3A_87, %dma_wait3A_1507, %dma_wait3A_1508, %dma_wait3A_1509] : memref<2x5x128x64xf32, #tpu.memory_space<vmem>> -> memref<1x1x128x64xf32, #tpu.memory_space<vmem>>
      %dma_wait3A_1511 = tpu.memref_squeeze %dma_wait3A_1510 : memref<1x1x128x64xf32, #tpu.memory_space<vmem>> -> memref<128x64xf32, #tpu.memory_space<vmem>>
      %dma_wait3A_1512 = arith.constant 0 : i32
      %dma_wait3A_1513 = tpu.memref_slice %arg5[%rem3A_87, %dma_wait3A_1506, %dma_wait3A_1512] : memref<2x5x128xi32, #tpu.memory_space<vmem>> -> memref<1x1x128xi32, #tpu.memory_space<vmem>>
      %dma_wait3A_1514 = tpu.memref_squeeze %dma_wait3A_1513 : memref<1x1x128xi32, #tpu.memory_space<vmem>> -> memref<128xi32, #tpu.memory_space<vmem>>
      %dma_wait3A_1515 = arith.constant 0 : i32
      %dma_wait3A_1516 = arith.constant 0 : i32
      %dma_wait3A_1517 = tpu.memref_slice %arg2[%dma_wait3A_1515, %dma_wait3A_1516] : memref<1007616x64xf32, #tpu.memory_space<hbm>> -> memref<1007616x64xf32, #tpu.memory_space<hbm>>
      tpu.wait_indirect_dma semaphore(%arg8 : memref<!tpu.dma_semaphore, #tpu.memory_space<semaphore_mem>>) src(%dma_wait3A_1517 : memref<1007616x64xf32, #tpu.memory_space<hbm>>) dst(%dma_wait3A_1511 : memref<128x64xf32, #tpu.memory_space<vmem>>)
      %dma_wait3A_1518 = arith.constant 3 : i32
      %dma_wait3A_1519 = arith.constant 3 : i32
      %dma_wait3A_1520 = arith.constant 0 : i32
      %dma_wait3A_1521 = arith.constant 0 : i32
      %dma_wait3A_1522 = tpu.memref_slice %arg6[%rem3A_87, %dma_wait3A_1519, %dma_wait3A_1520, %dma_wait3A_1521] : memref<2x5x128x64xf32, #tpu.memory_space<vmem>> -> memref<1x1x128x64xf32, #tpu.memory_space<vmem>>
      %dma_wait3A_1523 = tpu.memref_squeeze %dma_wait3A_1522 : memref<1x1x128x64xf32, #tpu.memory_space<vmem>> -> memref<128x64xf32, #tpu.memory_space<vmem>>
      %dma_wait3A_1524 = arith.constant 0 : i32
      %dma_wait3A_1525 = tpu.memref_slice %arg5[%rem3A_87, %dma_wait3A_1518, %dma_wait3A_1524] : memref<2x5x128xi32, #tpu.memory_space<vmem>> -> memref<1x1x128xi32, #tpu.memory_space<vmem>>
      %dma_wait3A_1526 = tpu.memref_squeeze %dma_wait3A_1525 : memref<1x1x128xi32, #tpu.memory_space<vmem>> -> memref<128xi32, #tpu.memory_space<vmem>>
      %dma_wait3A_1527 = arith.constant 0 : i32
      %dma_wait3A_1528 = arith.constant 0 : i32
      %dma_wait3A_1529 = tpu.memref_slice %arg2[%dma_wait3A_1527, %dma_wait3A_1528] : memref<1007616x64xf32, #tpu.memory_space<hbm>> -> memref<1007616x64xf32, #tpu.memory_space<hbm>>
      tpu.wait_indirect_dma semaphore(%arg8 : memref<!tpu.dma_semaphore, #tpu.memory_space<semaphore_mem>>) src(%dma_wait3A_1529 : memref<1007616x64xf32, #tpu.memory_space<hbm>>) dst(%dma_wait3A_1523 : memref<128x64xf32, #tpu.memory_space<vmem>>)
      %dma_wait3A_1530 = arith.constant 4 : i32
      %dma_wait3A_1531 = arith.constant 4 : i32
      %dma_wait3A_1532 = arith.constant 0 : i32
      %dma_wait3A_1533 = arith.constant 0 : i32
      %dma_wait3A_1534 = tpu.memref_slice %arg6[%rem3A_87, %dma_wait3A_1531, %dma_wait3A_1532, %dma_wait3A_1533] : memref<2x5x128x64xf32, #tpu.memory_space<vmem>> -> memref<1x1x128x64xf32, #tpu.memory_space<vmem>>
      %dma_wait3A_1535 = tpu.memref_squeeze %dma_wait3A_1534 : memref<1x1x128x64xf32, #tpu.memory_space<vmem>> -> memref<128x64xf32, #tpu.memory_space<vmem>>
      %dma_wait3A_1536 = arith.constant 0 : i32
      %dma_wait3A_1537 = tpu.memref_slice %arg5[%rem3A_87, %dma_wait3A_1530, %dma_wait3A_1536] : memref<2x5x128xi32, #tpu.memory_space<vmem>> -> memref<1x1x128xi32, #tpu.memory_space<vmem>>
      %dma_wait3A_1538 = tpu.memref_squeeze %dma_wait3A_1537 : memref<1x1x128xi32, #tpu.memory_space<vmem>> -> memref<128xi32, #tpu.memory_space<vmem>>
      %dma_wait3A_1539 = arith.constant 0 : i32
      %dma_wait3A_1540 = arith.constant 0 : i32
      %dma_wait3A_1541 = tpu.memref_slice %arg2[%dma_wait3A_1539, %dma_wait3A_1540] : memref<1007616x64xf32, #tpu.memory_space<hbm>> -> memref<1007616x64xf32, #tpu.memory_space<hbm>>
      tpu.wait_indirect_dma semaphore(%arg8 : memref<!tpu.dma_semaphore, #tpu.memory_space<semaphore_mem>>) src(%dma_wait3A_1541 : memref<1007616x64xf32, #tpu.memory_space<hbm>>) dst(%dma_wait3A_1535 : memref<128x64xf32, #tpu.memory_space<vmem>>)
      %add3A_1542 = arith.constant 2 : i32
      %add3A_1543 = arith.addi %scan3A_86, %add3A_1542 : i32
      %lt3A = arith.constant 40 : i32
      %lt3A_1544 = arith.cmpi slt, %add3A_1543, %lt3A : i32
      %convert_element_type3A_1545 = arith.extui %lt3A_1544 : i1 to i32
      %cond3A_1546 = arith.constant 0 : i32
      %cond3A_1547 = arith.cmpi ne, %convert_element_type3A_1545, %cond3A_1546 : i32
      scf.if %cond3A_1547 {
        %add3A_1566 = arith.constant 10 : i32
        %add3A_1567 = arith.addi %add3A_90, %add3A_1566 : i32
        %dma_start3A_1568 = arith.constant 0 : i32
        %dma_start3A_1569 = arith.constant 0 : i32
        %dma_start3A_1570 = tpu.memref_slice %arg5[%rem3A_87, %dma_start3A_1568, %dma_start3A_1569] : memref<2x5x128xi32, #tpu.memory_space<vmem>> -> memref<1x5x128xi32, #tpu.memory_space<vmem>>
        %dma_start3A_1571 = tpu.memref_squeeze %dma_start3A_1570 : memref<1x5x128xi32, #tpu.memory_space<vmem>> -> memref<5x128xi32, #tpu.memory_space<vmem>>
        %dma_start3A_1572 = arith.constant 0 : i32
        %dma_start3A_1573 = tpu.memref_slice %arg3[%add3A_1567, %dma_start3A_1572] : memref<6400x128xi32, #tpu.memory_space<hbm>> -> memref<5x128xi32, #tpu.memory_space<hbm>>
        %dma_start3A_1574 = tpu.memref_slice %arg7[%rem3A_87] : memref<2x!tpu.dma_semaphore, #tpu.memory_space<semaphore_mem>> -> memref<1x!tpu.dma_semaphore, #tpu.memory_space<semaphore_mem>>
        %dma_start3A_1575 = tpu.memref_squeeze %dma_start3A_1574 : memref<1x!tpu.dma_semaphore, #tpu.memory_space<semaphore_mem>> -> memref<!tpu.dma_semaphore, #tpu.memory_space<semaphore_mem>>
        %dma_start3A_1576 = arith.constant 0 : i32
        %dma_start3A_1577 = arith.constant 0 : i32
        %dma_start3A_1578 = tpu.memref_slice %arg5[%rem3A_87, %dma_start3A_1576, %dma_start3A_1577] : memref<2x5x128xi32, #tpu.memory_space<vmem>> -> memref<1x5x128xi32, #tpu.memory_space<vmem>>
        %dma_start3A_1579 = tpu.memref_squeeze %dma_start3A_1578 : memref<1x5x128xi32, #tpu.memory_space<vmem>> -> memref<5x128xi32, #tpu.memory_space<vmem>>
        %dma_start3A_1580 = arith.constant 0 : i32
        %dma_start3A_1581 = tpu.memref_slice %arg3[%add3A_1567, %dma_start3A_1580] : memref<6400x128xi32, #tpu.memory_space<hbm>> -> memref<5x128xi32, #tpu.memory_space<hbm>>
        tpu.enqueue_dma source(%dma_start3A_1581 : memref<5x128xi32, #tpu.memory_space<hbm>>) target(%dma_start3A_1579 : memref<5x128xi32, #tpu.memory_space<vmem>>) target_semaphore(%dma_start3A_1575 : memref<!tpu.dma_semaphore, #tpu.memory_space<semaphore_mem>>)
      } else {
      }
      %dma_start3A_1548 = arith.constant 0 : i32
      %dma_start3A_1549 = arith.constant 0 : i32
      %dma_start3A_1550 = arith.constant 0 : i32
      %dma_start3A_1551 = tpu.memref_slice %arg6[%rem3A_87, %dma_start3A_1548, %dma_start3A_1549, %dma_start3A_1550] : memref<2x5x128x64xf32, #tpu.memory_space<vmem>> -> memref<1x5x128x64xf32, #tpu.memory_space<vmem>>
      %dma_start3A_1552 = tpu.memref_squeeze %dma_start3A_1551 : memref<1x5x128x64xf32, #tpu.memory_space<vmem>> -> memref<5x128x64xf32, #tpu.memory_space<vmem>>
      %dma_start3A_1553 = arith.constant 0 : i32
      %dma_start3A_1554 = arith.constant 0 : i32
      %dma_start3A_1555 = tpu.memref_slice %arg4[%add3A_90, %dma_start3A_1553, %dma_start3A_1554] : memref<6400x128x64xf32, #tpu.memory_space<hbm>> -> memref<5x128x64xf32, #tpu.memory_space<hbm>>
      %dma_start3A_1556 = tpu.memref_slice %arg9[%rem3A_87] : memref<2x!tpu.dma_semaphore, #tpu.memory_space<semaphore_mem>> -> memref<1x!tpu.dma_semaphore, #tpu.memory_space<semaphore_mem>>
      %dma_start3A_1557 = tpu.memref_squeeze %dma_start3A_1556 : memref<1x!tpu.dma_semaphore, #tpu.memory_space<semaphore_mem>> -> memref<!tpu.dma_semaphore, #tpu.memory_space<semaphore_mem>>
      %dma_start3A_1558 = arith.constant 0 : i32
      %dma_start3A_1559 = arith.constant 0 : i32
      %dma_start3A_1560 = tpu.memref_slice %arg4[%add3A_90, %dma_start3A_1558, %dma_start3A_1559] : memref<6400x128x64xf32, #tpu.memory_space<hbm>> -> memref<5x128x64xf32, #tpu.memory_space<hbm>>
      %dma_start3A_1561 = arith.constant 0 : i32
      %dma_start3A_1562 = arith.constant 0 : i32
      %dma_start3A_1563 = arith.constant 0 : i32
      %dma_start3A_1564 = tpu.memref_slice %arg6[%rem3A_87, %dma_start3A_1561, %dma_start3A_1562, %dma_start3A_1563] : memref<2x5x128x64xf32, #tpu.memory_space<vmem>> -> memref<1x5x128x64xf32, #tpu.memory_space<vmem>>
      %dma_start3A_1565 = tpu.memref_squeeze %dma_start3A_1564 : memref<1x5x128x64xf32, #tpu.memory_space<vmem>> -> memref<5x128x64xf32, #tpu.memory_space<vmem>>
      tpu.enqueue_dma source(%dma_start3A_1565 : memref<5x128x64xf32, #tpu.memory_space<vmem>>) target(%dma_start3A_1560 : memref<5x128x64xf32, #tpu.memory_space<hbm>>) target_semaphore(%dma_start3A_1557 : memref<!tpu.dma_semaphore, #tpu.memory_space<semaphore_mem>>)
    }
    %scan3A_42 = arith.constant 40 : i32
    %add3A_43 = arith.constant 190 : i32
    %add3A_44 = arith.addi %mul3A_2, %add3A_43 : i32
    %dma_wait3A = arith.constant 0 : i32
    %dma_wait3A_45 = arith.constant 0 : i32
    %dma_wait3A_46 = arith.constant 0 : i32
    %dma_wait3A_47 = arith.constant 0 : i32
    %dma_wait3A_48 = arith.constant 0 : i32
    %dma_wait3A_49 = tpu.memref_slice %arg6[%dma_wait3A, %dma_wait3A_46, %dma_wait3A_47, %dma_wait3A_48] : memref<2x5x128x64xf32, #tpu.memory_space<vmem>> -> memref<1x5x128x64xf32, #tpu.memory_space<vmem>>
    %dma_wait3A_50 = tpu.memref_squeeze %dma_wait3A_49 : memref<1x5x128x64xf32, #tpu.memory_space<vmem>> -> memref<5x128x64xf32, #tpu.memory_space<vmem>>
    %dma_wait3A_51 = arith.constant 0 : i32
    %dma_wait3A_52 = arith.constant 0 : i32
    %dma_wait3A_53 = tpu.memref_slice %arg4[%add3A_44, %dma_wait3A_51, %dma_wait3A_52] : memref<6400x128x64xf32, #tpu.memory_space<hbm>> -> memref<5x128x64xf32, #tpu.memory_space<hbm>>
    %dma_wait3A_54 = tpu.memref_slice %arg9[%dma_wait3A_45] : memref<2x!tpu.dma_semaphore, #tpu.memory_space<semaphore_mem>> -> memref<1x!tpu.dma_semaphore, #tpu.memory_space<semaphore_mem>>
    %dma_wait3A_55 = tpu.memref_squeeze %dma_wait3A_54 : memref<1x!tpu.dma_semaphore, #tpu.memory_space<semaphore_mem>> -> memref<!tpu.dma_semaphore, #tpu.memory_space<semaphore_mem>>
    %dma_wait3A_56 = arith.constant 0 : i32
    %dma_wait3A_57 = arith.constant 0 : i32
    %dma_wait3A_58 = tpu.memref_slice %arg4[%add3A_44, %dma_wait3A_56, %dma_wait3A_57] : memref<6400x128x64xf32, #tpu.memory_space<hbm>> -> memref<5x128x64xf32, #tpu.memory_space<hbm>>
    %dma_wait3A_59 = arith.constant 0 : i32
    %dma_wait3A_60 = arith.constant 0 : i32
    %dma_wait3A_61 = arith.constant 0 : i32
    %dma_wait3A_62 = tpu.memref_slice %arg6[%dma_wait3A, %dma_wait3A_59, %dma_wait3A_60, %dma_wait3A_61] : memref<2x5x128x64xf32, #tpu.memory_space<vmem>> -> memref<1x5x128x64xf32, #tpu.memory_space<vmem>>
    %dma_wait3A_63 = tpu.memref_squeeze %dma_wait3A_62 : memref<1x5x128x64xf32, #tpu.memory_space<vmem>> -> memref<5x128x64xf32, #tpu.memory_space<vmem>>
    tpu.wait_dma2 semaphore(%dma_wait3A_55 : memref<!tpu.dma_semaphore, #tpu.memory_space<semaphore_mem>>) src(%dma_wait3A_63 : memref<5x128x64xf32, #tpu.memory_space<vmem>>) dst(%dma_wait3A_58 : memref<5x128x64xf32, #tpu.memory_space<hbm>>)
    %add3A_64 = arith.constant 195 : i32
    %add3A_65 = arith.addi %mul3A_2, %add3A_64 : i32
    %dma_wait3A_66 = arith.constant 1 : i32
    %dma_wait3A_67 = arith.constant 1 : i32
    %dma_wait3A_68 = arith.constant 0 : i32
    %dma_wait3A_69 = arith.constant 0 : i32
    %dma_wait3A_70 = arith.constant 0 : i32
    %dma_wait3A_71 = tpu.memref_slice %arg6[%dma_wait3A_66, %dma_wait3A_68, %dma_wait3A_69, %dma_wait3A_70] : memref<2x5x128x64xf32, #tpu.memory_space<vmem>> -> memref<1x5x128x64xf32, #tpu.memory_space<vmem>>
    %dma_wait3A_72 = tpu.memref_squeeze %dma_wait3A_71 : memref<1x5x128x64xf32, #tpu.memory_space<vmem>> -> memref<5x128x64xf32, #tpu.memory_space<vmem>>
    %dma_wait3A_73 = arith.constant 0 : i32
    %dma_wait3A_74 = arith.constant 0 : i32
    %dma_wait3A_75 = tpu.memref_slice %arg4[%add3A_65, %dma_wait3A_73, %dma_wait3A_74] : memref<6400x128x64xf32, #tpu.memory_space<hbm>> -> memref<5x128x64xf32, #tpu.memory_space<hbm>>
    %dma_wait3A_76 = tpu.memref_slice %arg9[%dma_wait3A_67] : memref<2x!tpu.dma_semaphore, #tpu.memory_space<semaphore_mem>> -> memref<1x!tpu.dma_semaphore, #tpu.memory_space<semaphore_mem>>
    %dma_wait3A_77 = tpu.memref_squeeze %dma_wait3A_76 : memref<1x!tpu.dma_semaphore, #tpu.memory_space<semaphore_mem>> -> memref<!tpu.dma_semaphore, #tpu.memory_space<semaphore_mem>>
    %dma_wait3A_78 = arith.constant 0 : i32
    %dma_wait3A_79 = arith.constant 0 : i32
    %dma_wait3A_80 = tpu.memref_slice %arg4[%add3A_65, %dma_wait3A_78, %dma_wait3A_79] : memref<6400x128x64xf32, #tpu.memory_space<hbm>> -> memref<5x128x64xf32, #tpu.memory_space<hbm>>
    %dma_wait3A_81 = arith.constant 0 : i32
    %dma_wait3A_82 = arith.constant 0 : i32
    %dma_wait3A_83 = arith.constant 0 : i32
    %dma_wait3A_84 = tpu.memref_slice %arg6[%dma_wait3A_66, %dma_wait3A_81, %dma_wait3A_82, %dma_wait3A_83] : memref<2x5x128x64xf32, #tpu.memory_space<vmem>> -> memref<1x5x128x64xf32, #tpu.memory_space<vmem>>
    %dma_wait3A_85 = tpu.memref_squeeze %dma_wait3A_84 : memref<1x5x128x64xf32, #tpu.memory_space<vmem>> -> memref<5x128x64xf32, #tpu.memory_space<vmem>>
    tpu.wait_dma2 semaphore(%dma_wait3A_77 : memref<!tpu.dma_semaphore, #tpu.memory_space<semaphore_mem>>) src(%dma_wait3A_85 : memref<5x128x64xf32, #tpu.memory_space<vmem>>) dst(%dma_wait3A_80 : memref<5x128x64xf32, #tpu.memory_space<hbm>>)
    return
  }
}

module attributes {stable_mosaic.version = 14 : i64} {
  func.func @_epi_body(%arg0: i32, %arg1: memref<12800x128xf32, #tpu.memory_space<vmem>>, %arg2: memref<12800x128xf32, #tpu.memory_space<vmem>>) attributes {dimension_semantics = [#tpu.dimension_semantics<arbitrary>], iteration_bounds = array<i64: 32>, scalar_prefetch = 0 : i64, scratch_operands = 0 : i64, tpu.core_type = #tpu.core_type<tc>, window_params = [{transform_indices = @transform_0, window_bounds = array<i64: 12800, 128>}, {transform_indices = @transform_1, window_bounds = array<i64: 12800, 128>}]} {
    %get3A = arith.constant 0 : index
    %get3A_0 = arith.constant 0 : index
    %get3A_1 = vector.load %arg1[%get3A, %get3A_0] : memref<12800x128xf32, #tpu.memory_space<vmem>>, vector<12800x128xf32>
    %reshape3A = vector.shape_cast %get3A_1 : vector<12800x128xf32> to vector<128x100x128xf32>
    %slice3A = vector.extract_strided_slice %reshape3A {offsets = [0, 0, 0], sizes = [128, 1, 128], strides = [1, 1, 1]} : vector<128x100x128xf32> to vector<128x1x128xf32>
    %squeeze3A = vector.shape_cast %slice3A : vector<128x1x128xf32> to vector<128x128xf32>
    %transpose3A = tpu.transpose %squeeze3A, [1, 0] : vector<128x128xf32> -> vector<128x128xf32>
    %slice3A_2 = vector.extract_strided_slice %reshape3A {offsets = [0, 1, 0], sizes = [128, 1, 128], strides = [1, 1, 1]} : vector<128x100x128xf32> to vector<128x1x128xf32>
    %squeeze3A_3 = vector.shape_cast %slice3A_2 : vector<128x1x128xf32> to vector<128x128xf32>
    %transpose3A_4 = tpu.transpose %squeeze3A_3, [1, 0] : vector<128x128xf32> -> vector<128x128xf32>
    %slice3A_5 = vector.extract_strided_slice %reshape3A {offsets = [0, 2, 0], sizes = [128, 1, 128], strides = [1, 1, 1]} : vector<128x100x128xf32> to vector<128x1x128xf32>
    %squeeze3A_6 = vector.shape_cast %slice3A_5 : vector<128x1x128xf32> to vector<128x128xf32>
    %transpose3A_7 = tpu.transpose %squeeze3A_6, [1, 0] : vector<128x128xf32> -> vector<128x128xf32>
    %slice3A_8 = vector.extract_strided_slice %reshape3A {offsets = [0, 3, 0], sizes = [128, 1, 128], strides = [1, 1, 1]} : vector<128x100x128xf32> to vector<128x1x128xf32>
    %squeeze3A_9 = vector.shape_cast %slice3A_8 : vector<128x1x128xf32> to vector<128x128xf32>
    %transpose3A_10 = tpu.transpose %squeeze3A_9, [1, 0] : vector<128x128xf32> -> vector<128x128xf32>
    %slice3A_11 = vector.extract_strided_slice %reshape3A {offsets = [0, 4, 0], sizes = [128, 1, 128], strides = [1, 1, 1]} : vector<128x100x128xf32> to vector<128x1x128xf32>
    %squeeze3A_12 = vector.shape_cast %slice3A_11 : vector<128x1x128xf32> to vector<128x128xf32>
    %transpose3A_13 = tpu.transpose %squeeze3A_12, [1, 0] : vector<128x128xf32> -> vector<128x128xf32>
    %slice3A_14 = vector.extract_strided_slice %reshape3A {offsets = [0, 5, 0], sizes = [128, 1, 128], strides = [1, 1, 1]} : vector<128x100x128xf32> to vector<128x1x128xf32>
    %squeeze3A_15 = vector.shape_cast %slice3A_14 : vector<128x1x128xf32> to vector<128x128xf32>
    %transpose3A_16 = tpu.transpose %squeeze3A_15, [1, 0] : vector<128x128xf32> -> vector<128x128xf32>
    %slice3A_17 = vector.extract_strided_slice %reshape3A {offsets = [0, 6, 0], sizes = [128, 1, 128], strides = [1, 1, 1]} : vector<128x100x128xf32> to vector<128x1x128xf32>
    %squeeze3A_18 = vector.shape_cast %slice3A_17 : vector<128x1x128xf32> to vector<128x128xf32>
    %transpose3A_19 = tpu.transpose %squeeze3A_18, [1, 0] : vector<128x128xf32> -> vector<128x128xf32>
    %slice3A_20 = vector.extract_strided_slice %reshape3A {offsets = [0, 7, 0], sizes = [128, 1, 128], strides = [1, 1, 1]} : vector<128x100x128xf32> to vector<128x1x128xf32>
    %squeeze3A_21 = vector.shape_cast %slice3A_20 : vector<128x1x128xf32> to vector<128x128xf32>
    %transpose3A_22 = tpu.transpose %squeeze3A_21, [1, 0] : vector<128x128xf32> -> vector<128x128xf32>
    %slice3A_23 = vector.extract_strided_slice %reshape3A {offsets = [0, 8, 0], sizes = [128, 1, 128], strides = [1, 1, 1]} : vector<128x100x128xf32> to vector<128x1x128xf32>
    %squeeze3A_24 = vector.shape_cast %slice3A_23 : vector<128x1x128xf32> to vector<128x128xf32>
    %transpose3A_25 = tpu.transpose %squeeze3A_24, [1, 0] : vector<128x128xf32> -> vector<128x128xf32>
    %slice3A_26 = vector.extract_strided_slice %reshape3A {offsets = [0, 9, 0], sizes = [128, 1, 128], strides = [1, 1, 1]} : vector<128x100x128xf32> to vector<128x1x128xf32>
    %squeeze3A_27 = vector.shape_cast %slice3A_26 : vector<128x1x128xf32> to vector<128x128xf32>
    %transpose3A_28 = tpu.transpose %squeeze3A_27, [1, 0] : vector<128x128xf32> -> vector<128x128xf32>
    %slice3A_29 = vector.extract_strided_slice %reshape3A {offsets = [0, 10, 0], sizes = [128, 1, 128], strides = [1, 1, 1]} : vector<128x100x128xf32> to vector<128x1x128xf32>
    %squeeze3A_30 = vector.shape_cast %slice3A_29 : vector<128x1x128xf32> to vector<128x128xf32>
    %transpose3A_31 = tpu.transpose %squeeze3A_30, [1, 0] : vector<128x128xf32> -> vector<128x128xf32>
    %slice3A_32 = vector.extract_strided_slice %reshape3A {offsets = [0, 11, 0], sizes = [128, 1, 128], strides = [1, 1, 1]} : vector<128x100x128xf32> to vector<128x1x128xf32>
    %squeeze3A_33 = vector.shape_cast %slice3A_32 : vector<128x1x128xf32> to vector<128x128xf32>
    %transpose3A_34 = tpu.transpose %squeeze3A_33, [1, 0] : vector<128x128xf32> -> vector<128x128xf32>
    %slice3A_35 = vector.extract_strided_slice %reshape3A {offsets = [0, 12, 0], sizes = [128, 1, 128], strides = [1, 1, 1]} : vector<128x100x128xf32> to vector<128x1x128xf32>
    %squeeze3A_36 = vector.shape_cast %slice3A_35 : vector<128x1x128xf32> to vector<128x128xf32>
    %transpose3A_37 = tpu.transpose %squeeze3A_36, [1, 0] : vector<128x128xf32> -> vector<128x128xf32>
    %slice3A_38 = vector.extract_strided_slice %reshape3A {offsets = [0, 13, 0], sizes = [128, 1, 128], strides = [1, 1, 1]} : vector<128x100x128xf32> to vector<128x1x128xf32>
    %squeeze3A_39 = vector.shape_cast %slice3A_38 : vector<128x1x128xf32> to vector<128x128xf32>
    %transpose3A_40 = tpu.transpose %squeeze3A_39, [1, 0] : vector<128x128xf32> -> vector<128x128xf32>
    %slice3A_41 = vector.extract_strided_slice %reshape3A {offsets = [0, 14, 0], sizes = [128, 1, 128], strides = [1, 1, 1]} : vector<128x100x128xf32> to vector<128x1x128xf32>
    %squeeze3A_42 = vector.shape_cast %slice3A_41 : vector<128x1x128xf32> to vector<128x128xf32>
    %transpose3A_43 = tpu.transpose %squeeze3A_42, [1, 0] : vector<128x128xf32> -> vector<128x128xf32>
    %slice3A_44 = vector.extract_strided_slice %reshape3A {offsets = [0, 15, 0], sizes = [128, 1, 128], strides = [1, 1, 1]} : vector<128x100x128xf32> to vector<128x1x128xf32>
    %squeeze3A_45 = vector.shape_cast %slice3A_44 : vector<128x1x128xf32> to vector<128x128xf32>
    %transpose3A_46 = tpu.transpose %squeeze3A_45, [1, 0] : vector<128x128xf32> -> vector<128x128xf32>
    %slice3A_47 = vector.extract_strided_slice %reshape3A {offsets = [0, 16, 0], sizes = [128, 1, 128], strides = [1, 1, 1]} : vector<128x100x128xf32> to vector<128x1x128xf32>
    %squeeze3A_48 = vector.shape_cast %slice3A_47 : vector<128x1x128xf32> to vector<128x128xf32>
    %transpose3A_49 = tpu.transpose %squeeze3A_48, [1, 0] : vector<128x128xf32> -> vector<128x128xf32>
    %slice3A_50 = vector.extract_strided_slice %reshape3A {offsets = [0, 17, 0], sizes = [128, 1, 128], strides = [1, 1, 1]} : vector<128x100x128xf32> to vector<128x1x128xf32>
    %squeeze3A_51 = vector.shape_cast %slice3A_50 : vector<128x1x128xf32> to vector<128x128xf32>
    %transpose3A_52 = tpu.transpose %squeeze3A_51, [1, 0] : vector<128x128xf32> -> vector<128x128xf32>
    %slice3A_53 = vector.extract_strided_slice %reshape3A {offsets = [0, 18, 0], sizes = [128, 1, 128], strides = [1, 1, 1]} : vector<128x100x128xf32> to vector<128x1x128xf32>
    %squeeze3A_54 = vector.shape_cast %slice3A_53 : vector<128x1x128xf32> to vector<128x128xf32>
    %transpose3A_55 = tpu.transpose %squeeze3A_54, [1, 0] : vector<128x128xf32> -> vector<128x128xf32>
    %slice3A_56 = vector.extract_strided_slice %reshape3A {offsets = [0, 19, 0], sizes = [128, 1, 128], strides = [1, 1, 1]} : vector<128x100x128xf32> to vector<128x1x128xf32>
    %squeeze3A_57 = vector.shape_cast %slice3A_56 : vector<128x1x128xf32> to vector<128x128xf32>
    %transpose3A_58 = tpu.transpose %squeeze3A_57, [1, 0] : vector<128x128xf32> -> vector<128x128xf32>
    %slice3A_59 = vector.extract_strided_slice %reshape3A {offsets = [0, 20, 0], sizes = [128, 1, 128], strides = [1, 1, 1]} : vector<128x100x128xf32> to vector<128x1x128xf32>
    %squeeze3A_60 = vector.shape_cast %slice3A_59 : vector<128x1x128xf32> to vector<128x128xf32>
    %transpose3A_61 = tpu.transpose %squeeze3A_60, [1, 0] : vector<128x128xf32> -> vector<128x128xf32>
    %slice3A_62 = vector.extract_strided_slice %reshape3A {offsets = [0, 21, 0], sizes = [128, 1, 128], strides = [1, 1, 1]} : vector<128x100x128xf32> to vector<128x1x128xf32>
    %squeeze3A_63 = vector.shape_cast %slice3A_62 : vector<128x1x128xf32> to vector<128x128xf32>
    %transpose3A_64 = tpu.transpose %squeeze3A_63, [1, 0] : vector<128x128xf32> -> vector<128x128xf32>
    %slice3A_65 = vector.extract_strided_slice %reshape3A {offsets = [0, 22, 0], sizes = [128, 1, 128], strides = [1, 1, 1]} : vector<128x100x128xf32> to vector<128x1x128xf32>
    %squeeze3A_66 = vector.shape_cast %slice3A_65 : vector<128x1x128xf32> to vector<128x128xf32>
    %transpose3A_67 = tpu.transpose %squeeze3A_66, [1, 0] : vector<128x128xf32> -> vector<128x128xf32>
    %slice3A_68 = vector.extract_strided_slice %reshape3A {offsets = [0, 23, 0], sizes = [128, 1, 128], strides = [1, 1, 1]} : vector<128x100x128xf32> to vector<128x1x128xf32>
    %squeeze3A_69 = vector.shape_cast %slice3A_68 : vector<128x1x128xf32> to vector<128x128xf32>
    %transpose3A_70 = tpu.transpose %squeeze3A_69, [1, 0] : vector<128x128xf32> -> vector<128x128xf32>
    %slice3A_71 = vector.extract_strided_slice %reshape3A {offsets = [0, 24, 0], sizes = [128, 1, 128], strides = [1, 1, 1]} : vector<128x100x128xf32> to vector<128x1x128xf32>
    %squeeze3A_72 = vector.shape_cast %slice3A_71 : vector<128x1x128xf32> to vector<128x128xf32>
    %transpose3A_73 = tpu.transpose %squeeze3A_72, [1, 0] : vector<128x128xf32> -> vector<128x128xf32>
    %slice3A_74 = vector.extract_strided_slice %reshape3A {offsets = [0, 25, 0], sizes = [128, 1, 128], strides = [1, 1, 1]} : vector<128x100x128xf32> to vector<128x1x128xf32>
    %squeeze3A_75 = vector.shape_cast %slice3A_74 : vector<128x1x128xf32> to vector<128x128xf32>
    %transpose3A_76 = tpu.transpose %squeeze3A_75, [1, 0] : vector<128x128xf32> -> vector<128x128xf32>
    %slice3A_77 = vector.extract_strided_slice %reshape3A {offsets = [0, 26, 0], sizes = [128, 1, 128], strides = [1, 1, 1]} : vector<128x100x128xf32> to vector<128x1x128xf32>
    %squeeze3A_78 = vector.shape_cast %slice3A_77 : vector<128x1x128xf32> to vector<128x128xf32>
    %transpose3A_79 = tpu.transpose %squeeze3A_78, [1, 0] : vector<128x128xf32> -> vector<128x128xf32>
    %slice3A_80 = vector.extract_strided_slice %reshape3A {offsets = [0, 27, 0], sizes = [128, 1, 128], strides = [1, 1, 1]} : vector<128x100x128xf32> to vector<128x1x128xf32>
    %squeeze3A_81 = vector.shape_cast %slice3A_80 : vector<128x1x128xf32> to vector<128x128xf32>
    %transpose3A_82 = tpu.transpose %squeeze3A_81, [1, 0] : vector<128x128xf32> -> vector<128x128xf32>
    %slice3A_83 = vector.extract_strided_slice %reshape3A {offsets = [0, 28, 0], sizes = [128, 1, 128], strides = [1, 1, 1]} : vector<128x100x128xf32> to vector<128x1x128xf32>
    %squeeze3A_84 = vector.shape_cast %slice3A_83 : vector<128x1x128xf32> to vector<128x128xf32>
    %transpose3A_85 = tpu.transpose %squeeze3A_84, [1, 0] : vector<128x128xf32> -> vector<128x128xf32>
    %slice3A_86 = vector.extract_strided_slice %reshape3A {offsets = [0, 29, 0], sizes = [128, 1, 128], strides = [1, 1, 1]} : vector<128x100x128xf32> to vector<128x1x128xf32>
    %squeeze3A_87 = vector.shape_cast %slice3A_86 : vector<128x1x128xf32> to vector<128x128xf32>
    %transpose3A_88 = tpu.transpose %squeeze3A_87, [1, 0] : vector<128x128xf32> -> vector<128x128xf32>
    %slice3A_89 = vector.extract_strided_slice %reshape3A {offsets = [0, 30, 0], sizes = [128, 1, 128], strides = [1, 1, 1]} : vector<128x100x128xf32> to vector<128x1x128xf32>
    %squeeze3A_90 = vector.shape_cast %slice3A_89 : vector<128x1x128xf32> to vector<128x128xf32>
    %transpose3A_91 = tpu.transpose %squeeze3A_90, [1, 0] : vector<128x128xf32> -> vector<128x128xf32>
    %slice3A_92 = vector.extract_strided_slice %reshape3A {offsets = [0, 31, 0], sizes = [128, 1, 128], strides = [1, 1, 1]} : vector<128x100x128xf32> to vector<128x1x128xf32>
    %squeeze3A_93 = vector.shape_cast %slice3A_92 : vector<128x1x128xf32> to vector<128x128xf32>
    %transpose3A_94 = tpu.transpose %squeeze3A_93, [1, 0] : vector<128x128xf32> -> vector<128x128xf32>
    %slice3A_95 = vector.extract_strided_slice %reshape3A {offsets = [0, 32, 0], sizes = [128, 1, 128], strides = [1, 1, 1]} : vector<128x100x128xf32> to vector<128x1x128xf32>
    %squeeze3A_96 = vector.shape_cast %slice3A_95 : vector<128x1x128xf32> to vector<128x128xf32>
    %transpose3A_97 = tpu.transpose %squeeze3A_96, [1, 0] : vector<128x128xf32> -> vector<128x128xf32>
    %slice3A_98 = vector.extract_strided_slice %reshape3A {offsets = [0, 33, 0], sizes = [128, 1, 128], strides = [1, 1, 1]} : vector<128x100x128xf32> to vector<128x1x128xf32>
    %squeeze3A_99 = vector.shape_cast %slice3A_98 : vector<128x1x128xf32> to vector<128x128xf32>
    %transpose3A_100 = tpu.transpose %squeeze3A_99, [1, 0] : vector<128x128xf32> -> vector<128x128xf32>
    %slice3A_101 = vector.extract_strided_slice %reshape3A {offsets = [0, 34, 0], sizes = [128, 1, 128], strides = [1, 1, 1]} : vector<128x100x128xf32> to vector<128x1x128xf32>
    %squeeze3A_102 = vector.shape_cast %slice3A_101 : vector<128x1x128xf32> to vector<128x128xf32>
    %transpose3A_103 = tpu.transpose %squeeze3A_102, [1, 0] : vector<128x128xf32> -> vector<128x128xf32>
    %slice3A_104 = vector.extract_strided_slice %reshape3A {offsets = [0, 35, 0], sizes = [128, 1, 128], strides = [1, 1, 1]} : vector<128x100x128xf32> to vector<128x1x128xf32>
    %squeeze3A_105 = vector.shape_cast %slice3A_104 : vector<128x1x128xf32> to vector<128x128xf32>
    %transpose3A_106 = tpu.transpose %squeeze3A_105, [1, 0] : vector<128x128xf32> -> vector<128x128xf32>
    %slice3A_107 = vector.extract_strided_slice %reshape3A {offsets = [0, 36, 0], sizes = [128, 1, 128], strides = [1, 1, 1]} : vector<128x100x128xf32> to vector<128x1x128xf32>
    %squeeze3A_108 = vector.shape_cast %slice3A_107 : vector<128x1x128xf32> to vector<128x128xf32>
    %transpose3A_109 = tpu.transpose %squeeze3A_108, [1, 0] : vector<128x128xf32> -> vector<128x128xf32>
    %slice3A_110 = vector.extract_strided_slice %reshape3A {offsets = [0, 37, 0], sizes = [128, 1, 128], strides = [1, 1, 1]} : vector<128x100x128xf32> to vector<128x1x128xf32>
    %squeeze3A_111 = vector.shape_cast %slice3A_110 : vector<128x1x128xf32> to vector<128x128xf32>
    %transpose3A_112 = tpu.transpose %squeeze3A_111, [1, 0] : vector<128x128xf32> -> vector<128x128xf32>
    %slice3A_113 = vector.extract_strided_slice %reshape3A {offsets = [0, 38, 0], sizes = [128, 1, 128], strides = [1, 1, 1]} : vector<128x100x128xf32> to vector<128x1x128xf32>
    %squeeze3A_114 = vector.shape_cast %slice3A_113 : vector<128x1x128xf32> to vector<128x128xf32>
    %transpose3A_115 = tpu.transpose %squeeze3A_114, [1, 0] : vector<128x128xf32> -> vector<128x128xf32>
    %slice3A_116 = vector.extract_strided_slice %reshape3A {offsets = [0, 39, 0], sizes = [128, 1, 128], strides = [1, 1, 1]} : vector<128x100x128xf32> to vector<128x1x128xf32>
    %squeeze3A_117 = vector.shape_cast %slice3A_116 : vector<128x1x128xf32> to vector<128x128xf32>
    %transpose3A_118 = tpu.transpose %squeeze3A_117, [1, 0] : vector<128x128xf32> -> vector<128x128xf32>
    %slice3A_119 = vector.extract_strided_slice %reshape3A {offsets = [0, 40, 0], sizes = [128, 1, 128], strides = [1, 1, 1]} : vector<128x100x128xf32> to vector<128x1x128xf32>
    %squeeze3A_120 = vector.shape_cast %slice3A_119 : vector<128x1x128xf32> to vector<128x128xf32>
    %transpose3A_121 = tpu.transpose %squeeze3A_120, [1, 0] : vector<128x128xf32> -> vector<128x128xf32>
    %slice3A_122 = vector.extract_strided_slice %reshape3A {offsets = [0, 41, 0], sizes = [128, 1, 128], strides = [1, 1, 1]} : vector<128x100x128xf32> to vector<128x1x128xf32>
    %squeeze3A_123 = vector.shape_cast %slice3A_122 : vector<128x1x128xf32> to vector<128x128xf32>
    %transpose3A_124 = tpu.transpose %squeeze3A_123, [1, 0] : vector<128x128xf32> -> vector<128x128xf32>
    %slice3A_125 = vector.extract_strided_slice %reshape3A {offsets = [0, 42, 0], sizes = [128, 1, 128], strides = [1, 1, 1]} : vector<128x100x128xf32> to vector<128x1x128xf32>
    %squeeze3A_126 = vector.shape_cast %slice3A_125 : vector<128x1x128xf32> to vector<128x128xf32>
    %transpose3A_127 = tpu.transpose %squeeze3A_126, [1, 0] : vector<128x128xf32> -> vector<128x128xf32>
    %slice3A_128 = vector.extract_strided_slice %reshape3A {offsets = [0, 43, 0], sizes = [128, 1, 128], strides = [1, 1, 1]} : vector<128x100x128xf32> to vector<128x1x128xf32>
    %squeeze3A_129 = vector.shape_cast %slice3A_128 : vector<128x1x128xf32> to vector<128x128xf32>
    %transpose3A_130 = tpu.transpose %squeeze3A_129, [1, 0] : vector<128x128xf32> -> vector<128x128xf32>
    %slice3A_131 = vector.extract_strided_slice %reshape3A {offsets = [0, 44, 0], sizes = [128, 1, 128], strides = [1, 1, 1]} : vector<128x100x128xf32> to vector<128x1x128xf32>
    %squeeze3A_132 = vector.shape_cast %slice3A_131 : vector<128x1x128xf32> to vector<128x128xf32>
    %transpose3A_133 = tpu.transpose %squeeze3A_132, [1, 0] : vector<128x128xf32> -> vector<128x128xf32>
    %slice3A_134 = vector.extract_strided_slice %reshape3A {offsets = [0, 45, 0], sizes = [128, 1, 128], strides = [1, 1, 1]} : vector<128x100x128xf32> to vector<128x1x128xf32>
    %squeeze3A_135 = vector.shape_cast %slice3A_134 : vector<128x1x128xf32> to vector<128x128xf32>
    %transpose3A_136 = tpu.transpose %squeeze3A_135, [1, 0] : vector<128x128xf32> -> vector<128x128xf32>
    %slice3A_137 = vector.extract_strided_slice %reshape3A {offsets = [0, 46, 0], sizes = [128, 1, 128], strides = [1, 1, 1]} : vector<128x100x128xf32> to vector<128x1x128xf32>
    %squeeze3A_138 = vector.shape_cast %slice3A_137 : vector<128x1x128xf32> to vector<128x128xf32>
    %transpose3A_139 = tpu.transpose %squeeze3A_138, [1, 0] : vector<128x128xf32> -> vector<128x128xf32>
    %slice3A_140 = vector.extract_strided_slice %reshape3A {offsets = [0, 47, 0], sizes = [128, 1, 128], strides = [1, 1, 1]} : vector<128x100x128xf32> to vector<128x1x128xf32>
    %squeeze3A_141 = vector.shape_cast %slice3A_140 : vector<128x1x128xf32> to vector<128x128xf32>
    %transpose3A_142 = tpu.transpose %squeeze3A_141, [1, 0] : vector<128x128xf32> -> vector<128x128xf32>
    %slice3A_143 = vector.extract_strided_slice %reshape3A {offsets = [0, 48, 0], sizes = [128, 1, 128], strides = [1, 1, 1]} : vector<128x100x128xf32> to vector<128x1x128xf32>
    %squeeze3A_144 = vector.shape_cast %slice3A_143 : vector<128x1x128xf32> to vector<128x128xf32>
    %transpose3A_145 = tpu.transpose %squeeze3A_144, [1, 0] : vector<128x128xf32> -> vector<128x128xf32>
    %slice3A_146 = vector.extract_strided_slice %reshape3A {offsets = [0, 49, 0], sizes = [128, 1, 128], strides = [1, 1, 1]} : vector<128x100x128xf32> to vector<128x1x128xf32>
    %squeeze3A_147 = vector.shape_cast %slice3A_146 : vector<128x1x128xf32> to vector<128x128xf32>
    %transpose3A_148 = tpu.transpose %squeeze3A_147, [1, 0] : vector<128x128xf32> -> vector<128x128xf32>
    %slice3A_149 = vector.extract_strided_slice %reshape3A {offsets = [0, 50, 0], sizes = [128, 1, 128], strides = [1, 1, 1]} : vector<128x100x128xf32> to vector<128x1x128xf32>
    %squeeze3A_150 = vector.shape_cast %slice3A_149 : vector<128x1x128xf32> to vector<128x128xf32>
    %transpose3A_151 = tpu.transpose %squeeze3A_150, [1, 0] : vector<128x128xf32> -> vector<128x128xf32>
    %slice3A_152 = vector.extract_strided_slice %reshape3A {offsets = [0, 51, 0], sizes = [128, 1, 128], strides = [1, 1, 1]} : vector<128x100x128xf32> to vector<128x1x128xf32>
    %squeeze3A_153 = vector.shape_cast %slice3A_152 : vector<128x1x128xf32> to vector<128x128xf32>
    %transpose3A_154 = tpu.transpose %squeeze3A_153, [1, 0] : vector<128x128xf32> -> vector<128x128xf32>
    %slice3A_155 = vector.extract_strided_slice %reshape3A {offsets = [0, 52, 0], sizes = [128, 1, 128], strides = [1, 1, 1]} : vector<128x100x128xf32> to vector<128x1x128xf32>
    %squeeze3A_156 = vector.shape_cast %slice3A_155 : vector<128x1x128xf32> to vector<128x128xf32>
    %transpose3A_157 = tpu.transpose %squeeze3A_156, [1, 0] : vector<128x128xf32> -> vector<128x128xf32>
    %slice3A_158 = vector.extract_strided_slice %reshape3A {offsets = [0, 53, 0], sizes = [128, 1, 128], strides = [1, 1, 1]} : vector<128x100x128xf32> to vector<128x1x128xf32>
    %squeeze3A_159 = vector.shape_cast %slice3A_158 : vector<128x1x128xf32> to vector<128x128xf32>
    %transpose3A_160 = tpu.transpose %squeeze3A_159, [1, 0] : vector<128x128xf32> -> vector<128x128xf32>
    %slice3A_161 = vector.extract_strided_slice %reshape3A {offsets = [0, 54, 0], sizes = [128, 1, 128], strides = [1, 1, 1]} : vector<128x100x128xf32> to vector<128x1x128xf32>
    %squeeze3A_162 = vector.shape_cast %slice3A_161 : vector<128x1x128xf32> to vector<128x128xf32>
    %transpose3A_163 = tpu.transpose %squeeze3A_162, [1, 0] : vector<128x128xf32> -> vector<128x128xf32>
    %slice3A_164 = vector.extract_strided_slice %reshape3A {offsets = [0, 55, 0], sizes = [128, 1, 128], strides = [1, 1, 1]} : vector<128x100x128xf32> to vector<128x1x128xf32>
    %squeeze3A_165 = vector.shape_cast %slice3A_164 : vector<128x1x128xf32> to vector<128x128xf32>
    %transpose3A_166 = tpu.transpose %squeeze3A_165, [1, 0] : vector<128x128xf32> -> vector<128x128xf32>
    %slice3A_167 = vector.extract_strided_slice %reshape3A {offsets = [0, 56, 0], sizes = [128, 1, 128], strides = [1, 1, 1]} : vector<128x100x128xf32> to vector<128x1x128xf32>
    %squeeze3A_168 = vector.shape_cast %slice3A_167 : vector<128x1x128xf32> to vector<128x128xf32>
    %transpose3A_169 = tpu.transpose %squeeze3A_168, [1, 0] : vector<128x128xf32> -> vector<128x128xf32>
    %slice3A_170 = vector.extract_strided_slice %reshape3A {offsets = [0, 57, 0], sizes = [128, 1, 128], strides = [1, 1, 1]} : vector<128x100x128xf32> to vector<128x1x128xf32>
    %squeeze3A_171 = vector.shape_cast %slice3A_170 : vector<128x1x128xf32> to vector<128x128xf32>
    %transpose3A_172 = tpu.transpose %squeeze3A_171, [1, 0] : vector<128x128xf32> -> vector<128x128xf32>
    %slice3A_173 = vector.extract_strided_slice %reshape3A {offsets = [0, 58, 0], sizes = [128, 1, 128], strides = [1, 1, 1]} : vector<128x100x128xf32> to vector<128x1x128xf32>
    %squeeze3A_174 = vector.shape_cast %slice3A_173 : vector<128x1x128xf32> to vector<128x128xf32>
    %transpose3A_175 = tpu.transpose %squeeze3A_174, [1, 0] : vector<128x128xf32> -> vector<128x128xf32>
    %slice3A_176 = vector.extract_strided_slice %reshape3A {offsets = [0, 59, 0], sizes = [128, 1, 128], strides = [1, 1, 1]} : vector<128x100x128xf32> to vector<128x1x128xf32>
    %squeeze3A_177 = vector.shape_cast %slice3A_176 : vector<128x1x128xf32> to vector<128x128xf32>
    %transpose3A_178 = tpu.transpose %squeeze3A_177, [1, 0] : vector<128x128xf32> -> vector<128x128xf32>
    %slice3A_179 = vector.extract_strided_slice %reshape3A {offsets = [0, 60, 0], sizes = [128, 1, 128], strides = [1, 1, 1]} : vector<128x100x128xf32> to vector<128x1x128xf32>
    %squeeze3A_180 = vector.shape_cast %slice3A_179 : vector<128x1x128xf32> to vector<128x128xf32>
    %transpose3A_181 = tpu.transpose %squeeze3A_180, [1, 0] : vector<128x128xf32> -> vector<128x128xf32>
    %slice3A_182 = vector.extract_strided_slice %reshape3A {offsets = [0, 61, 0], sizes = [128, 1, 128], strides = [1, 1, 1]} : vector<128x100x128xf32> to vector<128x1x128xf32>
    %squeeze3A_183 = vector.shape_cast %slice3A_182 : vector<128x1x128xf32> to vector<128x128xf32>
    %transpose3A_184 = tpu.transpose %squeeze3A_183, [1, 0] : vector<128x128xf32> -> vector<128x128xf32>
    %slice3A_185 = vector.extract_strided_slice %reshape3A {offsets = [0, 62, 0], sizes = [128, 1, 128], strides = [1, 1, 1]} : vector<128x100x128xf32> to vector<128x1x128xf32>
    %squeeze3A_186 = vector.shape_cast %slice3A_185 : vector<128x1x128xf32> to vector<128x128xf32>
    %transpose3A_187 = tpu.transpose %squeeze3A_186, [1, 0] : vector<128x128xf32> -> vector<128x128xf32>
    %slice3A_188 = vector.extract_strided_slice %reshape3A {offsets = [0, 63, 0], sizes = [128, 1, 128], strides = [1, 1, 1]} : vector<128x100x128xf32> to vector<128x1x128xf32>
    %squeeze3A_189 = vector.shape_cast %slice3A_188 : vector<128x1x128xf32> to vector<128x128xf32>
    %transpose3A_190 = tpu.transpose %squeeze3A_189, [1, 0] : vector<128x128xf32> -> vector<128x128xf32>
    %slice3A_191 = vector.extract_strided_slice %reshape3A {offsets = [0, 64, 0], sizes = [128, 1, 128], strides = [1, 1, 1]} : vector<128x100x128xf32> to vector<128x1x128xf32>
    %squeeze3A_192 = vector.shape_cast %slice3A_191 : vector<128x1x128xf32> to vector<128x128xf32>
    %transpose3A_193 = tpu.transpose %squeeze3A_192, [1, 0] : vector<128x128xf32> -> vector<128x128xf32>
    %slice3A_194 = vector.extract_strided_slice %reshape3A {offsets = [0, 65, 0], sizes = [128, 1, 128], strides = [1, 1, 1]} : vector<128x100x128xf32> to vector<128x1x128xf32>
    %squeeze3A_195 = vector.shape_cast %slice3A_194 : vector<128x1x128xf32> to vector<128x128xf32>
    %transpose3A_196 = tpu.transpose %squeeze3A_195, [1, 0] : vector<128x128xf32> -> vector<128x128xf32>
    %slice3A_197 = vector.extract_strided_slice %reshape3A {offsets = [0, 66, 0], sizes = [128, 1, 128], strides = [1, 1, 1]} : vector<128x100x128xf32> to vector<128x1x128xf32>
    %squeeze3A_198 = vector.shape_cast %slice3A_197 : vector<128x1x128xf32> to vector<128x128xf32>
    %transpose3A_199 = tpu.transpose %squeeze3A_198, [1, 0] : vector<128x128xf32> -> vector<128x128xf32>
    %slice3A_200 = vector.extract_strided_slice %reshape3A {offsets = [0, 67, 0], sizes = [128, 1, 128], strides = [1, 1, 1]} : vector<128x100x128xf32> to vector<128x1x128xf32>
    %squeeze3A_201 = vector.shape_cast %slice3A_200 : vector<128x1x128xf32> to vector<128x128xf32>
    %transpose3A_202 = tpu.transpose %squeeze3A_201, [1, 0] : vector<128x128xf32> -> vector<128x128xf32>
    %slice3A_203 = vector.extract_strided_slice %reshape3A {offsets = [0, 68, 0], sizes = [128, 1, 128], strides = [1, 1, 1]} : vector<128x100x128xf32> to vector<128x1x128xf32>
    %squeeze3A_204 = vector.shape_cast %slice3A_203 : vector<128x1x128xf32> to vector<128x128xf32>
    %transpose3A_205 = tpu.transpose %squeeze3A_204, [1, 0] : vector<128x128xf32> -> vector<128x128xf32>
    %slice3A_206 = vector.extract_strided_slice %reshape3A {offsets = [0, 69, 0], sizes = [128, 1, 128], strides = [1, 1, 1]} : vector<128x100x128xf32> to vector<128x1x128xf32>
    %squeeze3A_207 = vector.shape_cast %slice3A_206 : vector<128x1x128xf32> to vector<128x128xf32>
    %transpose3A_208 = tpu.transpose %squeeze3A_207, [1, 0] : vector<128x128xf32> -> vector<128x128xf32>
    %slice3A_209 = vector.extract_strided_slice %reshape3A {offsets = [0, 70, 0], sizes = [128, 1, 128], strides = [1, 1, 1]} : vector<128x100x128xf32> to vector<128x1x128xf32>
    %squeeze3A_210 = vector.shape_cast %slice3A_209 : vector<128x1x128xf32> to vector<128x128xf32>
    %transpose3A_211 = tpu.transpose %squeeze3A_210, [1, 0] : vector<128x128xf32> -> vector<128x128xf32>
    %slice3A_212 = vector.extract_strided_slice %reshape3A {offsets = [0, 71, 0], sizes = [128, 1, 128], strides = [1, 1, 1]} : vector<128x100x128xf32> to vector<128x1x128xf32>
    %squeeze3A_213 = vector.shape_cast %slice3A_212 : vector<128x1x128xf32> to vector<128x128xf32>
    %transpose3A_214 = tpu.transpose %squeeze3A_213, [1, 0] : vector<128x128xf32> -> vector<128x128xf32>
    %slice3A_215 = vector.extract_strided_slice %reshape3A {offsets = [0, 72, 0], sizes = [128, 1, 128], strides = [1, 1, 1]} : vector<128x100x128xf32> to vector<128x1x128xf32>
    %squeeze3A_216 = vector.shape_cast %slice3A_215 : vector<128x1x128xf32> to vector<128x128xf32>
    %transpose3A_217 = tpu.transpose %squeeze3A_216, [1, 0] : vector<128x128xf32> -> vector<128x128xf32>
    %slice3A_218 = vector.extract_strided_slice %reshape3A {offsets = [0, 73, 0], sizes = [128, 1, 128], strides = [1, 1, 1]} : vector<128x100x128xf32> to vector<128x1x128xf32>
    %squeeze3A_219 = vector.shape_cast %slice3A_218 : vector<128x1x128xf32> to vector<128x128xf32>
    %transpose3A_220 = tpu.transpose %squeeze3A_219, [1, 0] : vector<128x128xf32> -> vector<128x128xf32>
    %slice3A_221 = vector.extract_strided_slice %reshape3A {offsets = [0, 74, 0], sizes = [128, 1, 128], strides = [1, 1, 1]} : vector<128x100x128xf32> to vector<128x1x128xf32>
    %squeeze3A_222 = vector.shape_cast %slice3A_221 : vector<128x1x128xf32> to vector<128x128xf32>
    %transpose3A_223 = tpu.transpose %squeeze3A_222, [1, 0] : vector<128x128xf32> -> vector<128x128xf32>
    %slice3A_224 = vector.extract_strided_slice %reshape3A {offsets = [0, 75, 0], sizes = [128, 1, 128], strides = [1, 1, 1]} : vector<128x100x128xf32> to vector<128x1x128xf32>
    %squeeze3A_225 = vector.shape_cast %slice3A_224 : vector<128x1x128xf32> to vector<128x128xf32>
    %transpose3A_226 = tpu.transpose %squeeze3A_225, [1, 0] : vector<128x128xf32> -> vector<128x128xf32>
    %slice3A_227 = vector.extract_strided_slice %reshape3A {offsets = [0, 76, 0], sizes = [128, 1, 128], strides = [1, 1, 1]} : vector<128x100x128xf32> to vector<128x1x128xf32>
    %squeeze3A_228 = vector.shape_cast %slice3A_227 : vector<128x1x128xf32> to vector<128x128xf32>
    %transpose3A_229 = tpu.transpose %squeeze3A_228, [1, 0] : vector<128x128xf32> -> vector<128x128xf32>
    %slice3A_230 = vector.extract_strided_slice %reshape3A {offsets = [0, 77, 0], sizes = [128, 1, 128], strides = [1, 1, 1]} : vector<128x100x128xf32> to vector<128x1x128xf32>
    %squeeze3A_231 = vector.shape_cast %slice3A_230 : vector<128x1x128xf32> to vector<128x128xf32>
    %transpose3A_232 = tpu.transpose %squeeze3A_231, [1, 0] : vector<128x128xf32> -> vector<128x128xf32>
    %slice3A_233 = vector.extract_strided_slice %reshape3A {offsets = [0, 78, 0], sizes = [128, 1, 128], strides = [1, 1, 1]} : vector<128x100x128xf32> to vector<128x1x128xf32>
    %squeeze3A_234 = vector.shape_cast %slice3A_233 : vector<128x1x128xf32> to vector<128x128xf32>
    %transpose3A_235 = tpu.transpose %squeeze3A_234, [1, 0] : vector<128x128xf32> -> vector<128x128xf32>
    %slice3A_236 = vector.extract_strided_slice %reshape3A {offsets = [0, 79, 0], sizes = [128, 1, 128], strides = [1, 1, 1]} : vector<128x100x128xf32> to vector<128x1x128xf32>
    %squeeze3A_237 = vector.shape_cast %slice3A_236 : vector<128x1x128xf32> to vector<128x128xf32>
    %transpose3A_238 = tpu.transpose %squeeze3A_237, [1, 0] : vector<128x128xf32> -> vector<128x128xf32>
    %slice3A_239 = vector.extract_strided_slice %reshape3A {offsets = [0, 80, 0], sizes = [128, 1, 128], strides = [1, 1, 1]} : vector<128x100x128xf32> to vector<128x1x128xf32>
    %squeeze3A_240 = vector.shape_cast %slice3A_239 : vector<128x1x128xf32> to vector<128x128xf32>
    %transpose3A_241 = tpu.transpose %squeeze3A_240, [1, 0] : vector<128x128xf32> -> vector<128x128xf32>
    %slice3A_242 = vector.extract_strided_slice %reshape3A {offsets = [0, 81, 0], sizes = [128, 1, 128], strides = [1, 1, 1]} : vector<128x100x128xf32> to vector<128x1x128xf32>
    %squeeze3A_243 = vector.shape_cast %slice3A_242 : vector<128x1x128xf32> to vector<128x128xf32>
    %transpose3A_244 = tpu.transpose %squeeze3A_243, [1, 0] : vector<128x128xf32> -> vector<128x128xf32>
    %slice3A_245 = vector.extract_strided_slice %reshape3A {offsets = [0, 82, 0], sizes = [128, 1, 128], strides = [1, 1, 1]} : vector<128x100x128xf32> to vector<128x1x128xf32>
    %squeeze3A_246 = vector.shape_cast %slice3A_245 : vector<128x1x128xf32> to vector<128x128xf32>
    %transpose3A_247 = tpu.transpose %squeeze3A_246, [1, 0] : vector<128x128xf32> -> vector<128x128xf32>
    %slice3A_248 = vector.extract_strided_slice %reshape3A {offsets = [0, 83, 0], sizes = [128, 1, 128], strides = [1, 1, 1]} : vector<128x100x128xf32> to vector<128x1x128xf32>
    %squeeze3A_249 = vector.shape_cast %slice3A_248 : vector<128x1x128xf32> to vector<128x128xf32>
    %transpose3A_250 = tpu.transpose %squeeze3A_249, [1, 0] : vector<128x128xf32> -> vector<128x128xf32>
    %slice3A_251 = vector.extract_strided_slice %reshape3A {offsets = [0, 84, 0], sizes = [128, 1, 128], strides = [1, 1, 1]} : vector<128x100x128xf32> to vector<128x1x128xf32>
    %squeeze3A_252 = vector.shape_cast %slice3A_251 : vector<128x1x128xf32> to vector<128x128xf32>
    %transpose3A_253 = tpu.transpose %squeeze3A_252, [1, 0] : vector<128x128xf32> -> vector<128x128xf32>
    %slice3A_254 = vector.extract_strided_slice %reshape3A {offsets = [0, 85, 0], sizes = [128, 1, 128], strides = [1, 1, 1]} : vector<128x100x128xf32> to vector<128x1x128xf32>
    %squeeze3A_255 = vector.shape_cast %slice3A_254 : vector<128x1x128xf32> to vector<128x128xf32>
    %transpose3A_256 = tpu.transpose %squeeze3A_255, [1, 0] : vector<128x128xf32> -> vector<128x128xf32>
    %slice3A_257 = vector.extract_strided_slice %reshape3A {offsets = [0, 86, 0], sizes = [128, 1, 128], strides = [1, 1, 1]} : vector<128x100x128xf32> to vector<128x1x128xf32>
    %squeeze3A_258 = vector.shape_cast %slice3A_257 : vector<128x1x128xf32> to vector<128x128xf32>
    %transpose3A_259 = tpu.transpose %squeeze3A_258, [1, 0] : vector<128x128xf32> -> vector<128x128xf32>
    %slice3A_260 = vector.extract_strided_slice %reshape3A {offsets = [0, 87, 0], sizes = [128, 1, 128], strides = [1, 1, 1]} : vector<128x100x128xf32> to vector<128x1x128xf32>
    %squeeze3A_261 = vector.shape_cast %slice3A_260 : vector<128x1x128xf32> to vector<128x128xf32>
    %transpose3A_262 = tpu.transpose %squeeze3A_261, [1, 0] : vector<128x128xf32> -> vector<128x128xf32>
    %slice3A_263 = vector.extract_strided_slice %reshape3A {offsets = [0, 88, 0], sizes = [128, 1, 128], strides = [1, 1, 1]} : vector<128x100x128xf32> to vector<128x1x128xf32>
    %squeeze3A_264 = vector.shape_cast %slice3A_263 : vector<128x1x128xf32> to vector<128x128xf32>
    %transpose3A_265 = tpu.transpose %squeeze3A_264, [1, 0] : vector<128x128xf32> -> vector<128x128xf32>
    %slice3A_266 = vector.extract_strided_slice %reshape3A {offsets = [0, 89, 0], sizes = [128, 1, 128], strides = [1, 1, 1]} : vector<128x100x128xf32> to vector<128x1x128xf32>
    %squeeze3A_267 = vector.shape_cast %slice3A_266 : vector<128x1x128xf32> to vector<128x128xf32>
    %transpose3A_268 = tpu.transpose %squeeze3A_267, [1, 0] : vector<128x128xf32> -> vector<128x128xf32>
    %slice3A_269 = vector.extract_strided_slice %reshape3A {offsets = [0, 90, 0], sizes = [128, 1, 128], strides = [1, 1, 1]} : vector<128x100x128xf32> to vector<128x1x128xf32>
    %squeeze3A_270 = vector.shape_cast %slice3A_269 : vector<128x1x128xf32> to vector<128x128xf32>
    %transpose3A_271 = tpu.transpose %squeeze3A_270, [1, 0] : vector<128x128xf32> -> vector<128x128xf32>
    %slice3A_272 = vector.extract_strided_slice %reshape3A {offsets = [0, 91, 0], sizes = [128, 1, 128], strides = [1, 1, 1]} : vector<128x100x128xf32> to vector<128x1x128xf32>
    %squeeze3A_273 = vector.shape_cast %slice3A_272 : vector<128x1x128xf32> to vector<128x128xf32>
    %transpose3A_274 = tpu.transpose %squeeze3A_273, [1, 0] : vector<128x128xf32> -> vector<128x128xf32>
    %slice3A_275 = vector.extract_strided_slice %reshape3A {offsets = [0, 92, 0], sizes = [128, 1, 128], strides = [1, 1, 1]} : vector<128x100x128xf32> to vector<128x1x128xf32>
    %squeeze3A_276 = vector.shape_cast %slice3A_275 : vector<128x1x128xf32> to vector<128x128xf32>
    %transpose3A_277 = tpu.transpose %squeeze3A_276, [1, 0] : vector<128x128xf32> -> vector<128x128xf32>
    %slice3A_278 = vector.extract_strided_slice %reshape3A {offsets = [0, 93, 0], sizes = [128, 1, 128], strides = [1, 1, 1]} : vector<128x100x128xf32> to vector<128x1x128xf32>
    %squeeze3A_279 = vector.shape_cast %slice3A_278 : vector<128x1x128xf32> to vector<128x128xf32>
    %transpose3A_280 = tpu.transpose %squeeze3A_279, [1, 0] : vector<128x128xf32> -> vector<128x128xf32>
    %slice3A_281 = vector.extract_strided_slice %reshape3A {offsets = [0, 94, 0], sizes = [128, 1, 128], strides = [1, 1, 1]} : vector<128x100x128xf32> to vector<128x1x128xf32>
    %squeeze3A_282 = vector.shape_cast %slice3A_281 : vector<128x1x128xf32> to vector<128x128xf32>
    %transpose3A_283 = tpu.transpose %squeeze3A_282, [1, 0] : vector<128x128xf32> -> vector<128x128xf32>
    %slice3A_284 = vector.extract_strided_slice %reshape3A {offsets = [0, 95, 0], sizes = [128, 1, 128], strides = [1, 1, 1]} : vector<128x100x128xf32> to vector<128x1x128xf32>
    %squeeze3A_285 = vector.shape_cast %slice3A_284 : vector<128x1x128xf32> to vector<128x128xf32>
    %transpose3A_286 = tpu.transpose %squeeze3A_285, [1, 0] : vector<128x128xf32> -> vector<128x128xf32>
    %slice3A_287 = vector.extract_strided_slice %reshape3A {offsets = [0, 96, 0], sizes = [128, 1, 128], strides = [1, 1, 1]} : vector<128x100x128xf32> to vector<128x1x128xf32>
    %squeeze3A_288 = vector.shape_cast %slice3A_287 : vector<128x1x128xf32> to vector<128x128xf32>
    %transpose3A_289 = tpu.transpose %squeeze3A_288, [1, 0] : vector<128x128xf32> -> vector<128x128xf32>
    %slice3A_290 = vector.extract_strided_slice %reshape3A {offsets = [0, 97, 0], sizes = [128, 1, 128], strides = [1, 1, 1]} : vector<128x100x128xf32> to vector<128x1x128xf32>
    %squeeze3A_291 = vector.shape_cast %slice3A_290 : vector<128x1x128xf32> to vector<128x128xf32>
    %transpose3A_292 = tpu.transpose %squeeze3A_291, [1, 0] : vector<128x128xf32> -> vector<128x128xf32>
    %slice3A_293 = vector.extract_strided_slice %reshape3A {offsets = [0, 98, 0], sizes = [128, 1, 128], strides = [1, 1, 1]} : vector<128x100x128xf32> to vector<128x1x128xf32>
    %squeeze3A_294 = vector.shape_cast %slice3A_293 : vector<128x1x128xf32> to vector<128x128xf32>
    %transpose3A_295 = tpu.transpose %squeeze3A_294, [1, 0] : vector<128x128xf32> -> vector<128x128xf32>
    %slice3A_296 = vector.extract_strided_slice %reshape3A {offsets = [0, 99, 0], sizes = [128, 1, 128], strides = [1, 1, 1]} : vector<128x100x128xf32> to vector<128x1x128xf32>
    %squeeze3A_297 = vector.shape_cast %slice3A_296 : vector<128x1x128xf32> to vector<128x128xf32>
    %transpose3A_298 = tpu.transpose %squeeze3A_297, [1, 0] : vector<128x128xf32> -> vector<128x128xf32>
    %concatenate3A = tpu.concatenate %transpose3A, %transpose3A_4, %transpose3A_7, %transpose3A_10, %transpose3A_13, %transpose3A_16, %transpose3A_19, %transpose3A_22, %transpose3A_25, %transpose3A_28, %transpose3A_31, %transpose3A_34, %transpose3A_37, %transpose3A_40, %transpose3A_43, %transpose3A_46, %transpose3A_49, %transpose3A_52, %transpose3A_55, %transpose3A_58, %transpose3A_61, %transpose3A_64, %transpose3A_67, %transpose3A_70, %transpose3A_73, %transpose3A_76, %transpose3A_79, %transpose3A_82, %transpose3A_85, %transpose3A_88, %transpose3A_91, %transpose3A_94, %transpose3A_97, %transpose3A_100, %transpose3A_103, %transpose3A_106, %transpose3A_109, %transpose3A_112, %transpose3A_115, %transpose3A_118, %transpose3A_121, %transpose3A_124, %transpose3A_127, %transpose3A_130, %transpose3A_133, %transpose3A_136, %transpose3A_139, %transpose3A_142, %transpose3A_145, %transpose3A_148, %transpose3A_151, %transpose3A_154, %transpose3A_157, %transpose3A_160, %transpose3A_163, %transpose3A_166, %transpose3A_169, %transpose3A_172, %transpose3A_175, %transpose3A_178, %transpose3A_181, %transpose3A_184, %transpose3A_187, %transpose3A_190, %transpose3A_193, %transpose3A_196, %transpose3A_199, %transpose3A_202, %transpose3A_205, %transpose3A_208, %transpose3A_211, %transpose3A_214, %transpose3A_217, %transpose3A_220, %transpose3A_223, %transpose3A_226, %transpose3A_229, %transpose3A_232, %transpose3A_235, %transpose3A_238, %transpose3A_241, %transpose3A_244, %transpose3A_247, %transpose3A_250, %transpose3A_253, %transpose3A_256, %transpose3A_259, %transpose3A_262, %transpose3A_265, %transpose3A_268, %transpose3A_271, %transpose3A_274, %transpose3A_277, %transpose3A_280, %transpose3A_283, %transpose3A_286, %transpose3A_289, %transpose3A_292, %transpose3A_295, %transpose3A_298 in 0 : vector<128x128xf32>, vector<128x128xf32>, vector<128x128xf32>, vector<128x128xf32>, vector<128x128xf32>, vector<128x128xf32>, vector<128x128xf32>, vector<128x128xf32>, vector<128x128xf32>, vector<128x128xf32>, vector<128x128xf32>, vector<128x128xf32>, vector<128x128xf32>, vector<128x128xf32>, vector<128x128xf32>, vector<128x128xf32>, vector<128x128xf32>, vector<128x128xf32>, vector<128x128xf32>, vector<128x128xf32>, vector<128x128xf32>, vector<128x128xf32>, vector<128x128xf32>, vector<128x128xf32>, vector<128x128xf32>, vector<128x128xf32>, vector<128x128xf32>, vector<128x128xf32>, vector<128x128xf32>, vector<128x128xf32>, vector<128x128xf32>, vector<128x128xf32>, vector<128x128xf32>, vector<128x128xf32>, vector<128x128xf32>, vector<128x128xf32>, vector<128x128xf32>, vector<128x128xf32>, vector<128x128xf32>, vector<128x128xf32>, vector<128x128xf32>, vector<128x128xf32>, vector<128x128xf32>, vector<128x128xf32>, vector<128x128xf32>, vector<128x128xf32>, vector<128x128xf32>, vector<128x128xf32>, vector<128x128xf32>, vector<128x128xf32>, vector<128x128xf32>, vector<128x128xf32>, vector<128x128xf32>, vector<128x128xf32>, vector<128x128xf32>, vector<128x128xf32>, vector<128x128xf32>, vector<128x128xf32>, vector<128x128xf32>, vector<128x128xf32>, vector<128x128xf32>, vector<128x128xf32>, vector<128x128xf32>, vector<128x128xf32>, vector<128x128xf32>, vector<128x128xf32>, vector<128x128xf32>, vector<128x128xf32>, vector<128x128xf32>, vector<128x128xf32>, vector<128x128xf32>, vector<128x128xf32>, vector<128x128xf32>, vector<128x128xf32>, vector<128x128xf32>, vector<128x128xf32>, vector<128x128xf32>, vector<128x128xf32>, vector<128x128xf32>, vector<128x128xf32>, vector<128x128xf32>, vector<128x128xf32>, vector<128x128xf32>, vector<128x128xf32>, vector<128x128xf32>, vector<128x128xf32>, vector<128x128xf32>, vector<128x128xf32>, vector<128x128xf32>, vector<128x128xf32>, vector<128x128xf32>, vector<128x128xf32>, vector<128x128xf32>, vector<128x128xf32>, vector<128x128xf32>, vector<128x128xf32>, vector<128x128xf32>, vector<128x128xf32>, vector<128x128xf32>, vector<128x128xf32> -> vector<12800x128xf32>
    %swap3A = arith.constant 0 : index
    %swap3A_299 = arith.constant 0 : index
    %swap3A_300 = vector.load %arg2[%swap3A, %swap3A_299] : memref<12800x128xf32, #tpu.memory_space<vmem>>, vector<12800x128xf32>
    tpu.vector_store %arg2[%swap3A, %swap3A_299], %concatenate3A {strides = array<i32>} : memref<12800x128xf32, #tpu.memory_space<vmem>>, vector<12800x128xf32>,
    return
  }
  func.func @transform_0(%arg0: i32) -> (i32, i32) {
    %c0_i32 = arith.constant 0 : i32
    %c0_i32_0 = arith.constant 0 : i32
    return %arg0, %c0_i32 : i32, i32
  }
  func.func @transform_1(%arg0: i32) -> (i32, i32) {
    %c0_i32 = arith.constant 0 : i32
    %c0_i32_0 = arith.constant 0 : i32
    return %c0_i32, %arg0 : i32, i32
  }
}

module attributes {stable_mosaic.version = 14 : i64} {
  func.func @_fuse_body(%arg0: i32, %arg1: memref<64x8192xf32, #tpu.memory_space<vmem>>, %arg2: memref<16x8192xf32, #tpu.memory_space<vmem>>, %arg3: memref<16x64xf32, #tpu.memory_space<vmem>>, %arg4: memref<4096x128xf32, #tpu.memory_space<vmem>>) attributes {dimension_semantics = [#tpu.dimension_semantics<arbitrary>], iteration_bounds = array<i64: 123>, scalar_prefetch = 0 : i64, scratch_operands = 0 : i64, tpu.core_type = #tpu.core_type<tc>, window_params = [{transform_indices = @transform_0, window_bounds = array<i64: 64, 8192>}, {transform_indices = @transform_1, window_bounds = array<i64: 16, 8192>}, {pipeline_mode = #tpu.pipeline_mode<synchronous>, transform_indices = @transform_2, window_bounds = array<i64: 16, 64>}, {transform_indices = @transform_3, window_bounds = array<i64: 4096, 128>}]} {
    %get3A = arith.constant 0 : index
    %get3A_0 = arith.constant 0 : index
    %get3A_1 = vector.load %arg1[%get3A, %get3A_0] : memref<64x8192xf32, #tpu.memory_space<vmem>>, vector<64x8192xf32>
    %get3A_2 = arith.constant 0 : index
    %get3A_3 = arith.constant 0 : index
    %get3A_4 = vector.load %arg2[%get3A_2, %get3A_3] : memref<16x8192xf32, #tpu.memory_space<vmem>>, vector<16x8192xf32>
    %get3A_5 = arith.constant 0 : index
    %get3A_6 = arith.constant 0 : index
    %get3A_7 = vector.load %arg3[%get3A_5, %get3A_6] : memref<16x64xf32, #tpu.memory_space<vmem>>, vector<16x64xf32>
    %dot_general3A = arith.constant dense<0.000000e+00> : vector<64x8192xf32>
    %dot_general3A_8 = tpu.matmul %get3A_7, %get3A_4, %dot_general3A {dimension_numbers = #tpu.dot_dimension_numbers<[0], [0], [1], [1], [0, 1, 1, 1], [], []>, transpose_lhs_hint = false} : vector<16x64xf32>, vector<16x8192xf32>, vector<64x8192xf32> -> vector<64x8192xf32>
    %add3A = arith.addf %get3A_1, %dot_general3A_8 : vector<64x8192xf32>
    %slice3A = vector.extract_strided_slice %add3A {offsets = [0, 0], sizes = [64, 4096], strides = [1, 1]} : vector<64x8192xf32> to vector<64x4096xf32>
    %slice3A_9 = vector.extract_strided_slice %add3A {offsets = [0, 4096], sizes = [64, 4096], strides = [1, 1]} : vector<64x8192xf32> to vector<64x4096xf32>
    %concatenate3A = tpu.concatenate %slice3A, %slice3A_9 in 0 : vector<64x4096xf32>, vector<64x4096xf32> -> vector<128x4096xf32>
    %slice3A_10 = vector.extract_strided_slice %concatenate3A {offsets = [0, 0], sizes = [128, 128], strides = [1, 1]} : vector<128x4096xf32> to vector<128x128xf32>
    %transpose3A = tpu.transpose %slice3A_10, [1, 0] : vector<128x128xf32> -> vector<128x128xf32>
    %slice3A_11 = vector.extract_strided_slice %concatenate3A {offsets = [0, 128], sizes = [128, 128], strides = [1, 1]} : vector<128x4096xf32> to vector<128x128xf32>
    %transpose3A_12 = tpu.transpose %slice3A_11, [1, 0] : vector<128x128xf32> -> vector<128x128xf32>
    %slice3A_13 = vector.extract_strided_slice %concatenate3A {offsets = [0, 256], sizes = [128, 128], strides = [1, 1]} : vector<128x4096xf32> to vector<128x128xf32>
    %transpose3A_14 = tpu.transpose %slice3A_13, [1, 0] : vector<128x128xf32> -> vector<128x128xf32>
    %slice3A_15 = vector.extract_strided_slice %concatenate3A {offsets = [0, 384], sizes = [128, 128], strides = [1, 1]} : vector<128x4096xf32> to vector<128x128xf32>
    %transpose3A_16 = tpu.transpose %slice3A_15, [1, 0] : vector<128x128xf32> -> vector<128x128xf32>
    %slice3A_17 = vector.extract_strided_slice %concatenate3A {offsets = [0, 512], sizes = [128, 128], strides = [1, 1]} : vector<128x4096xf32> to vector<128x128xf32>
    %transpose3A_18 = tpu.transpose %slice3A_17, [1, 0] : vector<128x128xf32> -> vector<128x128xf32>
    %slice3A_19 = vector.extract_strided_slice %concatenate3A {offsets = [0, 640], sizes = [128, 128], strides = [1, 1]} : vector<128x4096xf32> to vector<128x128xf32>
    %transpose3A_20 = tpu.transpose %slice3A_19, [1, 0] : vector<128x128xf32> -> vector<128x128xf32>
    %slice3A_21 = vector.extract_strided_slice %concatenate3A {offsets = [0, 768], sizes = [128, 128], strides = [1, 1]} : vector<128x4096xf32> to vector<128x128xf32>
    %transpose3A_22 = tpu.transpose %slice3A_21, [1, 0] : vector<128x128xf32> -> vector<128x128xf32>
    %slice3A_23 = vector.extract_strided_slice %concatenate3A {offsets = [0, 896], sizes = [128, 128], strides = [1, 1]} : vector<128x4096xf32> to vector<128x128xf32>
    %transpose3A_24 = tpu.transpose %slice3A_23, [1, 0] : vector<128x128xf32> -> vector<128x128xf32>
    %slice3A_25 = vector.extract_strided_slice %concatenate3A {offsets = [0, 1024], sizes = [128, 128], strides = [1, 1]} : vector<128x4096xf32> to vector<128x128xf32>
    %transpose3A_26 = tpu.transpose %slice3A_25, [1, 0] : vector<128x128xf32> -> vector<128x128xf32>
    %slice3A_27 = vector.extract_strided_slice %concatenate3A {offsets = [0, 1152], sizes = [128, 128], strides = [1, 1]} : vector<128x4096xf32> to vector<128x128xf32>
    %transpose3A_28 = tpu.transpose %slice3A_27, [1, 0] : vector<128x128xf32> -> vector<128x128xf32>
    %slice3A_29 = vector.extract_strided_slice %concatenate3A {offsets = [0, 1280], sizes = [128, 128], strides = [1, 1]} : vector<128x4096xf32> to vector<128x128xf32>
    %transpose3A_30 = tpu.transpose %slice3A_29, [1, 0] : vector<128x128xf32> -> vector<128x128xf32>
    %slice3A_31 = vector.extract_strided_slice %concatenate3A {offsets = [0, 1408], sizes = [128, 128], strides = [1, 1]} : vector<128x4096xf32> to vector<128x128xf32>
    %transpose3A_32 = tpu.transpose %slice3A_31, [1, 0] : vector<128x128xf32> -> vector<128x128xf32>
    %slice3A_33 = vector.extract_strided_slice %concatenate3A {offsets = [0, 1536], sizes = [128, 128], strides = [1, 1]} : vector<128x4096xf32> to vector<128x128xf32>
    %transpose3A_34 = tpu.transpose %slice3A_33, [1, 0] : vector<128x128xf32> -> vector<128x128xf32>
    %slice3A_35 = vector.extract_strided_slice %concatenate3A {offsets = [0, 1664], sizes = [128, 128], strides = [1, 1]} : vector<128x4096xf32> to vector<128x128xf32>
    %transpose3A_36 = tpu.transpose %slice3A_35, [1, 0] : vector<128x128xf32> -> vector<128x128xf32>
    %slice3A_37 = vector.extract_strided_slice %concatenate3A {offsets = [0, 1792], sizes = [128, 128], strides = [1, 1]} : vector<128x4096xf32> to vector<128x128xf32>
    %transpose3A_38 = tpu.transpose %slice3A_37, [1, 0] : vector<128x128xf32> -> vector<128x128xf32>
    %slice3A_39 = vector.extract_strided_slice %concatenate3A {offsets = [0, 1920], sizes = [128, 128], strides = [1, 1]} : vector<128x4096xf32> to vector<128x128xf32>
    %transpose3A_40 = tpu.transpose %slice3A_39, [1, 0] : vector<128x128xf32> -> vector<128x128xf32>
    %slice3A_41 = vector.extract_strided_slice %concatenate3A {offsets = [0, 2048], sizes = [128, 128], strides = [1, 1]} : vector<128x4096xf32> to vector<128x128xf32>
    %transpose3A_42 = tpu.transpose %slice3A_41, [1, 0] : vector<128x128xf32> -> vector<128x128xf32>
    %slice3A_43 = vector.extract_strided_slice %concatenate3A {offsets = [0, 2176], sizes = [128, 128], strides = [1, 1]} : vector<128x4096xf32> to vector<128x128xf32>
    %transpose3A_44 = tpu.transpose %slice3A_43, [1, 0] : vector<128x128xf32> -> vector<128x128xf32>
    %slice3A_45 = vector.extract_strided_slice %concatenate3A {offsets = [0, 2304], sizes = [128, 128], strides = [1, 1]} : vector<128x4096xf32> to vector<128x128xf32>
    %transpose3A_46 = tpu.transpose %slice3A_45, [1, 0] : vector<128x128xf32> -> vector<128x128xf32>
    %slice3A_47 = vector.extract_strided_slice %concatenate3A {offsets = [0, 2432], sizes = [128, 128], strides = [1, 1]} : vector<128x4096xf32> to vector<128x128xf32>
    %transpose3A_48 = tpu.transpose %slice3A_47, [1, 0] : vector<128x128xf32> -> vector<128x128xf32>
    %slice3A_49 = vector.extract_strided_slice %concatenate3A {offsets = [0, 2560], sizes = [128, 128], strides = [1, 1]} : vector<128x4096xf32> to vector<128x128xf32>
    %transpose3A_50 = tpu.transpose %slice3A_49, [1, 0] : vector<128x128xf32> -> vector<128x128xf32>
    %slice3A_51 = vector.extract_strided_slice %concatenate3A {offsets = [0, 2688], sizes = [128, 128], strides = [1, 1]} : vector<128x4096xf32> to vector<128x128xf32>
    %transpose3A_52 = tpu.transpose %slice3A_51, [1, 0] : vector<128x128xf32> -> vector<128x128xf32>
    %slice3A_53 = vector.extract_strided_slice %concatenate3A {offsets = [0, 2816], sizes = [128, 128], strides = [1, 1]} : vector<128x4096xf32> to vector<128x128xf32>
    %transpose3A_54 = tpu.transpose %slice3A_53, [1, 0] : vector<128x128xf32> -> vector<128x128xf32>
    %slice3A_55 = vector.extract_strided_slice %concatenate3A {offsets = [0, 2944], sizes = [128, 128], strides = [1, 1]} : vector<128x4096xf32> to vector<128x128xf32>
    %transpose3A_56 = tpu.transpose %slice3A_55, [1, 0] : vector<128x128xf32> -> vector<128x128xf32>
    %slice3A_57 = vector.extract_strided_slice %concatenate3A {offsets = [0, 3072], sizes = [128, 128], strides = [1, 1]} : vector<128x4096xf32> to vector<128x128xf32>
    %transpose3A_58 = tpu.transpose %slice3A_57, [1, 0] : vector<128x128xf32> -> vector<128x128xf32>
    %slice3A_59 = vector.extract_strided_slice %concatenate3A {offsets = [0, 3200], sizes = [128, 128], strides = [1, 1]} : vector<128x4096xf32> to vector<128x128xf32>
    %transpose3A_60 = tpu.transpose %slice3A_59, [1, 0] : vector<128x128xf32> -> vector<128x128xf32>
    %slice3A_61 = vector.extract_strided_slice %concatenate3A {offsets = [0, 3328], sizes = [128, 128], strides = [1, 1]} : vector<128x4096xf32> to vector<128x128xf32>
    %transpose3A_62 = tpu.transpose %slice3A_61, [1, 0] : vector<128x128xf32> -> vector<128x128xf32>
    %slice3A_63 = vector.extract_strided_slice %concatenate3A {offsets = [0, 3456], sizes = [128, 128], strides = [1, 1]} : vector<128x4096xf32> to vector<128x128xf32>
    %transpose3A_64 = tpu.transpose %slice3A_63, [1, 0] : vector<128x128xf32> -> vector<128x128xf32>
    %slice3A_65 = vector.extract_strided_slice %concatenate3A {offsets = [0, 3584], sizes = [128, 128], strides = [1, 1]} : vector<128x4096xf32> to vector<128x128xf32>
    %transpose3A_66 = tpu.transpose %slice3A_65, [1, 0] : vector<128x128xf32> -> vector<128x128xf32>
    %slice3A_67 = vector.extract_strided_slice %concatenate3A {offsets = [0, 3712], sizes = [128, 128], strides = [1, 1]} : vector<128x4096xf32> to vector<128x128xf32>
    %transpose3A_68 = tpu.transpose %slice3A_67, [1, 0] : vector<128x128xf32> -> vector<128x128xf32>
    %slice3A_69 = vector.extract_strided_slice %concatenate3A {offsets = [0, 3840], sizes = [128, 128], strides = [1, 1]} : vector<128x4096xf32> to vector<128x128xf32>
    %transpose3A_70 = tpu.transpose %slice3A_69, [1, 0] : vector<128x128xf32> -> vector<128x128xf32>
    %slice3A_71 = vector.extract_strided_slice %concatenate3A {offsets = [0, 3968], sizes = [128, 128], strides = [1, 1]} : vector<128x4096xf32> to vector<128x128xf32>
    %transpose3A_72 = tpu.transpose %slice3A_71, [1, 0] : vector<128x128xf32> -> vector<128x128xf32>
    %concatenate3A_73 = tpu.concatenate %transpose3A, %transpose3A_12, %transpose3A_14, %transpose3A_16, %transpose3A_18, %transpose3A_20, %transpose3A_22, %transpose3A_24, %transpose3A_26, %transpose3A_28, %transpose3A_30, %transpose3A_32, %transpose3A_34, %transpose3A_36, %transpose3A_38, %transpose3A_40, %transpose3A_42, %transpose3A_44, %transpose3A_46, %transpose3A_48, %transpose3A_50, %transpose3A_52, %transpose3A_54, %transpose3A_56, %transpose3A_58, %transpose3A_60, %transpose3A_62, %transpose3A_64, %transpose3A_66, %transpose3A_68, %transpose3A_70, %transpose3A_72 in 0 : vector<128x128xf32>, vector<128x128xf32>, vector<128x128xf32>, vector<128x128xf32>, vector<128x128xf32>, vector<128x128xf32>, vector<128x128xf32>, vector<128x128xf32>, vector<128x128xf32>, vector<128x128xf32>, vector<128x128xf32>, vector<128x128xf32>, vector<128x128xf32>, vector<128x128xf32>, vector<128x128xf32>, vector<128x128xf32>, vector<128x128xf32>, vector<128x128xf32>, vector<128x128xf32>, vector<128x128xf32>, vector<128x128xf32>, vector<128x128xf32>, vector<128x128xf32>, vector<128x128xf32>, vector<128x128xf32>, vector<128x128xf32>, vector<128x128xf32>, vector<128x128xf32>, vector<128x128xf32>, vector<128x128xf32>, vector<128x128xf32>, vector<128x128xf32> -> vector<4096x128xf32>
    %swap3A = arith.constant 0 : index
    %swap3A_74 = arith.constant 0 : index
    %swap3A_75 = vector.load %arg4[%swap3A, %swap3A_74] : memref<4096x128xf32, #tpu.memory_space<vmem>>, vector<4096x128xf32>
    tpu.vector_store %arg4[%swap3A, %swap3A_74], %concatenate3A_73 {strides = array<i32>} : memref<4096x128xf32, #tpu.memory_space<vmem>>, vector<4096x128xf32>,
    return
  }
  func.func @transform_0(%arg0: i32) -> (i32, i32) {
    %c0_i32 = arith.constant 0 : i32
    %c0_i32_0 = arith.constant 0 : i32
    return %c0_i32, %arg0 : i32, i32
  }
  func.func @transform_1(%arg0: i32) -> (i32, i32) {
    %c0_i32 = arith.constant 0 : i32
    %c0_i32_0 = arith.constant 0 : i32
    return %c0_i32, %arg0 : i32, i32
  }
  func.func @transform_2(%arg0: i32) -> (i32, i32) {
    %c0_i32 = arith.constant 0 : i32
    %c0_i32_0 = arith.constant 0 : i32
    %c0_i32_1 = arith.constant 0 : i32
    return %c0_i32, %c0_i32_0 : i32, i32
  }
  func.func @transform_3(%arg0: i32) -> (i32, i32) {
    %c0_i32 = arith.constant 0 : i32
    %c0_i32_0 = arith.constant 0 : i32
    return %arg0, %c0_i32 : i32, i32
  }
}

</mosaic_0001>

<sc_bundles>
// kernel: kernel.5.cloned.1.call-start
scs
__scs_entry_jumppad:
0x0: {  	(pc) =	sbr.rel $0x88, $3  }
0x1: {  	(tag) =	ssettag $0x0;
	lr =	simm.s32 $0x1  }
0x2: {  	[smem:$0x3F9D] =	sst lr;
	_ =	strace $0xD0000000  }
0x3: {  	_ = 	snop  }
0x4: {  	_ = 	snop  }
0x5: {  	_ = 	snop  }
0x6: {  	_ = 	snop  }
0x7: {  	_ = 	snop  }
__scs_overlays_trampoline_lowered:
0x8: {  	[smem:$0x3FAC] =	sst s0  }
0x9: {  	[smem:$0x3FAD] =	sst s1  }
0xa: {  	[smem:$0x3FAE] =	sst s2  }
0xb: {  	[smem:$0x3FAF] =	sst s3  }
0xc: {  	[smem:$0x3FB0] =	sst s4  }
0xd: {  	[smem:$0x3FB1] =	sst s5  }
0xe: {  	[smem:$0x3FB2] =	sst s6  }
0xf: {  	[smem:$0x3FB3] =	sst s7  }
0x10: {  	[smem:$0x3FB4] =	sst s8  }
0x11: {  	[smem:$0x3FB5] =	sst s9;
	s0 =	simm.s32 @!p0 $0x0  }
0x12: {  	s1 =	sld [smem:$0x3F9B];
	s0 =	simm.s32 @p0 $0x1  }
0x13: {  	[smem:$0x3FB6] =	sst s0;
	s0 =	simm.s32 @!p1 $0x0  }
0x14: {  	s2 =	sld [smem:$0x3F9A];
	s0 =	simm.s32 @p1 $0x1  }
0x15: {  	[smem:$0x3FB7] =	sst s0;
	s0 =	simm.s32 @!p2 $0x0  }
0x16: {  	s3 =	sld [smem:$0x3FDB];
	s0 =	simm.s32 @p2 $0x1  }
0x17: {  	s4 =	simm.s32 $0x1BF5;
	[smem:$0x3FB9] =	sst s0  }
0x18: {  	s0 =	sld [smem:$0x3F9C];
	_ =	swait.ge [sflag:s4], $0x0  }
0x19: {  	s7 =	sld [smem:$0x3F9D]  }
0x1a: {  	s8 =	sadd.s32 $0xFFFFE003, lr  }
0x1b: {  	s9 =	sadd.s32 $0xFFFFFEF7, lr;
	s5 =	simm.s32 $0xFFFFFFFF;
	p2 =	slt.u32 s8, $0xFFFFF086  }
0x1c: {  	p1 =	slt.u32 s9, $0xF7A;
	s5 =	simm.s32 @!p2 $0x0  }
0x1d: {  	s5 =	simm.s32 @p1 $0x1;
	p0 =	seq.s32 s7, s2  }
0x1e: {  	s7 =	smul.u32 @!p0 $0xF7A, s2;
	p2 =	seq.s32 @!p0 s5, $0x0  }
0x1f: {  	s9 =	smul.u32 $0xF7A, s1;
	s8 =	simm.s32 @!p0 $0x1BF5;
	p2 =	por !p2, p0  }
0x20: {  	[sflag:s8] =	ssyncset.s32 @!p0 $0xFFFFF086;
	s6 =	sadd.s32 @!p0 s3, s7;
	s7 =	simm.s32 @!p0 $0x108  }
0x21: {  	s3 =	sadd.s32 s3, s9;
	s6 =	sadd.s32 @!p0 $0x88, s6;
	s7 =	simm.s32 @p2 $0x1082  }
0x22: {  	[simem:s7], [sflag:s8] =	dma.local @!p0 [hbm:s6], $0xF7A  }
0x23: {  	s9 =	sor.u32 $0xD0000000, s2;
	s6 =	simm.s32 $0x108;
	_ =	swait.ge @!p0 [sflag:s8], $0x0  }
0x24: {  	s3 =	sadd.s32 $0x88, s3;
	s6 =	simm.s32 @!p1 $0x1082;
	[sflag:s4] =	ssyncset.s32 $0xFFFFF086  }
0x25: {  	[simem:s6], [sflag:s4] =	dma.local [hbm:s3], $0xF7A  }
0x26: {  	[smem:$0x3F9D] =	sst s1;
	(tag) =	ssettag s2;
	_ =	strace s9  }
0x27: {  	s1 =	sld [smem:$0x3FAD]  }
0x28: {  	s2 =	sld [smem:$0x3FAE]  }
0x29: {  	s4 =	sld [smem:$0x3FB0]  }
0x2a: {  	p0 =	seq.s32 s5, $0x0;
	s5 =	sld [smem:$0x3FB1]  }
0x2b: {  	s6 =	sld [smem:$0x3FB2]  }
0x2c: {  	s7 =	sld [smem:$0x3FB3]  }
0x2d: {  	s3 =	simm.s32 $0x108;
	s8 =	sld [smem:$0x3FB4]  }
0x2e: {  	s3 =	simm.s32 @!p0 $0x1082;
	s9 =	sld [smem:$0x3FB5]  }
0x2f: {  	lr =	sadd.s32 s0, s3;
	s0 =	sld [smem:$0x3FAC]  }
0x30: {  	s3 =	sld [smem:$0x3FAF]  }
0x31: {  	[smem:$0x3FB8] =	sst s10  }
0x32: {  	s10 =	sld [smem:$0x3FB6];
	_ =	sdelay $0x3  }
0x33: {  	p0 =	seq.s32 s10, $0x1;
	s10 =	sld [smem:$0x3FB8];
	_ =	sdelay $0x3  }
0x34: {  	[smem:$0x3FB8] =	sst s10  }
0x35: {  	s10 =	sld [smem:$0x3FB7];
	_ =	sdelay $0x3  }
0x36: {  	p1 =	seq.s32 s10, $0x1;
	s10 =	sld [smem:$0x3FB8];
	_ =	sdelay $0x3  }
0x37: {  	[smem:$0x3FB8] =	sst s10  }
0x38: {  	s10 =	sld [smem:$0x3FB9]  }
0x39: {  	_ = 	snop;
	(pc) =	sbr.ind lr, $3  }
0x3a: {  	_ = 	snop  }
0x3b: {  	_ = 	snop  }
0x3c: {  	p2 =	seq.s32 s10, $0x1;
	s10 =	sld [smem:$0x3FB8]  }
0x3d: {  	_ =	shalt  }
0x3e: {  	_ =	shalt  }
0x3f: {  	_ =	shalt  }
0x40: {  	_ =	shalt  }
0x41: {  	_ =	shalt  }
0x42: {  	_ =	shalt  }
0x43: {  	_ =	shalt  }
0x44: {  	_ =	shalt  }
0x45: {  	_ =	shalt  }
0x46: {  	_ =	shalt  }
0x47: {  	_ =	shalt  }
0x48: {  	_ =	shalt  }
0x49: {  	_ =	shalt  }
0x4a: {  	_ =	shalt  }
0x4b: {  	_ =	shalt  }
0x4c: {  	_ =	shalt  }
0x4d: {  	_ =	shalt  }
0x4e: {  	_ =	shalt  }
0x4f: {  	_ =	shalt  }
0x50: {  	_ =	shalt  }
0x51: {  	_ =	shalt  }
0x52: {  	_ =	shalt  }
0x53: {  	_ =	shalt  }
0x54: {  	_ =	shalt  }
0x55: {  	_ =	shalt  }
0x56: {  	_ =	shalt  }
0x57: {  	_ =	shalt  }
0x58: {  	_ =	shalt  }
0x59: {  	_ =	shalt  }
0x5a: {  	_ =	shalt  }
0x5b: {  	_ =	shalt  }
0x5c: {  	_ =	shalt  }
0x5d: {  	_ =	shalt  }
0x5e: {  	_ =	shalt  }
0x5f: {  	_ =	shalt  }
0x60: {  	_ =	shalt  }
0x61: {  	_ =	shalt  }
0x62: {  	_ =	shalt  }
0x63: {  	_ =	shalt  }
0x64: {  	_ =	shalt  }
0x65: {  	_ =	shalt  }
0x66: {  	_ =	shalt  }
0x67: {  	_ =	shalt  }
0x68: {  	_ =	shalt  }
0x69: {  	_ =	shalt  }
0x6a: {  	_ =	shalt  }
0x6b: {  	_ =	shalt  }
0x6c: {  	_ =	shalt  }
0x6d: {  	_ =	shalt  }
0x6e: {  	_ =	shalt  }
0x6f: {  	_ =	shalt  }
0x70: {  	_ =	shalt  }
0x71: {  	_ =	shalt  }
0x72: {  	_ =	shalt  }
0x73: {  	_ =	shalt  }
0x74: {  	_ =	shalt  }
0x75: {  	_ =	shalt  }
0x76: {  	_ =	shalt  }
0x77: {  	_ =	shalt  }
0x78: {  	_ =	shalt  }
0x79: {  	_ =	shalt  }
0x7a: {  	_ =	shalt  }
0x7b: {  	_ =	shalt  }
0x7c: {  	_ =	shalt  }
0x7d: {  	_ =	shalt  }
0x7e: {  	_ =	shalt  }
0x7f: {  	_ =	shalt  }
0x80: {  	_ =	shalt  }
0x81: {  	_ =	shalt  }
0x82: {  	_ =	shalt  }
0x83: {  	_ =	shalt  }
0x84: {  	_ =	shalt  }
0x85: {  	_ =	shalt  }
0x86: {  	_ =	shalt  }
0x87: {  	_ =	shalt  }
.Lfunc_end0:
.L_simem_size_0:
called_computation_lowered:
.L_overlay_start_0:
0x88: {  	s2 =	sld [smem:$0x3FD9]  }
0x89: {  	s3 =	sld [smem:$0x3FFE];
	_ =	sdelay $0x1  }
0x8a: {  	s1 =	srdreg.scid  }
0x8b: {  	s0 =	sand.u32 $0x1, s1  }
0x8c: {  	s17 =	sshll.u32 s0, $0xA;
	s2 =	sadd.s32 s3, s2  }
0x8d: {  	s2 =	sadd.s32 s2, s17  }
0x8e: {  	[smem:$0x3FC4] =	sst s2  }
0x8f: {  	_ = 	snop  }
0x90: {  	s2 =	sld [smem:$0x3FD0];
	(tm) =	ssettm $0x1  }
0x91: {  	s18 =	sld [smem:$0x3FFB];
	_ =	sdelay $0x3  }
0x92: {  	_ =	strace s18  }
0x93: {  	s3 =	sld [smem:$0x3FFC];
	_ =	sdelay $0x3  }
0x94: {  	_ =	strace s3  }
0x95: {  	s3 =	sld [smem:$0x3FFD];
	_ =	sdelay $0x3  }
0x96: {  	_ =	strace s3  }
0x97: {  	_ =	strace $0x8FFFFFFF  }
0x98: {  	s19 =	sld [smem:$0x3FDB];
	_ =	sdelay $0x1  }
0x99: {  	s4 =	simm.s32 $_scs_section_size  }
0x9a: {  	s5 =	simm.s32 $_size__tile_overlayer_lowered;
	s6 =	simm.s32 $_tile_overlayer_lowered  }
0x9b: {  	s22 =	simm.s32 $0x1BFF;
	s21 =	sshll.u32 s6, $0x1;
	s3 =	sadd.s32 s4, s19  }
0x9c: {  	s7 =	simm.s32 $0x0;
	s20 =	sshll.u32 s5, $0x1;
	s5 =	sadd.s32 s21, s3  }
0x9d: {  	[timem:s7], [sflag:s22] =	dma.local [hbm:s5], s20  }
0x9e: {  	_ =	swait.ge [sflag:s22], s20  }
0x9f: {  	s4 =	ssub.s32 $0x0, s20;
	[sflag:s22] =	ssyncset.done $0x0  }
0xa0: {  	[sflag:s22] =	ssyncadd.s32 s4;
	_ =	sdelay $0x1  }
0xa1: {  	s23 =	simm.s32 $0x1B8B  }
0xa2: {  	_ =	swait.ge [sflag:s23], $0x1  }
0xa3: {  	[sflag:s23] =	ssyncset.done $0x0  }
0xa4: {  	s25 =	simm.s32 $0x1B8E;
	s24 =	sld [smem:$0x3FFE];
	[sflag:s23] =	ssyncadd.s32 $0xFFFFFFFF  }
0xa5: {  	s26 =	simm.s32 $execute0_lowered;
	[smem:$0x3FD2] =	sst s25  }
0xa6: {  	s5 =	sshll.u32 s26, $0x1;
	_ =	strace $0x80000046;
	[dreg:$0x1] =	wrdreg $0xFFFFFFFF  }
0xa7: {  	s28 =	simm.s32 $_size_execute0_lowered;
	s3 =	sadd.s32 s3, s5;
	[dreg:$0x0] =	wrdreg $0x0  }
0xa8: {  	s5 =	sshll.u32 s28, $0x1;
	[dreg:$0x2] =	wrdreg s3  }
0xa9: {  	[dreg:$0x3] =	wrdreg s5  }
0xaa: {  	[dreg:$0x4] =	wrdreg $0xC0  }
0xab: {  	_ =	task [dreg:s7], $0x5FFFF  }
0xac: {  	[dreg:$0x1] =	wrdreg $0xFFFFFFFF  }
0xad: {  	[dreg:$0x0] =	wrdreg $0x60  }
0xae: {  	[dreg:$0x2] =	wrdreg s24  }
0xaf: {  	[dreg:$0x3] =	wrdreg s2  }
0xb0: {  	[dreg:$0x4] =	wrdreg $0x9  }
0xb1: {  	_ =	task.clear_ibuf [dreg:s7], $0x5FFFF;
	_ =	strace $0x90000046  }
0xb2: {  	s29 =	simm.s32 $0x9;
	_ =	strace $0x80000048  }
0xb3: {  	_ =	swait.ge [sflag:s29], $0x1  }
0xb4: {  	[sflag:s29] =	ssyncadd.s32 $0xFFFFFFFF  }
0xb5: {  	_ =	strace $0x90000048  }
0xb6: {  	_ =	sfence  }
0xb7: {  	s30 =	sld [smem:$0x0];
	_ =	sdelay $0x2  }
0xb8: {  	s31 =	sshll.u32 s1, $0xD;
	s1 =	sshrl.u32 s1, $0x2  }
0xb9: {  	s3 =	sand.u32 $0x4000, s31;
	s1 =	sadd.s32 s1, s30  }
0xba: {  	s0 =	sor.u32 s3, s0;
	s1 =	sshll.u32 s1, $0x11  }
0xbb: {  	s0 =	sor.u32 s1, s0  }
0xbc: {  	s0 =	sadd.s32 $0x8F2B, s0  }
0xbd: {  	[sflag:s0] =	ssyncadd.remote.s32 $0x1  }
0xbe: {  	_ =	sfence.sel $0xFFFF  }
0xbf: {  	[dreg:$0x0] =	wrdreg $0xFFFFFFFF;
	(pc) =	sbr.abs _section_cstart, $3  }
0xc0: {  	[dreg:$0x1] =	wrdreg $0xFFFFFFFF  }
0xc1: {  	_ =	task.clear_ibuf [dreg:s7], $0x2FFFF;
	_ =	strace $0x9FFFFFFF  }
0xc2: {  	(tm) =	ssettm $0x7FFFFFFF  }
0xc3: {  	_ =	shalt  }
tec
execute0_lowered:
.L_overlay_start_1:
0x0: {  	(tag) =	ssettag $0x1  }
0x1: {  	s4 =	rddreg [dreg:$0x0]  }
0x2: {  	s5 =	rddreg [dreg:$0x1];
	s1 =	stileid.u32  }
0x3: {  	s2 =	srdreg.scid;
	s0 =	rddreg [dreg:$0x2]  }
0x4: {  	s12 =	simm.s32 $0x4;
	s13 =	simm.s32 $0x5;
	s7 =	smul.u32 $0x64000, s1  }
0x5: {  	s6 =	sand.u32 $0x1, s2;
	s3 =	sshll.u32 s1, $0x1;
	s9 =	smul.u32 $0x1900, s1  }
0x6: {  	s2 =	simm.s32 $0x0;
	s3 =	sor.u32 s6, s3;
	s11 =	smul.u32 $0xC80, s6  }
0x7: {  	[smem:$0x7FF] =	sst s2;
	s10 =	ssub.s32 $0x2, s6;
	s6 =	smul.u32 $0x32000, s6  }
0x8: {  	s14 =	simm.s32 $0x0;
	s8 =	smul.u32 $0xC80, s3;
	_ =	strace $0x80000047  }
0x9: {  	s3 =	sadd.s32 $0x600, s4;
	s7 =	sadd.s32 s7, s4;
	s29 =	sshrl.u32 s10, $0x1  }
0xa: {  	s30 =	sadd.s32 s9, s5;
	s9 =	simm.s32 $0x280;
	s10 =	ssub.s32 s10, s29  }
0xb: {  	s31 =	sadd.s32 s6, s7;
	s4 =	sadd.s32 s5, s8;
	s8 =	sadd.s32 s11, s30  }
0xc: {  	s6 =	smax.u32 s10, $0x1;
	s10 =	simm.s32 $0x80;
	s11 =	simm.s32 $0x3  }
0xd: {  	s5 =	sadd.s32 $0x50, s4;
	s7 =	sadd.s32 $0xA0, s8;
	s8 =	sadd.s32 $0x7B0600, s31  }
.LBB2_1:
0xe: {  	[tilespmem:s2], [sflag:$0x1] =	stream.linear.gather [hbm4b:s4+s2], $0x280, $0x38;
	[tilespmem:$0x14500] =	vst v63  }
0xf: {  	s15 =	smov.u32 s8;
	s16 =	smov.u32 s7;
	s17 =	simm.s32 $0x0  }
0x10: {  	[tilespmem:s9], [sflag:$0x2] =	stream.linear.gather [hbm4b:s5+s2], $0x280, $0x38;
	[tilespmem:$0x14500] =	vst v63  }
.LBB2_2:
0x11: {  	s18 =	sand.u32 $0x1, s17  }
0x12: {  	s19 =	sadd.s32 $0x1, s18  }
0x13: {  	s20 =	smul.u32 $0xA00, s18;
	_ =	swait.ge [sflag:s19], $0x280  }
0x14: {  	[sflag:s19] =	ssyncset.done $0x0  }
0x15: {  	s20 =	sshrl.u32 s20, $0x2;
	[sflag:s19] =	ssyncadd.s32 $0xFFFFFD80  }
0x16: {  	v0 =	vld [tilespmem:s20+$0x0]  }
0x17: {  	v1 =	vld [tilespmem:s20+$0x10]  }
0x18: {  	v3 =	vld [tilespmem:s20+$0x20]  }
0x19: {  	v5 =	vld [tilespmem:s20+$0x30]  }
0x1a: {  	v7 =	vld [tilespmem:s20+$0x40]  }
0x1b: {  	v12 =	vld [tilespmem:s20+$0x50]  }
0x1c: {  	v8 =	vld [tilespmem:s20+$0x60]  }
0x1d: {  	v16 =	vld [tilespmem:s20+$0x70]  }
0x1e: {  	v23 =	vld [tilespmem:s20+$0xA0]  }
0x1f: {  	v31 =	vld [tilespmem:s20+$0xD0];
	v2 =	vshll.u32 v0, $0x1;
	v4 =	vand.u32 $0xFFFFE000, v0;
	v0 =	vshrl.u32 v0, $0xC  }
0x20: {  	v39 =	vld [tilespmem:s20+$0x100];
	v62 =	vshll.u32 v1, $0x1;
	v6 =	vand.u32 $0xFFFFE000, v1;
	v1 =	vshrl.u32 v1, $0xC  }
0x21: {  	v47 =	vld [tilespmem:s20+$0x130];
	v9 =	vshll.u32 v3, $0x1;
	v10 =	vand.u32 $0xFFFFE000, v3;
	v3 =	vshrl.u32 v3, $0xC  }
0x22: {  	v11 =	vshll.u32 v5, $0x1;
	v13 =	vand.u32 $0xFFFFE000, v5;
	v14 =	vshrl.u32 v5, $0xC  }
0x23: {  	v15 =	vshll.u32 v7, $0x1;
	v17 =	vshll.u32 v12, $0x1;
	v18 =	vand.u32 $0xFFFFE000, v12  }
0x24: {  	v55 =	vld [tilespmem:s20+$0x160];
	v19 =	vshll.u32 v8, $0x1;
	v20 =	vand.u32 $0xFFFFE000, v8;
	v21 =	vshrl.u32 v8, $0xC  }
0x25: {  	v22 =	vshll.u32 v16, $0x1;
	v30 =	vshll.u32 v23, $0x1;
	v38 =	vshll.u32 v31, $0x1  }
0x26: {  	v46 =	vshll.u32 v39, $0x1;
	v54 =	vshll.u32 v47, $0x1;
	v2 =	vand.u32 $0x1FFE, v2  }
0x27: {  	v0 =	vand.u32 $0x1, v0;
	v63 =	vand.u32 $0x1, v1;
	v3 =	vand.u32 $0x1, v3  }
0x28: {  	v5 =	vand.u32 $0x1FFE, v15;
	v8 =	vand.u32 $0x1FFE, v22;
	v15 =	vand.u32 $0xFFFFE000, v23  }
0x29: {  	v2 =	vor.u32 v4, v2;
	v4 =	vand.u32 $0x1FFE, v62;
	v62 =	vshll.u32 v55, $0x1  }
0x2a: {  	v4 =	vor.u32 v6, v4;
	v1 =	vor.u32 v0, v2;
	v2 =	vand.u32 $0x1FFE, v9  }
0x2b: {  	v9 =	vand.u32 $0xFFFFE000, v7;
	v7 =	vshrl.u32 v7, $0xC;
	v6 =	vshrl.u32 v12, $0xC  }
0x2c: {  	v12 =	vand.u32 $0xFFFFE000, v16;
	v0 =	vor.u32 v63, v4;
	v2 =	vor.u32 v10, v2  }
0x2d: {  	v22 =	vld [tilespmem:s20+$0x140];
	v4 =	vand.u32 $0x1FFE, v11;
	v5 =	vor.u32 v9, v5;
	v7 =	vand.u32 $0x1, v7  }
0x2e: {  	v6 =	vand.u32 $0x1, v6;
	v9 =	vshrl.u32 v16, $0xC;
	v8 =	vor.u32 v12, v8  }
0x2f: {  	v12 =	vshrl.u32 v23, $0xC;
	v2 =	vor.u32 v3, v2;
	v3 =	vor.u32 v13, v4  }
0x30: {  	v4 =	vand.u32 $0x1, v14;
	v9 =	vand.u32 $0x1, v9;
	v12 =	vand.u32 $0x1, v12  }
0x31: {  	v10 =	vld [tilespmem:s20+$0x80];
	v4 =	vor.u32 v4, v3;
	v3 =	vor.u32 v7, v5;
	v5 =	vand.u32 $0x1FFE, v17  }
0x32: {  	v11 =	vld [tilespmem:s20+$0x90];
	v7 =	vand.u32 $0x1FFE, v19;
	v56 =	vshll.u32 v22, $0x1;
	v57 =	vand.u32 $0xFFFFE000, v22  }
0x33: {  	v16 =	vld [tilespmem:s20+$0xE0];
	v22 =	vshrl.u32 v22, $0xC;
	v5 =	vor.u32 v18, v5;
	v18 =	vand.u32 $0xFFFFE000, v31  }
0x34: {  	v23 =	vld [tilespmem:s20+$0x150];
	v5 =	vor.u32 v6, v5;
	v6 =	vor.u32 v20, v7;
	v7 =	vand.u32 $0x1, v21  }
0x35: {  	v58 =	vand.u32 $0x1, v22;
	v21 =	vand.u32 $0xFFFFE000, v39;
	v7 =	vor.u32 v7, v6  }
0x36: {  	v6 =	vor.u32 v9, v8;
	v24 =	vshll.u32 v10, $0x1;
	v25 =	vand.u32 $0xFFFFE000, v10  }
0x37: {  	v13 =	vld [tilespmem:s20+$0xB0];
	v10 =	vshrl.u32 v10, $0xC;
	v27 =	vshll.u32 v11, $0x1;
	v28 =	vand.u32 $0xFFFFE000, v11  }
0x38: {  	v14 =	vld [tilespmem:s20+$0xC0];
	v29 =	vshrl.u32 v11, $0xC;
	v11 =	vand.u32 $0x1FFE, v30;
	v40 =	vshll.u32 v16, $0x1  }
0x39: {  	v41 =	vand.u32 $0xFFFFE000, v16;
	v16 =	vshrl.u32 v16, $0xC;
	v59 =	vshll.u32 v23, $0x1  }
0x3a: {  	v60 =	vand.u32 $0xFFFFE000, v23;
	v61 =	vshrl.u32 v23, $0xC;
	v23 =	vand.u32 $0x1FFE, v62  }
0x3b: {  	v8 =	vand.u32 $0x1FFE, v24;
	v26 =	vand.u32 $0x1, v10;
	v10 =	vand.u32 $0x1FFE, v27  }
0x3c: {  	v11 =	vor.u32 v15, v11;
	v32 =	vshll.u32 v13, $0x1;
	v33 =	vand.u32 $0xFFFFE000, v13  }
0x3d: {  	v17 =	vld [tilespmem:s20+$0xF0];
	v13 =	vshrl.u32 v13, $0xC;
	v35 =	vshll.u32 v14, $0x1;
	v36 =	vand.u32 $0xFFFFE000, v14  }
0x3e: {  	v37 =	vshrl.u32 v14, $0xC;
	v14 =	vand.u32 $0x1FFE, v38;
	v15 =	vshrl.u32 v31, $0xC  }
0x3f: {  	v19 =	vld [tilespmem:s20+$0x110];
	v42 =	vand.u32 $0x1, v16;
	v24 =	vand.u32 $0xFFFFE000, v47;
	v22 =	vand.u32 $0x1FFE, v59  }
0x40: {  	v63 =	vld [tilespmem:s20+$0x190];
	v27 =	vand.u32 $0xFFFFE000, v55;
	v8 =	vor.u32 v25, v8;
	v9 =	vor.u32 v28, v10  }
0x41: {  	v10 =	vand.u32 $0x1, v29;
	v34 =	vand.u32 $0x1, v13;
	v13 =	vand.u32 $0x1FFE, v35  }
0x42: {  	v14 =	vor.u32 v18, v14;
	v15 =	vand.u32 $0x1, v15;
	v43 =	vshll.u32 v17, $0x1  }
0x43: {  	v44 =	vand.u32 $0xFFFFE000, v17;
	v45 =	vshrl.u32 v17, $0xC;
	v17 =	vand.u32 $0x1FFE, v46  }
0x44: {  	v18 =	vshrl.u32 v39, $0xC;
	v48 =	vshll.u32 v19, $0x1;
	v49 =	vand.u32 $0xFFFFE000, v19  }
0x45: {  	v19 =	vshrl.u32 v19, $0xC;
	v23 =	vor.u32 v27, v23;
	v39 =	vand.u32 $0xFFFFE000, v63  }
0x46: {  	v8 =	vor.u32 v26, v8;
	v10 =	vor.u32 v10, v9;
	v9 =	vor.u32 v12, v11  }
0x47: {  	v20 =	vld [tilespmem:s20+$0x120];
	v11 =	vand.u32 $0x1FFE, v32;
	v12 =	vor.u32 v36, v13;
	v13 =	vand.u32 $0x1, v37  }
0x48: {  	v16 =	vand.u32 $0x1FFE, v43;
	v17 =	vor.u32 v21, v17;
	v18 =	vand.u32 $0x1, v18  }
0x49: {  	v50 =	vand.u32 $0x1, v19;
	v21 =	vshrl.u32 v47, $0xC;
	v37 =	vshll.u32 v63, $0x1  }
0x4a: {  	v11 =	vor.u32 v33, v11;
	v13 =	vor.u32 v13, v12;
	v12 =	vor.u32 v15, v14  }
0x4b: {  	v14 =	vand.u32 $0x1FFE, v40;
	v15 =	vor.u32 v44, v16;
	v16 =	vand.u32 $0x1, v45  }
0x4c: {  	v51 =	vshll.u32 v20, $0x1;
	v52 =	vand.u32 $0xFFFFE000, v20;
	v53 =	vshrl.u32 v20, $0xC  }
0x4d: {  	v38 =	vld [tilespmem:s20+$0x1B0];
	v20 =	vand.u32 $0x1FFE, v54;
	v21 =	vand.u32 $0x1, v21;
	v40 =	vshrl.u32 v63, $0xC  }
0x4e: {  	v11 =	vor.u32 v34, v11;
	v14 =	vor.u32 v41, v14;
	v15 =	vor.u32 v16, v15  }
0x4f: {  	v16 =	vor.u32 v18, v17;
	v17 =	vand.u32 $0x1FFE, v48;
	v19 =	vand.u32 $0x1FFE, v51  }
0x50: {  	v25 =	vld [tilespmem:s20+$0x170];
	v20 =	vor.u32 v24, v20;
	v24 =	vshrl.u32 v55, $0xC;
	v14 =	vor.u32 v42, v14  }
0x51: {  	v17 =	vor.u32 v49, v17;
	v18 =	vor.u32 v52, v19;
	v19 =	vand.u32 $0x1, v53  }
0x52: {  	v24 =	vand.u32 $0x1, v24;
	v42 =	vand.u32 $0x1, v40;
	v49 =	vshll.u32 v38, $0x1  }
0x53: {  	v26 =	vld [tilespmem:s20+$0x180];
	v51 =	vand.u32 $0xFFFFE000, v38;
	v52 =	vshrl.u32 v38, $0xC;
	v17 =	vor.u32 v50, v17  }
0x54: {  	v18 =	vor.u32 v19, v18;
	v19 =	vor.u32 v21, v20;
	v20 =	vand.u32 $0x1FFE, v56  }
0x55: {  	v43 =	vld [tilespmem:s20+$0x1C0];
	v21 =	vor.u32 v60, v22;
	v22 =	vand.u32 $0x1, v61;
	v28 =	vshll.u32 v25, $0x1  }
0x56: {  	[tilespmem:s20+$0x50] =	vst v5;
	v29 =	vand.u32 $0xFFFFE000, v25;
	v25 =	vshrl.u32 v25, $0xC;
	v5 =	vand.u32 $0x1FFE, v49  }
0x57: {  	[tilespmem:s20+$0x0] =	vst v1;
	v20 =	vor.u32 v57, v20;
	v21 =	vor.u32 v22, v21;
	v22 =	vor.u32 v24, v23  }
0x58: {  	[tilespmem:s20+$0x10] =	vst v0;
	v33 =	vld [tilespmem:s20+$0x1A0];
	v23 =	vand.u32 $0x1FFE, v28;
	v31 =	vand.u32 $0x1, v25;
	v32 =	vshll.u32 v26, $0x1  }
0x59: {  	[tilespmem:s20+$0x30] =	vst v4;
	v34 =	vand.u32 $0xFFFFE000, v26;
	v36 =	vshrl.u32 v26, $0xC;
	v4 =	vor.u32 v51, v5  }
0x5a: {  	[tilespmem:s20+$0x20] =	vst v2;
	v54 =	vld [tilespmem:s20+$0x1E0];
	v53 =	vshll.u32 v43, $0x1;
	v55 =	vand.u32 $0xFFFFE000, v43;
	v56 =	vshrl.u32 v43, $0xC  }
0x5b: {  	[tilespmem:s20+$0x40] =	vst v3;
	v63 =	vld [tilespmem:s20+$0x200];
	v5 =	vand.u32 $0x1, v52;
	v20 =	vor.u32 v58, v20;
	v30 =	vor.u32 v29, v23  }
0x5c: {  	[tilespmem:s20+$0x60] =	vst v7;
	v35 =	vand.u32 $0x1FFE, v32;
	v23 =	vand.u32 $0x1FFE, v37;
	v2 =	vand.u32 $0x1, v36  }
0x5d: {  	[tilespmem:s20+$0x70] =	vst v6;
	v45 =	vshll.u32 v33, $0x1;
	v46 =	vand.u32 $0xFFFFE000, v33;
	v47 =	vshrl.u32 v33, $0xC  }
0x5e: {  	[tilespmem:s20+$0x80] =	vst v8;
	v7 =	vand.u32 $0x1FFE, v53;
	v57 =	vand.u32 $0x1, v56;
	v4 =	vor.u32 v5, v4  }
0x5f: {  	[tilespmem:s20+$0xF0] =	vst v15;
	v62 =	vshll.u32 v54, $0x1;
	v15 =	vand.u32 $0xFFFFE000, v54;
	v8 =	vshrl.u32 v54, $0xC  }
0x60: {  	[tilespmem:s20+$0xB0] =	vst v11;
	v50 =	vld [tilespmem:s20+$0x1D0];
	v28 =	vshll.u32 v63, $0x1;
	v29 =	vand.u32 $0xFFFFE000, v63;
	v11 =	vshrl.u32 v63, $0xC  }
0x61: {  	[tilespmem:s20+$0x90] =	vst v10;
	v0 =	vor.u32 v31, v30;
	v1 =	vor.u32 v34, v35;
	v41 =	vor.u32 v39, v23  }
0x62: {  	[tilespmem:s20+$0xA0] =	vst v9;
	v24 =	vld [tilespmem:s20+$0x210];
	v3 =	vand.u32 $0x1FFE, v45;
	v48 =	vand.u32 $0x1, v47;
	v7 =	vor.u32 v55, v7  }
0x63: {  	[tilespmem:s20+$0xC0] =	vst v13;
	v26 =	vld [tilespmem:s20+$0x220];
	v9 =	vand.u32 $0x1FFE, v62;
	v8 =	vand.u32 $0x1, v8;
	v30 =	vand.u32 $0x1, v11  }
0x64: {  	[tilespmem:s20+$0xD0] =	vst v12;
	v51 =	vld [tilespmem:s20+$0x270];
	v1 =	vor.u32 v2, v1;
	v44 =	vor.u32 v42, v41;
	v3 =	vor.u32 v46, v3  }
0x65: {  	[tilespmem:s20+$0x100] =	vst v16;
	v58 =	vld [tilespmem:s20+$0x1F0];
	v59 =	vor.u32 v57, v7;
	v3 =	vor.u32 v48, v3;
	v60 =	vshll.u32 v50, $0x1  }
0x66: {  	[tilespmem:s20+$0xE0] =	vst v14;
	v61 =	vand.u32 $0xFFFFE000, v50;
	v6 =	vshrl.u32 v50, $0xC;
	v7 =	vand.u32 $0x1FFE, v60  }
0x67: {  	[tilespmem:s20+$0x110] =	vst v17;
	v32 =	vld [tilespmem:s20+$0x230];
	v6 =	vand.u32 $0x1, v6;
	v31 =	vshll.u32 v24, $0x1;
	v33 =	vand.u32 $0xFFFFE000, v24  }
0x68: {  	[tilespmem:s20+$0x120] =	vst v18;
	v37 =	vld [tilespmem:s20+$0x240];
	v35 =	vshrl.u32 v24, $0xC;
	v36 =	vshll.u32 v26, $0x1;
	v38 =	vand.u32 $0xFFFFE000, v26  }
0x69: {  	[tilespmem:s20+$0x130] =	vst v19;
	v13 =	vshrl.u32 v26, $0xC;
	v60 =	vshll.u32 v51, $0x1;
	v62 =	vshrl.u32 v51, $0xC  }
0x6a: {  	[tilespmem:s20+$0x150] =	vst v21;
	v7 =	vor.u32 v61, v7;
	v23 =	vshll.u32 v58, $0x1;
	v25 =	vand.u32 $0xFFFFE000, v58  }
0x6b: {  	[tilespmem:s20+$0x160] =	vst v22;
	v10 =	vshrl.u32 v58, $0xC;
	v11 =	vand.u32 $0x1FFE, v31;
	v39 =	vand.u32 $0x1, v35  }
0x6c: {  	[tilespmem:s20+$0x140] =	vst v20;
	v47 =	vld [tilespmem:s20+$0x260];
	v40 =	vand.u32 $0x1, v13;
	v42 =	vshll.u32 v32, $0x1;
	v43 =	vand.u32 $0xFFFFE000, v32  }
0x6d: {  	[tilespmem:s20+$0x190] =	vst v44;
	v44 =	vshrl.u32 v32, $0xC;
	v46 =	vshll.u32 v37, $0x1;
	v48 =	vand.u32 $0xFFFFE000, v37  }
0x6e: {  	[tilespmem:s20+$0x1B0] =	vst v4;
	v49 =	vshrl.u32 v37, $0xC;
	v61 =	vand.u32 $0xFFFFE000, v51;
	v6 =	vor.u32 v6, v7  }
0x6f: {  	[tilespmem:s20+$0x170] =	vst v0;
	v41 =	vld [tilespmem:s20+$0x250];
	v7 =	vor.u32 v15, v9;
	v9 =	vand.u32 $0x1FFE, v23;
	v10 =	vand.u32 $0x1, v10  }
0x70: {  	[tilespmem:s20+$0x180] =	vst v1;
	v34 =	vor.u32 v33, v11;
	v11 =	vand.u32 $0x1FFE, v36;
	v2 =	vand.u32 $0x1FFE, v42  }
0x71: {  	[tilespmem:s20+$0x1C0] =	vst v59;
	v45 =	vand.u32 $0x1, v44;
	v4 =	vand.u32 $0x1FFE, v46;
	v57 =	vshll.u32 v47, $0x1  }
0x72: {  	[tilespmem:s20+$0x1A0] =	vst v3;
	v58 =	vand.u32 $0xFFFFE000, v47;
	v5 =	vshrl.u32 v47, $0xC;
	v9 =	vor.u32 v25, v9  }
0x73: {  	v7 =	vor.u32 v8, v7;
	v1 =	vor.u32 v38, v11;
	v0 =	vor.u32 v39, v34;
	[tilespmem:s20+$0x1D0] =	vst v6  }
0x74: {  	v2 =	vor.u32 v43, v2;
	v3 =	vor.u32 v48, v4;
	v50 =	vshll.u32 v41, $0x1;
	[tilespmem:s20+$0x1E0] =	vst v7  }
0x75: {  	v52 =	vand.u32 $0xFFFFE000, v41;
	v53 =	vshrl.u32 v41, $0xC;
	v27 =	vor.u32 v10, v9;
	[tilespmem:s20+$0x210] =	vst v0  }
0x76: {  	v4 =	vand.u32 $0x1, v49;
	v59 =	vand.u32 $0x1, v5;
	v1 =	vor.u32 v40, v1;
	[tilespmem:s20+$0x1F0] =	vst v27  }
0x77: {  	v9 =	vand.u32 $0x1FFE, v28;
	v2 =	vor.u32 v45, v2;
	v6 =	vand.u32 $0x1FFE, v50;
	[tilespmem:s20+$0x220] =	vst v1  }
0x78: {  	v54 =	vand.u32 $0x1, v53;
	v55 =	vor.u32 v4, v3;
	v9 =	vor.u32 v29, v9;
	[tilespmem:s20+$0x230] =	vst v2  }
0x79: {  	v4 =	vand.u32 $0x1FFE, v57;
	v6 =	vor.u32 v52, v6;
	[tilespmem:s20+$0x240] =	vst v55;
	v9 =	vor.u32 v30, v9  }
0x7a: {  	v1 =	vor.u32 v58, v4;
	v4 =	vand.u32 $0x1FFE, v60;
	v56 =	vor.u32 v54, v6;
	[tilespmem:s20+$0x200] =	vst v9  }
0x7b: {  	v63 =	vand.u32 $0x1, v62;
	v1 =	vor.u32 v59, v1;
	v0 =	vor.u32 v61, v4;
	[tilespmem:s20+$0x250] =	vst v56  }
0x7c: {  	p0 =	slt.u32 s17, $0x2;
	[tilespmem:s20+$0x260] =	vst v1;
	v0 =	vor.u32 v63, v0  }
0x7d: {  	s21 =	sor.u32 @!p0 $0x4, s18;
	s22 =	smul.u32 $0x28000, s18;
	[tilespmem:s20+$0x270] =	vst v0  }
0x7e: {  	_ =	swait.ge @!p0 [sflag:s21], $0xA000  }
0x7f: {  	s22 =	sshrl.u32 s22, $0x2;
	[sflag:s21] =	ssyncset.done @!p0 $0x0  }
0x80: {  	s25 =	sor.u32 $0x500, s22;
	[sflag:s21] =	ssyncadd.s32 @!p0 $0xFFFF6000  }
0x81: {  	[tilespmem:s25], [sflag:$0x3] =	stream.indirect.gather [hbm4b:s3+s10], $0x40, s20, s10, $0xb8;
	[tilespmem:$0x14500] =	vst v63  }
0x82: {  	s23 =	sadd.s32 $0x80, s20;
	s24 =	sadd.s32 $0x2500, s22  }
0x83: {  	[tilespmem:s24], [sflag:$0x3] =	stream.indirect.gather [hbm4b:s3+s10], $0x40, s23, s10, $0xb8;
	[tilespmem:$0x14500] =	vst v63  }
0x84: {  	s26 =	sadd.s32 $0x100, s20;
	s28 =	sadd.s32 $0x4500, s22  }
0x85: {  	[tilespmem:s28], [sflag:$0x3] =	stream.indirect.gather [hbm4b:s3+s10], $0x40, s26, s10, $0xb8;
	[tilespmem:$0x14500] =	vst v63  }
0x86: {  	s29 =	sadd.s32 $0x180, s20;
	s30 =	sadd.s32 $0x6500, s22  }
0x87: {  	[tilespmem:s30], [sflag:$0x3] =	stream.indirect.gather [hbm4b:s3+s10], $0x40, s29, s10, $0xb8;
	[tilespmem:$0x14500] =	vst v63  }
0x88: {  	s31 =	sadd.s32 $0x200, s20;
	s22 =	sadd.s32 $0x8500, s22  }
0x89: {  	[tilespmem:s22], [sflag:$0x3] =	stream.indirect.gather [hbm4b:s3+s10], $0x40, s31, s10, $0xb8;
	[tilespmem:$0x14500] =	vst v63  }
0x8a: {  	_ =	swait.ge [sflag:s11], $0x2000  }
0x8b: {  	[sflag:s11] =	ssyncset.done $0x0  }
0x8c: {  	[sflag:s11] =	ssyncadd.s32 $0xFFFFE000  }
0x8d: {  	_ =	swait.ge [sflag:s11], $0x2000  }
0x8e: {  	[sflag:s11] =	ssyncset.done $0x0  }
0x8f: {  	[sflag:s11] =	ssyncadd.s32 $0xFFFFE000  }
0x90: {  	_ =	swait.ge [sflag:s11], $0x2000  }
0x91: {  	[sflag:s11] =	ssyncset.done $0x0  }
0x92: {  	[sflag:s11] =	ssyncadd.s32 $0xFFFFE000  }
0x93: {  	_ =	swait.ge [sflag:s11], $0x2000  }
0x94: {  	[sflag:s11] =	ssyncset.done $0x0  }
0x95: {  	[sflag:s11] =	ssyncadd.s32 $0xFFFFE000  }
0x96: {  	_ =	swait.ge [sflag:s11], $0x2000  }
0x97: {  	p0 =	sgt.u32 s17, $0x25;
	[sflag:s11] =	ssyncset.done $0x0  }
0x98: {  	s17 =	sadd.s32 $0x1, s17;
	s22 =	simm.s32 @!p0 $0x0;
	[sflag:s11] =	ssyncadd.s32 $0xFFFFE000  }
0x99: {  	[tilespmem:s20], [sflag:s19] =	stream.linear.gather @!p0 [hbm4b:s16+s22], $0x280, $0x38;
	[tilespmem:$0x14500] =	vst v63  }
0x9a: {  	p0 =	sne.s32 s17, $0x28  }
.Ltmp0:
0x9b: {  	_ = 	snop;
	(pc) =	sbr.rel @p0 .LBB2_2-.Ltmp0, $4  }
0x9c: {  	_ = 	snop  }
0x9d: {  	s18 =	sor.u32 $0x4, s18  }
0x9e: {  	[hbm4b:s15+s2] =	stream.linear.scatter [tilespmem:s25], [sflag:s18], $0xA000, $0x38;
	[tilespmem:$0x14500] =	vst v63  }
0x9f: {  	s16 =	sadd.s32 $0x50, s16;
	s15 =	sadd.s32 $0x1400, s15  }
0xa0: {  	s14 =	sadd.s32 $0x1, s14  }
0xa1: {  	_ =	swait.ge [sflag:s12], $0xA000;
	p0 =	sne.s32 s14, s6  }
.Ltmp1:
0xa2: {  	[sflag:s12] =	ssyncset.done $0x0;
	(pc) =	sbr.rel @p0 .LBB2_1-.Ltmp1, $4  }
0xa3: {  	[sflag:s12] =	ssyncadd.s32 $0xFFFF6000  }
0xa4: {  	_ =	swait.ge [sflag:s13], $0xA000  }
0xa5: {  	[sflag:s13] =	ssyncset.done $0x0  }
0xa6: {  	[sflag:s13] =	ssyncadd.s32 $0xFFFF6000  }
0xa7: {  	_ =	sfence.sel $0x180000  }
0xa8: {  	[bflag:$0x0] =	sbarrier.arrive $0xFFFF  }
0xa9: {  	p0 =	sne.s32 s1, $0x0;
	_ =	strace $0x90000047  }
0xaa: {  	s0 =	sadd.s32 @!p0 $0x100000, s0;
	[bflag:$0x2] =	sbarrier.arrive $0xFFFF  }
0xab: {  	[sflag:s0] =	ssyncadd.tile.s32 @!p0 $0x1;
	_ =	shalt  }
.Lfunc_end2:
_tile_overlayer_lowered:
.L_overlay_start_2:
0xac: {  	(tag) =	ssettag $0x2  }
0xad: {  	s0 =	rddreg [dreg:$0x0];
	s2 =	stileid.u32  }
0xae: {  	s1 =	rddreg [dreg:$0x1];
	p0 =	sne.s32 s2, $0x0  }
0xaf: {  	s3 =	rddreg [dreg:$0x2];
	[bflag:$0x3] =	sbarrier.arrive $0xFFFF;
	s2 =	simm.s32 @!p0 $0x1C06  }
0xb0: {  	[timem:s3], [sflag:s2] =	dma.local @!p0 [hbm:s0], s1  }
0xb1: {  	s0 =	simm.s32 @!p0 $0x6  }
0xb2: {  	_ =	swait.ge @!p0 [sflag:s0], s1  }
0xb3: {  	s1 =	ssub.s32 @!p0 $0x0, s1;
	[sflag:s0] =	ssyncset.done @!p0 $0x0  }
0xb4: {  	[sflag:s0] =	ssyncadd.s32 @!p0 s1  }
0xb5: {  	[bflag:$0x3] =	sbarrier.arrive $0xFFFF  }
0xb6: {  	_ =	shalt  }

</sc_bundles>
